<compile_context>
chip_gen: v7x
topology: tpu7x:2x2x1
jax: 0.10.2.dev20260603
libtpu: 0.0.44.dev20260713+nightly
codegen_flags: <defaults>
</compile_context>

<pallas_src>
import jax
import jax.numpy as jnp
from jax import lax
from jax.experimental import pallas as pl
from jax.experimental.pallas import tpu as pltpu
from jax.experimental.pallas import tpu_sc as plsc

N = 10000
E = 160000
F = 16
ED = 4
NG = 8
NC = 2
NS = 16
NW = NC * NS
CH = 128
NCH = 40
EPW = NCH * CH
EP = NW * EPW
ACC_N = 10240
RPT = ACC_N // NS
EB = 16384

_mesh = plsc.VectorSubcoreMesh(
    core_axis_name="c", subcore_axis_name="s", num_cores=NC, num_subcores=NS)
_sc_params = pltpu.CompilerParams(use_tc_tiling_on_sc=False)


def _wid():
    return lax.axis_index("s") * NC + lax.axis_index("c")



def _gather_body(x_hbm, idx_hbm, out_hbm, idx_v, rows_v, sem):
    w = _wid()
    base = w * EPW
    pltpu.sync_copy(idx_hbm.at[w], idx_v)

    def fire(ci, carry):
        pltpu.async_copy(x_hbm.at[idx_v.at[ci]],
                         rows_v.at[pl.ds(ci * CH, CH)], sem)
        return carry

    lax.fori_loop(0, NCH, fire, 0)
    pltpu.make_async_copy(out_hbm.at[pl.ds(base, EPW)], rows_v, sem).wait()
    pltpu.sync_copy(rows_v, out_hbm.at[pl.ds(base, EPW)])


_gather = pl.kernel(
    _gather_body,
    out_type=jax.ShapeDtypeStruct((EP, F), jnp.float32),
    mesh=_mesh,
    scratch_types=[
        pltpu.VMEM((NCH, CH), jnp.int32),
        pltpu.VMEM((EPW, F), jnp.float32),
        pltpu.SemaphoreType.DMA,
    ],
    compiler_params=_sc_params,
)



def _scatter_body(m_hbm, idx_hbm, zeros_hbm, out_hbm, idx_v, rows_v, acc,
                  sem):
    cid = lax.axis_index("c")
    sid = lax.axis_index("s")
    w = _wid()
    pltpu.sync_copy(zeros_hbm.at[pl.ds(sid * RPT, RPT)],
                    acc.at[pl.ds(sid * RPT, RPT)])
    pltpu.sync_copy(idx_hbm.at[w], idx_v)
    base = w * EPW
    pltpu.sync_copy(m_hbm.at[pl.ds(base, EPW)], rows_v)
    plsc.subcore_barrier()

    def fire(ci, carry):
        pltpu.async_copy(rows_v.at[pl.ds(ci * CH, CH)],
                         acc.at[idx_v.at[ci]], sem, add=True)
        return carry

    lax.fori_loop(0, NCH, fire, 0)
    pltpu.make_async_copy(m_hbm.at[pl.ds(base, EPW)], rows_v, sem).wait()
    plsc.subcore_barrier()
    pltpu.sync_copy(acc.at[pl.ds(sid * RPT, RPT)],
                    out_hbm.at[cid, pl.ds(sid * RPT, RPT)])


_scatter = pl.kernel(
    _scatter_body,
    out_type=jax.ShapeDtypeStruct((NC, ACC_N, F), jnp.float32),
    mesh=_mesh,
    scratch_types=[
        pltpu.VMEM((NCH, CH), jnp.int32),
        pltpu.VMEM((EPW, F), jnp.float32),
        pltpu.VMEM_SHARED((ACC_N, F), jnp.float32),
        pltpu.SemaphoreType.DMA,
    ],
    compiler_params=_sc_params,
)



def _count_body(idx_hbm, zeros_hbm, onepat_hbm, out_hbm, idx_v, obuf, acc,
                sem):
    cid = lax.axis_index("c")
    sid = lax.axis_index("s")
    w = _wid()
    pltpu.sync_copy(zeros_hbm.at[pl.ds(sid * RPT, RPT)],
                    acc.at[pl.ds(sid * RPT, RPT)])
    pltpu.sync_copy(idx_hbm.at[w], idx_v)
    pltpu.sync_copy(onepat_hbm, obuf)
    plsc.subcore_barrier()

    def fire(ci, carry):
        pltpu.async_copy(obuf, acc.at[idx_v.at[ci]], sem, add=True)
        return carry

    lax.fori_loop(0, NCH, fire, 0)

    def drain(ci, carry):
        pltpu.make_async_copy(onepat_hbm, obuf, sem).wait()
        return carry

    lax.fori_loop(0, NCH, drain, 0)
    plsc.subcore_barrier()
    pltpu.sync_copy(acc.at[pl.ds(sid * RPT, RPT)],
                    out_hbm.at[cid, pl.ds(sid * RPT, RPT)])


_count = pl.kernel(
    _count_body,
    out_type=jax.ShapeDtypeStruct((NC, ACC_N, F), jnp.float32),
    mesh=_mesh,
    scratch_types=[
        pltpu.VMEM((NCH, CH), jnp.int32),
        pltpu.VMEM((CH, F), jnp.float32),
        pltpu.VMEM_SHARED((ACC_N, F), jnp.float32),
        pltpu.SemaphoreType.DMA,
    ],
    compiler_params=_sc_params,
)



def _edge_body(xj_ref, ea_ref, bdw1_ref, b1t_ref, bdw2_ref, b2t_ref, bdr_ref,
               bds_ref, m_ref):
    i = pl.program_id(0)
    prow = (lax.broadcasted_iota(jnp.int32, (EB // 8, 128), 0)
            + i * (EB // 8))
    xjp = jnp.where(prow < E // 8, xj_ref[...], 0.0)
    hp32 = jnp.maximum(ea_ref[...] @ bdw1_ref[...] + b1t_ref[...], 0.0)
    hp8 = jnp.reshape(hp32, (EB // 8, 256))
    wep8 = hp8 @ bdw2_ref[...] + b2t_ref[...]
    x2p8 = xjp @ bdr_ref[...]
    m_ref[...] = (x2p8 * wep8) @ bds_ref[...]


def _edge(xj, ea, bdw1, b1t, bdw2, b2t, bdr, bds):
    return pl.pallas_call(
        _edge_body,
        grid=(EP // EB,),
        in_specs=[
            pl.BlockSpec((EB // 8, 128), lambda i: (i, 0)),
            pl.BlockSpec((EB * ED // 128, 128), lambda i: (i, 0)),
            pl.BlockSpec((128, 1024), lambda i: (0, 0)),
            pl.BlockSpec((1, 1024), lambda i: (0, 0)),
            pl.BlockSpec((256, 2048), lambda i: (0, 0)),
            pl.BlockSpec((1, 2048), lambda i: (0, 0)),
            pl.BlockSpec((128, 2048), lambda i: (0, 0)),
            pl.BlockSpec((2048, 128), lambda i: (0, 0)),
        ],
        out_specs=pl.BlockSpec((EB // 8, 128), lambda i: (i, 0)),
        out_shape=jax.ShapeDtypeStruct((EP * F // 128, 128), jnp.float32),
    )(xj, ea, bdw1, b1t, bdw2, b2t, bdr, bds)



def _fin_body(x_ref, parts_ref, cnt_ref, root_ref, bias_ref, o_ref):
    s = parts_ref[0, :N, :] + parts_ref[1, :N, :]
    c0 = cnt_ref[0, :N, 0:1] + cnt_ref[1, :N, 0:1]
    agg = s / jnp.maximum(c0, 1.0)
    o_ref[...] = jnp.maximum(
        agg + x_ref[...] @ root_ref[...] + bias_ref[...], 0.0)


def _finalize(x, parts, cnt, root, bias):
    return pl.pallas_call(
        _fin_body,
        out_shape=jax.ShapeDtypeStruct((N, F), jnp.float32),
    )(x, parts, cnt, root, bias)



def _pool_body(x_ref, b_ref, w1_ref, b1_ref, w2_ref, b2_ref, o_ref):
    xv = x_ref[...]
    oh = (b_ref[...] == lax.broadcasted_iota(jnp.int32, (1, NG), 1)
          ).astype(jnp.float32)
    ps = lax.dot_general(oh, xv, (((0,), (0,)), ((), ())))
    pc = lax.dot_general(oh, jnp.ones((N, 1), jnp.float32),
                         (((0,), (0,)), ((), ())))
    p = ps / jnp.maximum(pc, 1.0)
    h = jnp.maximum(p @ w1_ref[...] + b1_ref[...], 0.0)
    o_ref[...] = h @ w2_ref[...] + b2_ref[...]


def _pool(x, batch2d, w1, b1, w2, b2):
    return pl.pallas_call(
        _pool_body,
        out_shape=jax.ShapeDtypeStruct((NG, 2), jnp.float32),
    )(x, batch2d, w1, b1, w2, b2)



def kernel(x, edge_index, edge_attr, batch,
           en1_w1, en1_b1, en1_w2, en1_b2, root1, bias1,
           en2_w1, en2_b1, en2_w2, en2_b2, root2, bias2,
           en3_w1, en3_b1, en3_w2, en3_b2, root3, bias3,
           cls_w1, cls_b1, cls_w2, cls_b2):
    pad = EP - E
    src = jnp.concatenate(
        [edge_index[0], jnp.zeros((pad,), jnp.int32)]).reshape(NW, NCH, CH)
    dst = jnp.concatenate(
        [edge_index[1], jnp.full((pad,), N, jnp.int32)]).reshape(NW, NCH, CH)
    ea = jnp.concatenate(
        [edge_attr.reshape(E * ED // 128, 128),
         jnp.zeros((pad * ED // 128, 128), jnp.float32)])
    zeros_acc = jnp.zeros((ACC_N, F), jnp.float32)
    onepat = jnp.zeros((CH, F), jnp.float32).at[:, 0].set(1.0)
    eye8 = jnp.eye(8, dtype=jnp.float32)
    rm = jnp.repeat(jnp.eye(F, dtype=jnp.float32), F, axis=1)
    sm = jnp.tile(jnp.eye(F, dtype=jnp.float32), (F, 1))
    bdr = jnp.kron(eye8, rm)
    bds = jnp.kron(eye8, sm)

    cnt = _count(dst, zeros_acc, onepat)

    xc = x
    layers = [
        (en1_w1, en1_b1, en1_w2, en1_b2, root1, bias1),
        (en2_w1, en2_b1, en2_w2, en2_b2, root2, bias2),
        (en3_w1, en3_b1, en3_w2, en3_b2, root3, bias3),
    ]
    for w1, b1, w2, b2, root, bias in layers:
        bdw1 = jnp.kron(jnp.eye(32, dtype=jnp.float32), w1)
        bdw2 = jnp.kron(eye8, w2)
        b1t = jnp.tile(b1, 32).reshape(1, 1024)
        b2t = jnp.tile(b2, 8).reshape(1, 2048)
        xj = _gather(xc, src).reshape(EP * F // 128, 128)
        m = _edge(xj, ea, bdw1, b1t, bdw2, b2t, bdr, bds)
        parts = _scatter(m.reshape(EP, F), dst, zeros_acc)
        xc = _finalize(xc, parts, cnt, root, bias.reshape(1, F))

    return _pool(xc, batch.reshape(N, 1), cls_w1, cls_b1.reshape(1, NG),
                 cls_w2, cls_b2.reshape(1, 2))

# --- scband reference (transcript-rebuilt; emitter-appended) ---
"""Pipeline reference for scband-nnconv-classifier-5660766896564 (READ-ONLY COPY).

The authoritative reference and input builder live on the scoring server;
editing this copy changes nothing except your own understanding.
"""

import jax, jax.numpy as jnp
import numpy as np

N = 10000
E = 160000
IN = 16
H = 16
ED = 4
NG = 8


def _rn(key, shape, scale=0.1):
    return jax.random.normal(key, shape, dtype=jnp.float32) * scale


def setup_inputs(seed: int = 0):
    key = jax.random.key(seed)
    ks = jax.random.split(key, 40)
    inp = {}
    inp["x"] = jax.random.normal(ks[0], (N, IN), dtype=jnp.float32)
    inp["edge_index"] = jax.random.randint(ks[1], (2, E), 0, N, dtype=jnp.int32)
    inp["edge_attr"] = jax.random.normal(ks[2], (E, ED), dtype=jnp.float32)
    inp["batch"] = jnp.sort(jax.random.randint(ks[3], (N,), 0, NG, dtype=jnp.int32))
    i = 4
    for l, (ic, oc) in enumerate([(IN, H), (H, H), (H, H)], start=1):
        inp[f"en{l}_w1"] = _rn(ks[i], (ED, 32)); i += 1
        inp[f"en{l}_b1"] = _rn(ks[i], (32,)); i += 1
        inp[f"en{l}_w2"] = _rn(ks[i], (32, ic * oc)); i += 1
        inp[f"en{l}_b2"] = _rn(ks[i], (ic * oc,)); i += 1
        inp[f"root{l}"] = _rn(ks[i], (ic, oc)); i += 1
        inp[f"bias{l}"] = _rn(ks[i], (oc,)); i += 1
    inp["cls_w1"] = _rn(ks[i], (H, H // 2)); i += 1
    inp["cls_b1"] = _rn(ks[i], (H // 2,)); i += 1
    inp["cls_w2"] = _rn(ks[i], (H // 2, 2)); i += 1
    inp["cls_b2"] = _rn(ks[i], (2,)); i += 1
    return inp


def _nnconv(x, src, dst, edge_attr, w1, b1, w2, b2, root, bias, ic, oc):
    # edge MLP: edge_attr -> per-edge weight matrix [E, ic, oc]
    h = jax.nn.relu(edge_attr @ w1 + b1)
    We = (h @ w2 + b2).reshape(-1, ic, oc)
    # message: m_ij = x_j @ W_e  (gather source features)
    xj = x[src]
    m = jnp.einsum('ei,eio->eo', xj, We)
    # mean aggregation at destination nodes (scatter-add + degree normalize)
    s = jax.ops.segment_sum(m, dst, num_segments=N)
    cnt = jax.ops.segment_sum(jnp.ones((m.shape[0],), dtype=jnp.float32), dst, num_segments=N)
    agg = s / jnp.clip(cnt, 1.0)[:, None]
    # root weight + bias (PyG NNConv defaults: root_weight=True, bias=True)
    return agg + x @ root + bias


def reference(x, edge_index, edge_attr, batch,
              en1_w1, en1_b1, en1_w2, en1_b2, root1, bias1,
              en2_w1, en2_b1, en2_w2, en2_b2, root2, bias2,
              en3_w1, en3_b1, en3_w2, en3_b2, root3, bias3,
              cls_w1, cls_b1, cls_w2, cls_b2):
    src, dst = edge_index[0], edge_index[1]
    x = jax.nn.relu(_nnconv(x, src, dst, edge_attr, en1_w1, en1_b1, en1_w2, en1_b2, root1, bias1, IN, H))
    # dropout is identity in eval mode
    x = jax.nn.relu(_nnconv(x, src, dst, edge_attr, en2_w1, en2_b1, en2_w2, en2_b2, root2, bias2, H, H))
    x = jax.nn.relu(_nnconv(x, src, dst, edge_attr, en3_w1, en3_b1, en3_w2, en3_b2, root3, bias3, H, H))
    # global mean pool over graphs in the batch
    ps = jax.ops.segment_sum(x, batch, num_segments=NG)
    pc = jax.ops.segment_sum(jnp.ones((N,), dtype=jnp.float32), batch, num_segments=NG)
    p = ps / jnp.clip(pc, 1.0)[:, None]
    h = jax.nn.relu(p @ cls_w1 + cls_b1)
    return h @ cls_w2 + cls_b2

if __name__ == "__main__":
    import jax
    _d = setup_inputs()
    print(jax.jit(kernel)(*tuple(_d.values())))

</pallas_src>

<mosaic_0001>
#map = affine_map<(d0, d1) -> (0, 0)>
#map1 = affine_map<(d0, d1) -> (0, 0, 0)>
module attributes {stable_mosaic.version = 14 : i64} {
  func.func @_gather_body(%arg0: i32, %arg1: i32, %arg2: memref<10000x16xf32, #tpu.memory_space<hbm>>, %arg3: memref<32x40x128xi32, #tpu.memory_space<hbm>>, %arg4: memref<163840x16xf32, #tpu.memory_space<hbm>>, %arg5: memref<40x128xi32, #tpu.memory_space<vmem>>, %arg6: memref<5120x16xf32, #tpu.memory_space<vmem>>, %arg7: memref<!tpu.dma_semaphore, #tpu.memory_space<semaphore_mem>>) attributes {dimension_semantics = [#tpu.dimension_semantics<core_parallel>, #tpu.dimension_semantics<subcore_parallel>], iteration_bounds = array<i64: 2, 16>, scalar_prefetch = 0 : i64, scratch_operands = 3 : i64, tpu.core_type = #tpu.core_type<sc_vector_subcore>, window_params = [{transform_indices = #map}, {transform_indices = #map1}, {transform_indices = #map}]} {
    %mul3A = arith.constant 2 : i32
    %mul3A_0 = arith.muli %arg1, %mul3A : i32
    %add3A = arith.addi %mul3A_0, %arg0 : i32
    %mul3A_1 = arith.constant 5120 : i32
    %mul3A_2 = arith.muli %add3A, %mul3A_1 : i32
    "tpu.region"() ({
      %run_scoped3A = tpu.sem_alloc : memref<!tpu.dma_semaphore, #tpu.memory_space<semaphore_mem>>
      %dma_start3A = arith.constant 0 : i32
      %dma_start3A_11 = arith.constant 0 : i32
      %dma_start3A_12 = tpu.memref_slice %arg3[%add3A, %dma_start3A, %dma_start3A_11] : memref<32x40x128xi32, #tpu.memory_space<hbm>> -> memref<1x40x128xi32, #tpu.memory_space<hbm>>
      %dma_start3A_13 = tpu.memref_squeeze %dma_start3A_12 : memref<1x40x128xi32, #tpu.memory_space<hbm>> -> memref<40x128xi32, #tpu.memory_space<hbm>>
      %dma_start3A_14 = arith.constant 0 : i32
      %dma_start3A_15 = arith.constant 0 : i32
      %dma_start3A_16 = tpu.memref_slice %arg3[%add3A, %dma_start3A_14, %dma_start3A_15] : memref<32x40x128xi32, #tpu.memory_space<hbm>> -> memref<1x40x128xi32, #tpu.memory_space<hbm>>
      %dma_start3A_17 = tpu.memref_squeeze %dma_start3A_16 : memref<1x40x128xi32, #tpu.memory_space<hbm>> -> memref<40x128xi32, #tpu.memory_space<hbm>>
      tpu.enqueue_dma source(%dma_start3A_17 : memref<40x128xi32, #tpu.memory_space<hbm>>) target(%arg5 : memref<40x128xi32, #tpu.memory_space<vmem>>) target_semaphore(%run_scoped3A : memref<!tpu.dma_semaphore, #tpu.memory_space<semaphore_mem>>)
      %dma_wait3A_18 = arith.constant 0 : i32
      %dma_wait3A_19 = arith.constant 0 : i32
      %dma_wait3A_20 = tpu.memref_slice %arg3[%add3A, %dma_wait3A_18, %dma_wait3A_19] : memref<32x40x128xi32, #tpu.memory_space<hbm>> -> memref<1x40x128xi32, #tpu.memory_space<hbm>>
      %dma_wait3A_21 = tpu.memref_squeeze %dma_wait3A_20 : memref<1x40x128xi32, #tpu.memory_space<hbm>> -> memref<40x128xi32, #tpu.memory_space<hbm>>
      %dma_wait3A_22 = arith.constant 0 : i32
      %dma_wait3A_23 = arith.constant 0 : i32
      %dma_wait3A_24 = tpu.memref_slice %arg3[%add3A, %dma_wait3A_22, %dma_wait3A_23] : memref<32x40x128xi32, #tpu.memory_space<hbm>> -> memref<1x40x128xi32, #tpu.memory_space<hbm>>
      %dma_wait3A_25 = tpu.memref_squeeze %dma_wait3A_24 : memref<1x40x128xi32, #tpu.memory_space<hbm>> -> memref<40x128xi32, #tpu.memory_space<hbm>>
      tpu.wait_dma2 semaphore(%run_scoped3A : memref<!tpu.dma_semaphore, #tpu.memory_space<semaphore_mem>>) src(%dma_wait3A_25 : memref<40x128xi32, #tpu.memory_space<hbm>>) dst(%arg5 : memref<40x128xi32, #tpu.memory_space<vmem>>)
      tpu.yield
    }) : () -> ()
    %scan3A = arith.constant 0 : i32
    %scan3A_3 = arith.constant 0 : i32
    %scan3A_4 = arith.constant 40 : i32
    %scan3A_5 = arith.addi %scan3A_3, %scan3A_4 : i32
    %scan3A_6 = arith.constant 1 : i32
    scf.for %scan3A_11 = %scan3A_3 to %scan3A_5 step %scan3A_6  : i32 {
      %mul3A_12 = arith.constant 128 : i32
      %mul3A_13 = arith.muli %scan3A_11, %mul3A_12 : i32
      %dma_start3A = arith.constant 0 : i32
      %dma_start3A_14 = tpu.memref_slice %arg6[%mul3A_13, %dma_start3A] : memref<5120x16xf32, #tpu.memory_space<vmem>> -> memref<128x16xf32, #tpu.memory_space<vmem>>
      %dma_start3A_15 = arith.constant 0 : i32
      %dma_start3A_16 = tpu.memref_slice %arg5[%scan3A_11, %dma_start3A_15] : memref<40x128xi32, #tpu.memory_space<vmem>> -> memref<1x128xi32, #tpu.memory_space<vmem>>
      %dma_start3A_17 = tpu.memref_squeeze %dma_start3A_16 : memref<1x128xi32, #tpu.memory_space<vmem>> -> memref<128xi32, #tpu.memory_space<vmem>>
      %dma_start3A_18 = arith.constant 0 : i32
      %dma_start3A_19 = arith.constant 0 : i32
      %dma_start3A_20 = tpu.memref_slice %arg2[%dma_start3A_18, %dma_start3A_19] : memref<10000x16xf32, #tpu.memory_space<hbm>> -> memref<10000x16xf32, #tpu.memory_space<hbm>>
      tpu.enqueue_indirect_dma source(%dma_start3A_20 : memref<10000x16xf32, #tpu.memory_space<hbm>>) target(%dma_start3A_14 : memref<128x16xf32, #tpu.memory_space<vmem>>) offsets(%dma_start3A_17 : memref<128xi32, #tpu.memory_space<vmem>>) semaphore(%arg7 : memref<!tpu.dma_semaphore, #tpu.memory_space<semaphore_mem>>)
    }
    %scan3A_7 = arith.constant 40 : i32
    %dma_wait3A = arith.constant 0 : i32
    %dma_wait3A_8 = tpu.memref_slice %arg4[%mul3A_2, %dma_wait3A] : memref<163840x16xf32, #tpu.memory_space<hbm>> -> memref<5120x16xf32, #tpu.memory_space<hbm>>
    %dma_wait3A_9 = arith.constant 0 : i32
    %dma_wait3A_10 = tpu.memref_slice %arg4[%mul3A_2, %dma_wait3A_9] : memref<163840x16xf32, #tpu.memory_space<hbm>> -> memref<5120x16xf32, #tpu.memory_space<hbm>>
    tpu.wait_dma2 semaphore(%arg7 : memref<!tpu.dma_semaphore, #tpu.memory_space<semaphore_mem>>) src(%dma_wait3A_10 : memref<5120x16xf32, #tpu.memory_space<hbm>>) dst(%arg6 : memref<5120x16xf32, #tpu.memory_space<vmem>>)
    "tpu.region"() ({
      %run_scoped3A = tpu.sem_alloc : memref<!tpu.dma_semaphore, #tpu.memory_space<semaphore_mem>>
      %dma_start3A = arith.constant 0 : i32
      %dma_start3A_11 = tpu.memref_slice %arg4[%mul3A_2, %dma_start3A] : memref<163840x16xf32, #tpu.memory_space<hbm>> -> memref<5120x16xf32, #tpu.memory_space<hbm>>
      %dma_start3A_12 = arith.constant 0 : i32
      %dma_start3A_13 = tpu.memref_slice %arg4[%mul3A_2, %dma_start3A_12] : memref<163840x16xf32, #tpu.memory_space<hbm>> -> memref<5120x16xf32, #tpu.memory_space<hbm>>
      tpu.enqueue_dma source(%arg6 : memref<5120x16xf32, #tpu.memory_space<vmem>>) target(%dma_start3A_13 : memref<5120x16xf32, #tpu.memory_space<hbm>>) target_semaphore(%run_scoped3A : memref<!tpu.dma_semaphore, #tpu.memory_space<semaphore_mem>>)
      %dma_wait3A_14 = arith.constant 0 : i32
      %dma_wait3A_15 = tpu.memref_slice %arg4[%mul3A_2, %dma_wait3A_14] : memref<163840x16xf32, #tpu.memory_space<hbm>> -> memref<5120x16xf32, #tpu.memory_space<hbm>>
      %dma_wait3A_16 = arith.constant 0 : i32
      %dma_wait3A_17 = tpu.memref_slice %arg4[%mul3A_2, %dma_wait3A_16] : memref<163840x16xf32, #tpu.memory_space<hbm>> -> memref<5120x16xf32, #tpu.memory_space<hbm>>
      tpu.wait_dma2 semaphore(%run_scoped3A : memref<!tpu.dma_semaphore, #tpu.memory_space<semaphore_mem>>) src(%arg6 : memref<5120x16xf32, #tpu.memory_space<vmem>>) dst(%dma_wait3A_17 : memref<5120x16xf32, #tpu.memory_space<hbm>>)
      tpu.yield
    }) : () -> ()
    return
  }
}

#map = affine_map<(d0, d1) -> (0, 0)>
#map1 = affine_map<(d0, d1) -> (0, 0, 0)>
module attributes {stable_mosaic.version = 14 : i64} {
  func.func @_gather_body(%arg0: i32, %arg1: i32, %arg2: memref<10000x16xf32, #tpu.memory_space<hbm>>, %arg3: memref<32x40x128xi32, #tpu.memory_space<hbm>>, %arg4: memref<163840x16xf32, #tpu.memory_space<hbm>>, %arg5: memref<40x128xi32, #tpu.memory_space<vmem>>, %arg6: memref<5120x16xf32, #tpu.memory_space<vmem>>, %arg7: memref<!tpu.dma_semaphore, #tpu.memory_space<semaphore_mem>>) attributes {dimension_semantics = [#tpu.dimension_semantics<core_parallel>, #tpu.dimension_semantics<subcore_parallel>], iteration_bounds = array<i64: 2, 16>, scalar_prefetch = 0 : i64, scratch_operands = 3 : i64, tpu.core_type = #tpu.core_type<sc_vector_subcore>, window_params = [{transform_indices = #map}, {transform_indices = #map1}, {transform_indices = #map}]} {
    %mul3A = arith.constant 2 : i32
    %mul3A_0 = arith.muli %arg1, %mul3A : i32
    %add3A = arith.addi %mul3A_0, %arg0 : i32
    %mul3A_1 = arith.constant 5120 : i32
    %mul3A_2 = arith.muli %add3A, %mul3A_1 : i32
    "tpu.region"() ({
      %run_scoped3A = tpu.sem_alloc : memref<!tpu.dma_semaphore, #tpu.memory_space<semaphore_mem>>
      %dma_start3A = arith.constant 0 : i32
      %dma_start3A_11 = arith.constant 0 : i32
      %dma_start3A_12 = tpu.memref_slice %arg3[%add3A, %dma_start3A, %dma_start3A_11] : memref<32x40x128xi32, #tpu.memory_space<hbm>> -> memref<1x40x128xi32, #tpu.memory_space<hbm>>
      %dma_start3A_13 = tpu.memref_squeeze %dma_start3A_12 : memref<1x40x128xi32, #tpu.memory_space<hbm>> -> memref<40x128xi32, #tpu.memory_space<hbm>>
      %dma_start3A_14 = arith.constant 0 : i32
      %dma_start3A_15 = arith.constant 0 : i32
      %dma_start3A_16 = tpu.memref_slice %arg3[%add3A, %dma_start3A_14, %dma_start3A_15] : memref<32x40x128xi32, #tpu.memory_space<hbm>> -> memref<1x40x128xi32, #tpu.memory_space<hbm>>
      %dma_start3A_17 = tpu.memref_squeeze %dma_start3A_16 : memref<1x40x128xi32, #tpu.memory_space<hbm>> -> memref<40x128xi32, #tpu.memory_space<hbm>>
      tpu.enqueue_dma source(%dma_start3A_17 : memref<40x128xi32, #tpu.memory_space<hbm>>) target(%arg5 : memref<40x128xi32, #tpu.memory_space<vmem>>) target_semaphore(%run_scoped3A : memref<!tpu.dma_semaphore, #tpu.memory_space<semaphore_mem>>)
      %dma_wait3A_18 = arith.constant 0 : i32
      %dma_wait3A_19 = arith.constant 0 : i32
      %dma_wait3A_20 = tpu.memref_slice %arg3[%add3A, %dma_wait3A_18, %dma_wait3A_19] : memref<32x40x128xi32, #tpu.memory_space<hbm>> -> memref<1x40x128xi32, #tpu.memory_space<hbm>>
      %dma_wait3A_21 = tpu.memref_squeeze %dma_wait3A_20 : memref<1x40x128xi32, #tpu.memory_space<hbm>> -> memref<40x128xi32, #tpu.memory_space<hbm>>
      %dma_wait3A_22 = arith.constant 0 : i32
      %dma_wait3A_23 = arith.constant 0 : i32
      %dma_wait3A_24 = tpu.memref_slice %arg3[%add3A, %dma_wait3A_22, %dma_wait3A_23] : memref<32x40x128xi32, #tpu.memory_space<hbm>> -> memref<1x40x128xi32, #tpu.memory_space<hbm>>
      %dma_wait3A_25 = tpu.memref_squeeze %dma_wait3A_24 : memref<1x40x128xi32, #tpu.memory_space<hbm>> -> memref<40x128xi32, #tpu.memory_space<hbm>>
      tpu.wait_dma2 semaphore(%run_scoped3A : memref<!tpu.dma_semaphore, #tpu.memory_space<semaphore_mem>>) src(%dma_wait3A_25 : memref<40x128xi32, #tpu.memory_space<hbm>>) dst(%arg5 : memref<40x128xi32, #tpu.memory_space<vmem>>)
      tpu.yield
    }) : () -> ()
    %scan3A = arith.constant 0 : i32
    %scan3A_3 = arith.constant 0 : i32
    %scan3A_4 = arith.constant 40 : i32
    %scan3A_5 = arith.addi %scan3A_3, %scan3A_4 : i32
    %scan3A_6 = arith.constant 1 : i32
    scf.for %scan3A_11 = %scan3A_3 to %scan3A_5 step %scan3A_6  : i32 {
      %mul3A_12 = arith.constant 128 : i32
      %mul3A_13 = arith.muli %scan3A_11, %mul3A_12 : i32
      %dma_start3A = arith.constant 0 : i32
      %dma_start3A_14 = tpu.memref_slice %arg6[%mul3A_13, %dma_start3A] : memref<5120x16xf32, #tpu.memory_space<vmem>> -> memref<128x16xf32, #tpu.memory_space<vmem>>
      %dma_start3A_15 = arith.constant 0 : i32
      %dma_start3A_16 = tpu.memref_slice %arg5[%scan3A_11, %dma_start3A_15] : memref<40x128xi32, #tpu.memory_space<vmem>> -> memref<1x128xi32, #tpu.memory_space<vmem>>
      %dma_start3A_17 = tpu.memref_squeeze %dma_start3A_16 : memref<1x128xi32, #tpu.memory_space<vmem>> -> memref<128xi32, #tpu.memory_space<vmem>>
      %dma_start3A_18 = arith.constant 0 : i32
      %dma_start3A_19 = arith.constant 0 : i32
      %dma_start3A_20 = tpu.memref_slice %arg2[%dma_start3A_18, %dma_start3A_19] : memref<10000x16xf32, #tpu.memory_space<hbm>> -> memref<10000x16xf32, #tpu.memory_space<hbm>>
      tpu.enqueue_indirect_dma source(%dma_start3A_20 : memref<10000x16xf32, #tpu.memory_space<hbm>>) target(%dma_start3A_14 : memref<128x16xf32, #tpu.memory_space<vmem>>) offsets(%dma_start3A_17 : memref<128xi32, #tpu.memory_space<vmem>>) semaphore(%arg7 : memref<!tpu.dma_semaphore, #tpu.memory_space<semaphore_mem>>)
    }
    %scan3A_7 = arith.constant 40 : i32
    %dma_wait3A = arith.constant 0 : i32
    %dma_wait3A_8 = tpu.memref_slice %arg4[%mul3A_2, %dma_wait3A] : memref<163840x16xf32, #tpu.memory_space<hbm>> -> memref<5120x16xf32, #tpu.memory_space<hbm>>
    %dma_wait3A_9 = arith.constant 0 : i32
    %dma_wait3A_10 = tpu.memref_slice %arg4[%mul3A_2, %dma_wait3A_9] : memref<163840x16xf32, #tpu.memory_space<hbm>> -> memref<5120x16xf32, #tpu.memory_space<hbm>>
    tpu.wait_dma2 semaphore(%arg7 : memref<!tpu.dma_semaphore, #tpu.memory_space<semaphore_mem>>) src(%dma_wait3A_10 : memref<5120x16xf32, #tpu.memory_space<hbm>>) dst(%arg6 : memref<5120x16xf32, #tpu.memory_space<vmem>>)
    "tpu.region"() ({
      %run_scoped3A = tpu.sem_alloc : memref<!tpu.dma_semaphore, #tpu.memory_space<semaphore_mem>>
      %dma_start3A = arith.constant 0 : i32
      %dma_start3A_11 = tpu.memref_slice %arg4[%mul3A_2, %dma_start3A] : memref<163840x16xf32, #tpu.memory_space<hbm>> -> memref<5120x16xf32, #tpu.memory_space<hbm>>
      %dma_start3A_12 = arith.constant 0 : i32
      %dma_start3A_13 = tpu.memref_slice %arg4[%mul3A_2, %dma_start3A_12] : memref<163840x16xf32, #tpu.memory_space<hbm>> -> memref<5120x16xf32, #tpu.memory_space<hbm>>
      tpu.enqueue_dma source(%arg6 : memref<5120x16xf32, #tpu.memory_space<vmem>>) target(%dma_start3A_13 : memref<5120x16xf32, #tpu.memory_space<hbm>>) target_semaphore(%run_scoped3A : memref<!tpu.dma_semaphore, #tpu.memory_space<semaphore_mem>>)
      %dma_wait3A_14 = arith.constant 0 : i32
      %dma_wait3A_15 = tpu.memref_slice %arg4[%mul3A_2, %dma_wait3A_14] : memref<163840x16xf32, #tpu.memory_space<hbm>> -> memref<5120x16xf32, #tpu.memory_space<hbm>>
      %dma_wait3A_16 = arith.constant 0 : i32
      %dma_wait3A_17 = tpu.memref_slice %arg4[%mul3A_2, %dma_wait3A_16] : memref<163840x16xf32, #tpu.memory_space<hbm>> -> memref<5120x16xf32, #tpu.memory_space<hbm>>
      tpu.wait_dma2 semaphore(%run_scoped3A : memref<!tpu.dma_semaphore, #tpu.memory_space<semaphore_mem>>) src(%arg6 : memref<5120x16xf32, #tpu.memory_space<vmem>>) dst(%dma_wait3A_17 : memref<5120x16xf32, #tpu.memory_space<hbm>>)
      tpu.yield
    }) : () -> ()
    return
  }
}

#map = affine_map<(d0, d1) -> (0, 0)>
#map1 = affine_map<(d0, d1) -> (0, 0, 0)>
module attributes {stable_mosaic.version = 14 : i64} {
  func.func @_scatter_body(%arg0: i32, %arg1: i32, %arg2: memref<163840x16xf32, #tpu.memory_space<hbm>>, %arg3: memref<32x40x128xi32, #tpu.memory_space<hbm>>, %arg4: memref<10240x16xf32, #tpu.memory_space<hbm>>, %arg5: memref<2x10240x16xf32, #tpu.memory_space<hbm>>, %arg6: memref<40x128xi32, #tpu.memory_space<vmem>>, %arg7: memref<5120x16xf32, #tpu.memory_space<vmem>>, %arg8: memref<10240x16xf32, #tpu.memory_space<vmem_shared>>, %arg9: memref<!tpu.dma_semaphore, #tpu.memory_space<semaphore_mem>>) attributes {dimension_semantics = [#tpu.dimension_semantics<core_parallel>, #tpu.dimension_semantics<subcore_parallel>], iteration_bounds = array<i64: 2, 16>, scalar_prefetch = 0 : i64, scratch_operands = 4 : i64, tpu.core_type = #tpu.core_type<sc_vector_subcore>, window_params = [{transform_indices = #map}, {transform_indices = #map1}, {transform_indices = #map}, {transform_indices = #map1}]} {
    %mul3A = arith.constant 2 : i32
    %mul3A_0 = arith.muli %arg1, %mul3A : i32
    %add3A = arith.addi %mul3A_0, %arg0 : i32
    %mul3A_1 = arith.constant 640 : i32
    %mul3A_2 = arith.muli %arg1, %mul3A_1 : i32
    %mul3A_3 = arith.constant 640 : i32
    %mul3A_4 = arith.muli %arg1, %mul3A_3 : i32
    "tpu.region"() ({
      %run_scoped3A = tpu.sem_alloc : memref<!tpu.dma_semaphore, #tpu.memory_space<semaphore_mem>>
      %dma_start3A = arith.constant 0 : i32
      %dma_start3A_20 = tpu.memref_slice %arg8[%mul3A_4, %dma_start3A] : memref<10240x16xf32, #tpu.memory_space<vmem_shared>> -> memref<640x16xf32, #tpu.memory_space<vmem_shared>>
      %dma_start3A_21 = arith.constant 0 : i32
      %dma_start3A_22 = tpu.memref_slice %arg4[%mul3A_2, %dma_start3A_21] : memref<10240x16xf32, #tpu.memory_space<hbm>> -> memref<640x16xf32, #tpu.memory_space<hbm>>
      tpu.enqueue_dma source(%dma_start3A_22 : memref<640x16xf32, #tpu.memory_space<hbm>>) target(%dma_start3A_20 : memref<640x16xf32, #tpu.memory_space<vmem_shared>>) target_semaphore(%run_scoped3A : memref<!tpu.dma_semaphore, #tpu.memory_space<semaphore_mem>>)
      %dma_wait3A_23 = arith.constant 0 : i32
      %dma_wait3A_24 = tpu.memref_slice %arg8[%mul3A_4, %dma_wait3A_23] : memref<10240x16xf32, #tpu.memory_space<vmem_shared>> -> memref<640x16xf32, #tpu.memory_space<vmem_shared>>
      %dma_wait3A_25 = arith.constant 0 : i32
      %dma_wait3A_26 = tpu.memref_slice %arg4[%mul3A_2, %dma_wait3A_25] : memref<10240x16xf32, #tpu.memory_space<hbm>> -> memref<640x16xf32, #tpu.memory_space<hbm>>
      tpu.wait_dma2 semaphore(%run_scoped3A : memref<!tpu.dma_semaphore, #tpu.memory_space<semaphore_mem>>) src(%dma_wait3A_26 : memref<640x16xf32, #tpu.memory_space<hbm>>) dst(%dma_wait3A_24 : memref<640x16xf32, #tpu.memory_space<vmem_shared>>)
      tpu.yield
    }) : () -> ()
    "tpu.region"() ({
      %run_scoped3A = tpu.sem_alloc : memref<!tpu.dma_semaphore, #tpu.memory_space<semaphore_mem>>
      %dma_start3A = arith.constant 0 : i32
      %dma_start3A_20 = arith.constant 0 : i32
      %dma_start3A_21 = tpu.memref_slice %arg3[%add3A, %dma_start3A, %dma_start3A_20] : memref<32x40x128xi32, #tpu.memory_space<hbm>> -> memref<1x40x128xi32, #tpu.memory_space<hbm>>
      %dma_start3A_22 = tpu.memref_squeeze %dma_start3A_21 : memref<1x40x128xi32, #tpu.memory_space<hbm>> -> memref<40x128xi32, #tpu.memory_space<hbm>>
      %dma_start3A_23 = arith.constant 0 : i32
      %dma_start3A_24 = arith.constant 0 : i32
      %dma_start3A_25 = tpu.memref_slice %arg3[%add3A, %dma_start3A_23, %dma_start3A_24] : memref<32x40x128xi32, #tpu.memory_space<hbm>> -> memref<1x40x128xi32, #tpu.memory_space<hbm>>
      %dma_start3A_26 = tpu.memref_squeeze %dma_start3A_25 : memref<1x40x128xi32, #tpu.memory_space<hbm>> -> memref<40x128xi32, #tpu.memory_space<hbm>>
      tpu.enqueue_dma source(%dma_start3A_26 : memref<40x128xi32, #tpu.memory_space<hbm>>) target(%arg6 : memref<40x128xi32, #tpu.memory_space<vmem>>) target_semaphore(%run_scoped3A : memref<!tpu.dma_semaphore, #tpu.memory_space<semaphore_mem>>)
      %dma_wait3A_27 = arith.constant 0 : i32
      %dma_wait3A_28 = arith.constant 0 : i32
      %dma_wait3A_29 = tpu.memref_slice %arg3[%add3A, %dma_wait3A_27, %dma_wait3A_28] : memref<32x40x128xi32, #tpu.memory_space<hbm>> -> memref<1x40x128xi32, #tpu.memory_space<hbm>>
      %dma_wait3A_30 = tpu.memref_squeeze %dma_wait3A_29 : memref<1x40x128xi32, #tpu.memory_space<hbm>> -> memref<40x128xi32, #tpu.memory_space<hbm>>
      %dma_wait3A_31 = arith.constant 0 : i32
      %dma_wait3A_32 = arith.constant 0 : i32
      %dma_wait3A_33 = tpu.memref_slice %arg3[%add3A, %dma_wait3A_31, %dma_wait3A_32] : memref<32x40x128xi32, #tpu.memory_space<hbm>> -> memref<1x40x128xi32, #tpu.memory_space<hbm>>
      %dma_wait3A_34 = tpu.memref_squeeze %dma_wait3A_33 : memref<1x40x128xi32, #tpu.memory_space<hbm>> -> memref<40x128xi32, #tpu.memory_space<hbm>>
      tpu.wait_dma2 semaphore(%run_scoped3A : memref<!tpu.dma_semaphore, #tpu.memory_space<semaphore_mem>>) src(%dma_wait3A_34 : memref<40x128xi32, #tpu.memory_space<hbm>>) dst(%arg6 : memref<40x128xi32, #tpu.memory_space<vmem>>)
      tpu.yield
    }) : () -> ()
    %mul3A_5 = arith.constant 5120 : i32
    %mul3A_6 = arith.muli %add3A, %mul3A_5 : i32
    "tpu.region"() ({
      %run_scoped3A = tpu.sem_alloc : memref<!tpu.dma_semaphore, #tpu.memory_space<semaphore_mem>>
      %dma_start3A = arith.constant 0 : i32
      %dma_start3A_20 = tpu.memref_slice %arg2[%mul3A_6, %dma_start3A] : memref<163840x16xf32, #tpu.memory_space<hbm>> -> memref<5120x16xf32, #tpu.memory_space<hbm>>
      %dma_start3A_21 = arith.constant 0 : i32
      %dma_start3A_22 = tpu.memref_slice %arg2[%mul3A_6, %dma_start3A_21] : memref<163840x16xf32, #tpu.memory_space<hbm>> -> memref<5120x16xf32, #tpu.memory_space<hbm>>
      tpu.enqueue_dma source(%dma_start3A_22 : memref<5120x16xf32, #tpu.memory_space<hbm>>) target(%arg7 : memref<5120x16xf32, #tpu.memory_space<vmem>>) target_semaphore(%run_scoped3A : memref<!tpu.dma_semaphore, #tpu.memory_space<semaphore_mem>>)
      %dma_wait3A_23 = arith.constant 0 : i32
      %dma_wait3A_24 = tpu.memref_slice %arg2[%mul3A_6, %dma_wait3A_23] : memref<163840x16xf32, #tpu.memory_space<hbm>> -> memref<5120x16xf32, #tpu.memory_space<hbm>>
      %dma_wait3A_25 = arith.constant 0 : i32
      %dma_wait3A_26 = tpu.memref_slice %arg2[%mul3A_6, %dma_wait3A_25] : memref<163840x16xf32, #tpu.memory_space<hbm>> -> memref<5120x16xf32, #tpu.memory_space<hbm>>
      tpu.wait_dma2 semaphore(%run_scoped3A : memref<!tpu.dma_semaphore, #tpu.memory_space<semaphore_mem>>) src(%dma_wait3A_26 : memref<5120x16xf32, #tpu.memory_space<hbm>>) dst(%arg7 : memref<5120x16xf32, #tpu.memory_space<vmem>>)
      tpu.yield
    }) : () -> ()
    %barrier3A = arith.constant 0 : index
    tpu.barrier barrier_id(%barrier3A)
    %scan3A = arith.constant 0 : i32
    %scan3A_7 = arith.constant 0 : i32
    %scan3A_8 = arith.constant 40 : i32
    %scan3A_9 = arith.addi %scan3A_7, %scan3A_8 : i32
    %scan3A_10 = arith.constant 1 : i32
    scf.for %scan3A_20 = %scan3A_7 to %scan3A_9 step %scan3A_10  : i32 {
      %mul3A_21 = arith.constant 128 : i32
      %mul3A_22 = arith.muli %scan3A_20, %mul3A_21 : i32
      %dma_start3A = arith.constant 0 : i32
      %dma_start3A_23 = tpu.memref_slice %arg7[%mul3A_22, %dma_start3A] : memref<5120x16xf32, #tpu.memory_space<vmem>> -> memref<128x16xf32, #tpu.memory_space<vmem>>
      %dma_start3A_24 = arith.constant 0 : i32
      %dma_start3A_25 = tpu.memref_slice %arg6[%scan3A_20, %dma_start3A_24] : memref<40x128xi32, #tpu.memory_space<vmem>> -> memref<1x128xi32, #tpu.memory_space<vmem>>
      %dma_start3A_26 = tpu.memref_squeeze %dma_start3A_25 : memref<1x128xi32, #tpu.memory_space<vmem>> -> memref<128xi32, #tpu.memory_space<vmem>>
      %dma_start3A_27 = arith.constant 0 : i32
      %dma_start3A_28 = arith.constant 0 : i32
      %dma_start3A_29 = tpu.memref_slice %arg8[%dma_start3A_27, %dma_start3A_28] : memref<10240x16xf32, #tpu.memory_space<vmem_shared>> -> memref<10240x16xf32, #tpu.memory_space<vmem_shared>>
      tpu.enqueue_indirect_dma source(%dma_start3A_23 : memref<128x16xf32, #tpu.memory_space<vmem>>) target(%dma_start3A_29 : memref<10240x16xf32, #tpu.memory_space<vmem_shared>>) offsets(%dma_start3A_26 : memref<128xi32, #tpu.memory_space<vmem>>) semaphore(%arg9 : memref<!tpu.dma_semaphore, #tpu.memory_space<semaphore_mem>>) {add = true}
    }
    %scan3A_11 = arith.constant 40 : i32
    %dma_wait3A = arith.constant 0 : i32
    %dma_wait3A_12 = tpu.memref_slice %arg2[%mul3A_6, %dma_wait3A] : memref<163840x16xf32, #tpu.memory_space<hbm>> -> memref<5120x16xf32, #tpu.memory_space<hbm>>
    %dma_wait3A_13 = arith.constant 0 : i32
    %dma_wait3A_14 = tpu.memref_slice %arg2[%mul3A_6, %dma_wait3A_13] : memref<163840x16xf32, #tpu.memory_space<hbm>> -> memref<5120x16xf32, #tpu.memory_space<hbm>>
    tpu.wait_dma2 semaphore(%arg9 : memref<!tpu.dma_semaphore, #tpu.memory_space<semaphore_mem>>) src(%dma_wait3A_14 : memref<5120x16xf32, #tpu.memory_space<hbm>>) dst(%arg7 : memref<5120x16xf32, #tpu.memory_space<vmem>>)
    %barrier3A_15 = arith.constant 0 : index
    tpu.barrier barrier_id(%barrier3A_15)
    %mul3A_16 = arith.constant 640 : i32
    %mul3A_17 = arith.muli %arg1, %mul3A_16 : i32
    %mul3A_18 = arith.constant 640 : i32
    %mul3A_19 = arith.muli %arg1, %mul3A_18 : i32
    "tpu.region"() ({
      %run_scoped3A = tpu.sem_alloc : memref<!tpu.dma_semaphore, #tpu.memory_space<semaphore_mem>>
      %dma_start3A = arith.constant 0 : i32
      %dma_start3A_20 = tpu.memref_slice %arg5[%arg0, %mul3A_19, %dma_start3A] : memref<2x10240x16xf32, #tpu.memory_space<hbm>> -> memref<1x640x16xf32, #tpu.memory_space<hbm>>
      %dma_start3A_21 = tpu.memref_squeeze %dma_start3A_20 : memref<1x640x16xf32, #tpu.memory_space<hbm>> -> memref<640x16xf32, #tpu.memory_space<hbm>>
      %dma_start3A_22 = arith.constant 0 : i32
      %dma_start3A_23 = tpu.memref_slice %arg8[%mul3A_17, %dma_start3A_22] : memref<10240x16xf32, #tpu.memory_space<vmem_shared>> -> memref<640x16xf32, #tpu.memory_space<vmem_shared>>
      tpu.enqueue_dma source(%dma_start3A_23 : memref<640x16xf32, #tpu.memory_space<vmem_shared>>) target(%dma_start3A_21 : memref<640x16xf32, #tpu.memory_space<hbm>>) target_semaphore(%run_scoped3A : memref<!tpu.dma_semaphore, #tpu.memory_space<semaphore_mem>>)
      %dma_wait3A_24 = arith.constant 0 : i32
      %dma_wait3A_25 = tpu.memref_slice %arg5[%arg0, %mul3A_19, %dma_wait3A_24] : memref<2x10240x16xf32, #tpu.memory_space<hbm>> -> memref<1x640x16xf32, #tpu.memory_space<hbm>>
      %dma_wait3A_26 = tpu.memref_squeeze %dma_wait3A_25 : memref<1x640x16xf32, #tpu.memory_space<hbm>> -> memref<640x16xf32, #tpu.memory_space<hbm>>
      %dma_wait3A_27 = arith.constant 0 : i32
      %dma_wait3A_28 = tpu.memref_slice %arg8[%mul3A_17, %dma_wait3A_27] : memref<10240x16xf32, #tpu.memory_space<vmem_shared>> -> memref<640x16xf32, #tpu.memory_space<vmem_shared>>
      tpu.wait_dma2 semaphore(%run_scoped3A : memref<!tpu.dma_semaphore, #tpu.memory_space<semaphore_mem>>) src(%dma_wait3A_28 : memref<640x16xf32, #tpu.memory_space<vmem_shared>>) dst(%dma_wait3A_26 : memref<640x16xf32, #tpu.memory_space<hbm>>)
      tpu.yield
    }) : () -> ()
    return
  }
}

#map = affine_map<(d0, d1) -> (0, 0, 0)>
#map1 = affine_map<(d0, d1) -> (0, 0)>
module attributes {stable_mosaic.version = 14 : i64} {
  func.func @_count_body(%arg0: i32, %arg1: i32, %arg2: memref<32x40x128xi32, #tpu.memory_space<hbm>>, %arg3: memref<10240x16xf32, #tpu.memory_space<hbm>>, %arg4: memref<128x16xf32, #tpu.memory_space<hbm>>, %arg5: memref<2x10240x16xf32, #tpu.memory_space<hbm>>, %arg6: memref<40x128xi32, #tpu.memory_space<vmem>>, %arg7: memref<128x16xf32, #tpu.memory_space<vmem>>, %arg8: memref<10240x16xf32, #tpu.memory_space<vmem_shared>>, %arg9: memref<!tpu.dma_semaphore, #tpu.memory_space<semaphore_mem>>) attributes {dimension_semantics = [#tpu.dimension_semantics<core_parallel>, #tpu.dimension_semantics<subcore_parallel>], iteration_bounds = array<i64: 2, 16>, scalar_prefetch = 0 : i64, scratch_operands = 4 : i64, tpu.core_type = #tpu.core_type<sc_vector_subcore>, window_params = [{transform_indices = #map}, {transform_indices = #map1}, {transform_indices = #map1}, {transform_indices = #map}]} {
    %mul3A = arith.constant 2 : i32
    %mul3A_0 = arith.muli %arg1, %mul3A : i32
    %add3A = arith.addi %mul3A_0, %arg0 : i32
    %mul3A_1 = arith.constant 640 : i32
    %mul3A_2 = arith.muli %arg1, %mul3A_1 : i32
    %mul3A_3 = arith.constant 640 : i32
    %mul3A_4 = arith.muli %arg1, %mul3A_3 : i32
    "tpu.region"() ({
      %run_scoped3A = tpu.sem_alloc : memref<!tpu.dma_semaphore, #tpu.memory_space<semaphore_mem>>
      %dma_start3A = arith.constant 0 : i32
      %dma_start3A_21 = tpu.memref_slice %arg8[%mul3A_4, %dma_start3A] : memref<10240x16xf32, #tpu.memory_space<vmem_shared>> -> memref<640x16xf32, #tpu.memory_space<vmem_shared>>
      %dma_start3A_22 = arith.constant 0 : i32
      %dma_start3A_23 = tpu.memref_slice %arg3[%mul3A_2, %dma_start3A_22] : memref<10240x16xf32, #tpu.memory_space<hbm>> -> memref<640x16xf32, #tpu.memory_space<hbm>>
      tpu.enqueue_dma source(%dma_start3A_23 : memref<640x16xf32, #tpu.memory_space<hbm>>) target(%dma_start3A_21 : memref<640x16xf32, #tpu.memory_space<vmem_shared>>) target_semaphore(%run_scoped3A : memref<!tpu.dma_semaphore, #tpu.memory_space<semaphore_mem>>)
      %dma_wait3A = arith.constant 0 : i32
      %dma_wait3A_24 = tpu.memref_slice %arg8[%mul3A_4, %dma_wait3A] : memref<10240x16xf32, #tpu.memory_space<vmem_shared>> -> memref<640x16xf32, #tpu.memory_space<vmem_shared>>
      %dma_wait3A_25 = arith.constant 0 : i32
      %dma_wait3A_26 = tpu.memref_slice %arg3[%mul3A_2, %dma_wait3A_25] : memref<10240x16xf32, #tpu.memory_space<hbm>> -> memref<640x16xf32, #tpu.memory_space<hbm>>
      tpu.wait_dma2 semaphore(%run_scoped3A : memref<!tpu.dma_semaphore, #tpu.memory_space<semaphore_mem>>) src(%dma_wait3A_26 : memref<640x16xf32, #tpu.memory_space<hbm>>) dst(%dma_wait3A_24 : memref<640x16xf32, #tpu.memory_space<vmem_shared>>)
      tpu.yield
    }) : () -> ()
    "tpu.region"() ({
      %run_scoped3A = tpu.sem_alloc : memref<!tpu.dma_semaphore, #tpu.memory_space<semaphore_mem>>
      %dma_start3A = arith.constant 0 : i32
      %dma_start3A_21 = arith.constant 0 : i32
      %dma_start3A_22 = tpu.memref_slice %arg2[%add3A, %dma_start3A, %dma_start3A_21] : memref<32x40x128xi32, #tpu.memory_space<hbm>> -> memref<1x40x128xi32, #tpu.memory_space<hbm>>
      %dma_start3A_23 = tpu.memref_squeeze %dma_start3A_22 : memref<1x40x128xi32, #tpu.memory_space<hbm>> -> memref<40x128xi32, #tpu.memory_space<hbm>>
      %dma_start3A_24 = arith.constant 0 : i32
      %dma_start3A_25 = arith.constant 0 : i32
      %dma_start3A_26 = tpu.memref_slice %arg2[%add3A, %dma_start3A_24, %dma_start3A_25] : memref<32x40x128xi32, #tpu.memory_space<hbm>> -> memref<1x40x128xi32, #tpu.memory_space<hbm>>
      %dma_start3A_27 = tpu.memref_squeeze %dma_start3A_26 : memref<1x40x128xi32, #tpu.memory_space<hbm>> -> memref<40x128xi32, #tpu.memory_space<hbm>>
      tpu.enqueue_dma source(%dma_start3A_27 : memref<40x128xi32, #tpu.memory_space<hbm>>) target(%arg6 : memref<40x128xi32, #tpu.memory_space<vmem>>) target_semaphore(%run_scoped3A : memref<!tpu.dma_semaphore, #tpu.memory_space<semaphore_mem>>)
      %dma_wait3A = arith.constant 0 : i32
      %dma_wait3A_28 = arith.constant 0 : i32
      %dma_wait3A_29 = tpu.memref_slice %arg2[%add3A, %dma_wait3A, %dma_wait3A_28] : memref<32x40x128xi32, #tpu.memory_space<hbm>> -> memref<1x40x128xi32, #tpu.memory_space<hbm>>
      %dma_wait3A_30 = tpu.memref_squeeze %dma_wait3A_29 : memref<1x40x128xi32, #tpu.memory_space<hbm>> -> memref<40x128xi32, #tpu.memory_space<hbm>>
      %dma_wait3A_31 = arith.constant 0 : i32
      %dma_wait3A_32 = arith.constant 0 : i32
      %dma_wait3A_33 = tpu.memref_slice %arg2[%add3A, %dma_wait3A_31, %dma_wait3A_32] : memref<32x40x128xi32, #tpu.memory_space<hbm>> -> memref<1x40x128xi32, #tpu.memory_space<hbm>>
      %dma_wait3A_34 = tpu.memref_squeeze %dma_wait3A_33 : memref<1x40x128xi32, #tpu.memory_space<hbm>> -> memref<40x128xi32, #tpu.memory_space<hbm>>
      tpu.wait_dma2 semaphore(%run_scoped3A : memref<!tpu.dma_semaphore, #tpu.memory_space<semaphore_mem>>) src(%dma_wait3A_34 : memref<40x128xi32, #tpu.memory_space<hbm>>) dst(%arg6 : memref<40x128xi32, #tpu.memory_space<vmem>>)
      tpu.yield
    }) : () -> ()
    "tpu.region"() ({
      %run_scoped3A = tpu.sem_alloc : memref<!tpu.dma_semaphore, #tpu.memory_space<semaphore_mem>>
      tpu.enqueue_dma source(%arg4 : memref<128x16xf32, #tpu.memory_space<hbm>>) target(%arg7 : memref<128x16xf32, #tpu.memory_space<vmem>>) target_semaphore(%run_scoped3A : memref<!tpu.dma_semaphore, #tpu.memory_space<semaphore_mem>>)
      tpu.wait_dma2 semaphore(%run_scoped3A : memref<!tpu.dma_semaphore, #tpu.memory_space<semaphore_mem>>) src(%arg4 : memref<128x16xf32, #tpu.memory_space<hbm>>) dst(%arg7 : memref<128x16xf32, #tpu.memory_space<vmem>>)
      tpu.yield
    }) : () -> ()
    %barrier3A = arith.constant 0 : index
    tpu.barrier barrier_id(%barrier3A)
    %scan3A = arith.constant 0 : i32
    %scan3A_5 = arith.constant 0 : i32
    %scan3A_6 = arith.constant 40 : i32
    %scan3A_7 = arith.addi %scan3A_5, %scan3A_6 : i32
    %scan3A_8 = arith.constant 1 : i32
    scf.for %scan3A_21 = %scan3A_5 to %scan3A_7 step %scan3A_8  : i32 {
      %dma_start3A = arith.constant 0 : i32
      %dma_start3A_22 = tpu.memref_slice %arg6[%scan3A_21, %dma_start3A] : memref<40x128xi32, #tpu.memory_space<vmem>> -> memref<1x128xi32, #tpu.memory_space<vmem>>
      %dma_start3A_23 = tpu.memref_squeeze %dma_start3A_22 : memref<1x128xi32, #tpu.memory_space<vmem>> -> memref<128xi32, #tpu.memory_space<vmem>>
      %dma_start3A_24 = arith.constant 0 : i32
      %dma_start3A_25 = arith.constant 0 : i32
      %dma_start3A_26 = tpu.memref_slice %arg8[%dma_start3A_24, %dma_start3A_25] : memref<10240x16xf32, #tpu.memory_space<vmem_shared>> -> memref<10240x16xf32, #tpu.memory_space<vmem_shared>>
      tpu.enqueue_indirect_dma source(%arg7 : memref<128x16xf32, #tpu.memory_space<vmem>>) target(%dma_start3A_26 : memref<10240x16xf32, #tpu.memory_space<vmem_shared>>) offsets(%dma_start3A_23 : memref<128xi32, #tpu.memory_space<vmem>>) semaphore(%arg9 : memref<!tpu.dma_semaphore, #tpu.memory_space<semaphore_mem>>) {add = true}
    }
    %scan3A_9 = arith.constant 40 : i32
    %scan3A_10 = arith.constant 0 : i32
    %scan3A_11 = arith.constant 0 : i32
    %scan3A_12 = arith.constant 40 : i32
    %scan3A_13 = arith.addi %scan3A_11, %scan3A_12 : i32
    %scan3A_14 = arith.constant 1 : i32
    scf.for %scan3A_21 = %scan3A_11 to %scan3A_13 step %scan3A_14  : i32 {
      tpu.wait_dma2 semaphore(%arg9 : memref<!tpu.dma_semaphore, #tpu.memory_space<semaphore_mem>>) src(%arg4 : memref<128x16xf32, #tpu.memory_space<hbm>>) dst(%arg7 : memref<128x16xf32, #tpu.memory_space<vmem>>)
    }
    %scan3A_15 = arith.constant 40 : i32
    %barrier3A_16 = arith.constant 0 : index
    tpu.barrier barrier_id(%barrier3A_16)
    %mul3A_17 = arith.constant 640 : i32
    %mul3A_18 = arith.muli %arg1, %mul3A_17 : i32
    %mul3A_19 = arith.constant 640 : i32
    %mul3A_20 = arith.muli %arg1, %mul3A_19 : i32
    "tpu.region"() ({
      %run_scoped3A = tpu.sem_alloc : memref<!tpu.dma_semaphore, #tpu.memory_space<semaphore_mem>>
      %dma_start3A = arith.constant 0 : i32
      %dma_start3A_21 = tpu.memref_slice %arg5[%arg0, %mul3A_20, %dma_start3A] : memref<2x10240x16xf32, #tpu.memory_space<hbm>> -> memref<1x640x16xf32, #tpu.memory_space<hbm>>
      %dma_start3A_22 = tpu.memref_squeeze %dma_start3A_21 : memref<1x640x16xf32, #tpu.memory_space<hbm>> -> memref<640x16xf32, #tpu.memory_space<hbm>>
      %dma_start3A_23 = arith.constant 0 : i32
      %dma_start3A_24 = tpu.memref_slice %arg8[%mul3A_18, %dma_start3A_23] : memref<10240x16xf32, #tpu.memory_space<vmem_shared>> -> memref<640x16xf32, #tpu.memory_space<vmem_shared>>
      tpu.enqueue_dma source(%dma_start3A_24 : memref<640x16xf32, #tpu.memory_space<vmem_shared>>) target(%dma_start3A_22 : memref<640x16xf32, #tpu.memory_space<hbm>>) target_semaphore(%run_scoped3A : memref<!tpu.dma_semaphore, #tpu.memory_space<semaphore_mem>>)
      %dma_wait3A = arith.constant 0 : i32
      %dma_wait3A_25 = tpu.memref_slice %arg5[%arg0, %mul3A_20, %dma_wait3A] : memref<2x10240x16xf32, #tpu.memory_space<hbm>> -> memref<1x640x16xf32, #tpu.memory_space<hbm>>
      %dma_wait3A_26 = tpu.memref_squeeze %dma_wait3A_25 : memref<1x640x16xf32, #tpu.memory_space<hbm>> -> memref<640x16xf32, #tpu.memory_space<hbm>>
      %dma_wait3A_27 = arith.constant 0 : i32
      %dma_wait3A_28 = tpu.memref_slice %arg8[%mul3A_18, %dma_wait3A_27] : memref<10240x16xf32, #tpu.memory_space<vmem_shared>> -> memref<640x16xf32, #tpu.memory_space<vmem_shared>>
      tpu.wait_dma2 semaphore(%run_scoped3A : memref<!tpu.dma_semaphore, #tpu.memory_space<semaphore_mem>>) src(%dma_wait3A_28 : memref<640x16xf32, #tpu.memory_space<vmem_shared>>) dst(%dma_wait3A_26 : memref<640x16xf32, #tpu.memory_space<hbm>>)
      tpu.yield
    }) : () -> ()
    return
  }
}

#map = affine_map<(d0, d1) -> (0, 0)>
#map1 = affine_map<(d0, d1) -> (0, 0, 0)>
module attributes {stable_mosaic.version = 14 : i64} {
  func.func @_scatter_body(%arg0: i32, %arg1: i32, %arg2: memref<163840x16xf32, #tpu.memory_space<hbm>>, %arg3: memref<32x40x128xi32, #tpu.memory_space<hbm>>, %arg4: memref<10240x16xf32, #tpu.memory_space<hbm>>, %arg5: memref<2x10240x16xf32, #tpu.memory_space<hbm>>, %arg6: memref<40x128xi32, #tpu.memory_space<vmem>>, %arg7: memref<5120x16xf32, #tpu.memory_space<vmem>>, %arg8: memref<10240x16xf32, #tpu.memory_space<vmem_shared>>, %arg9: memref<!tpu.dma_semaphore, #tpu.memory_space<semaphore_mem>>) attributes {dimension_semantics = [#tpu.dimension_semantics<core_parallel>, #tpu.dimension_semantics<subcore_parallel>], iteration_bounds = array<i64: 2, 16>, scalar_prefetch = 0 : i64, scratch_operands = 4 : i64, tpu.core_type = #tpu.core_type<sc_vector_subcore>, window_params = [{transform_indices = #map}, {transform_indices = #map1}, {transform_indices = #map}, {transform_indices = #map1}]} {
    %mul3A = arith.constant 2 : i32
    %mul3A_0 = arith.muli %arg1, %mul3A : i32
    %add3A = arith.addi %mul3A_0, %arg0 : i32
    %mul3A_1 = arith.constant 640 : i32
    %mul3A_2 = arith.muli %arg1, %mul3A_1 : i32
    %mul3A_3 = arith.constant 640 : i32
    %mul3A_4 = arith.muli %arg1, %mul3A_3 : i32
    "tpu.region"() ({
      %run_scoped3A = tpu.sem_alloc : memref<!tpu.dma_semaphore, #tpu.memory_space<semaphore_mem>>
      %dma_start3A = arith.constant 0 : i32
      %dma_start3A_20 = tpu.memref_slice %arg8[%mul3A_4, %dma_start3A] : memref<10240x16xf32, #tpu.memory_space<vmem_shared>> -> memref<640x16xf32, #tpu.memory_space<vmem_shared>>
      %dma_start3A_21 = arith.constant 0 : i32
      %dma_start3A_22 = tpu.memref_slice %arg4[%mul3A_2, %dma_start3A_21] : memref<10240x16xf32, #tpu.memory_space<hbm>> -> memref<640x16xf32, #tpu.memory_space<hbm>>
      tpu.enqueue_dma source(%dma_start3A_22 : memref<640x16xf32, #tpu.memory_space<hbm>>) target(%dma_start3A_20 : memref<640x16xf32, #tpu.memory_space<vmem_shared>>) target_semaphore(%run_scoped3A : memref<!tpu.dma_semaphore, #tpu.memory_space<semaphore_mem>>)
      %dma_wait3A_23 = arith.constant 0 : i32
      %dma_wait3A_24 = tpu.memref_slice %arg8[%mul3A_4, %dma_wait3A_23] : memref<10240x16xf32, #tpu.memory_space<vmem_shared>> -> memref<640x16xf32, #tpu.memory_space<vmem_shared>>
      %dma_wait3A_25 = arith.constant 0 : i32
      %dma_wait3A_26 = tpu.memref_slice %arg4[%mul3A_2, %dma_wait3A_25] : memref<10240x16xf32, #tpu.memory_space<hbm>> -> memref<640x16xf32, #tpu.memory_space<hbm>>
      tpu.wait_dma2 semaphore(%run_scoped3A : memref<!tpu.dma_semaphore, #tpu.memory_space<semaphore_mem>>) src(%dma_wait3A_26 : memref<640x16xf32, #tpu.memory_space<hbm>>) dst(%dma_wait3A_24 : memref<640x16xf32, #tpu.memory_space<vmem_shared>>)
      tpu.yield
    }) : () -> ()
    "tpu.region"() ({
      %run_scoped3A = tpu.sem_alloc : memref<!tpu.dma_semaphore, #tpu.memory_space<semaphore_mem>>
      %dma_start3A = arith.constant 0 : i32
      %dma_start3A_20 = arith.constant 0 : i32
      %dma_start3A_21 = tpu.memref_slice %arg3[%add3A, %dma_start3A, %dma_start3A_20] : memref<32x40x128xi32, #tpu.memory_space<hbm>> -> memref<1x40x128xi32, #tpu.memory_space<hbm>>
      %dma_start3A_22 = tpu.memref_squeeze %dma_start3A_21 : memref<1x40x128xi32, #tpu.memory_space<hbm>> -> memref<40x128xi32, #tpu.memory_space<hbm>>
      %dma_start3A_23 = arith.constant 0 : i32
      %dma_start3A_24 = arith.constant 0 : i32
      %dma_start3A_25 = tpu.memref_slice %arg3[%add3A, %dma_start3A_23, %dma_start3A_24] : memref<32x40x128xi32, #tpu.memory_space<hbm>> -> memref<1x40x128xi32, #tpu.memory_space<hbm>>
      %dma_start3A_26 = tpu.memref_squeeze %dma_start3A_25 : memref<1x40x128xi32, #tpu.memory_space<hbm>> -> memref<40x128xi32, #tpu.memory_space<hbm>>
      tpu.enqueue_dma source(%dma_start3A_26 : memref<40x128xi32, #tpu.memory_space<hbm>>) target(%arg6 : memref<40x128xi32, #tpu.memory_space<vmem>>) target_semaphore(%run_scoped3A : memref<!tpu.dma_semaphore, #tpu.memory_space<semaphore_mem>>)
      %dma_wait3A_27 = arith.constant 0 : i32
      %dma_wait3A_28 = arith.constant 0 : i32
      %dma_wait3A_29 = tpu.memref_slice %arg3[%add3A, %dma_wait3A_27, %dma_wait3A_28] : memref<32x40x128xi32, #tpu.memory_space<hbm>> -> memref<1x40x128xi32, #tpu.memory_space<hbm>>
      %dma_wait3A_30 = tpu.memref_squeeze %dma_wait3A_29 : memref<1x40x128xi32, #tpu.memory_space<hbm>> -> memref<40x128xi32, #tpu.memory_space<hbm>>
      %dma_wait3A_31 = arith.constant 0 : i32
      %dma_wait3A_32 = arith.constant 0 : i32
      %dma_wait3A_33 = tpu.memref_slice %arg3[%add3A, %dma_wait3A_31, %dma_wait3A_32] : memref<32x40x128xi32, #tpu.memory_space<hbm>> -> memref<1x40x128xi32, #tpu.memory_space<hbm>>
      %dma_wait3A_34 = tpu.memref_squeeze %dma_wait3A_33 : memref<1x40x128xi32, #tpu.memory_space<hbm>> -> memref<40x128xi32, #tpu.memory_space<hbm>>
      tpu.wait_dma2 semaphore(%run_scoped3A : memref<!tpu.dma_semaphore, #tpu.memory_space<semaphore_mem>>) src(%dma_wait3A_34 : memref<40x128xi32, #tpu.memory_space<hbm>>) dst(%arg6 : memref<40x128xi32, #tpu.memory_space<vmem>>)
      tpu.yield
    }) : () -> ()
    %mul3A_5 = arith.constant 5120 : i32
    %mul3A_6 = arith.muli %add3A, %mul3A_5 : i32
    "tpu.region"() ({
      %run_scoped3A = tpu.sem_alloc : memref<!tpu.dma_semaphore, #tpu.memory_space<semaphore_mem>>
      %dma_start3A = arith.constant 0 : i32
      %dma_start3A_20 = tpu.memref_slice %arg2[%mul3A_6, %dma_start3A] : memref<163840x16xf32, #tpu.memory_space<hbm>> -> memref<5120x16xf32, #tpu.memory_space<hbm>>
      %dma_start3A_21 = arith.constant 0 : i32
      %dma_start3A_22 = tpu.memref_slice %arg2[%mul3A_6, %dma_start3A_21] : memref<163840x16xf32, #tpu.memory_space<hbm>> -> memref<5120x16xf32, #tpu.memory_space<hbm>>
      tpu.enqueue_dma source(%dma_start3A_22 : memref<5120x16xf32, #tpu.memory_space<hbm>>) target(%arg7 : memref<5120x16xf32, #tpu.memory_space<vmem>>) target_semaphore(%run_scoped3A : memref<!tpu.dma_semaphore, #tpu.memory_space<semaphore_mem>>)
      %dma_wait3A_23 = arith.constant 0 : i32
      %dma_wait3A_24 = tpu.memref_slice %arg2[%mul3A_6, %dma_wait3A_23] : memref<163840x16xf32, #tpu.memory_space<hbm>> -> memref<5120x16xf32, #tpu.memory_space<hbm>>
      %dma_wait3A_25 = arith.constant 0 : i32
      %dma_wait3A_26 = tpu.memref_slice %arg2[%mul3A_6, %dma_wait3A_25] : memref<163840x16xf32, #tpu.memory_space<hbm>> -> memref<5120x16xf32, #tpu.memory_space<hbm>>
      tpu.wait_dma2 semaphore(%run_scoped3A : memref<!tpu.dma_semaphore, #tpu.memory_space<semaphore_mem>>) src(%dma_wait3A_26 : memref<5120x16xf32, #tpu.memory_space<hbm>>) dst(%arg7 : memref<5120x16xf32, #tpu.memory_space<vmem>>)
      tpu.yield
    }) : () -> ()
    %barrier3A = arith.constant 0 : index
    tpu.barrier barrier_id(%barrier3A)
    %scan3A = arith.constant 0 : i32
    %scan3A_7 = arith.constant 0 : i32
    %scan3A_8 = arith.constant 40 : i32
    %scan3A_9 = arith.addi %scan3A_7, %scan3A_8 : i32
    %scan3A_10 = arith.constant 1 : i32
    scf.for %scan3A_20 = %scan3A_7 to %scan3A_9 step %scan3A_10  : i32 {
      %mul3A_21 = arith.constant 128 : i32
      %mul3A_22 = arith.muli %scan3A_20, %mul3A_21 : i32
      %dma_start3A = arith.constant 0 : i32
      %dma_start3A_23 = tpu.memref_slice %arg7[%mul3A_22, %dma_start3A] : memref<5120x16xf32, #tpu.memory_space<vmem>> -> memref<128x16xf32, #tpu.memory_space<vmem>>
      %dma_start3A_24 = arith.constant 0 : i32
      %dma_start3A_25 = tpu.memref_slice %arg6[%scan3A_20, %dma_start3A_24] : memref<40x128xi32, #tpu.memory_space<vmem>> -> memref<1x128xi32, #tpu.memory_space<vmem>>
      %dma_start3A_26 = tpu.memref_squeeze %dma_start3A_25 : memref<1x128xi32, #tpu.memory_space<vmem>> -> memref<128xi32, #tpu.memory_space<vmem>>
      %dma_start3A_27 = arith.constant 0 : i32
      %dma_start3A_28 = arith.constant 0 : i32
      %dma_start3A_29 = tpu.memref_slice %arg8[%dma_start3A_27, %dma_start3A_28] : memref<10240x16xf32, #tpu.memory_space<vmem_shared>> -> memref<10240x16xf32, #tpu.memory_space<vmem_shared>>
      tpu.enqueue_indirect_dma source(%dma_start3A_23 : memref<128x16xf32, #tpu.memory_space<vmem>>) target(%dma_start3A_29 : memref<10240x16xf32, #tpu.memory_space<vmem_shared>>) offsets(%dma_start3A_26 : memref<128xi32, #tpu.memory_space<vmem>>) semaphore(%arg9 : memref<!tpu.dma_semaphore, #tpu.memory_space<semaphore_mem>>) {add = true}
    }
    %scan3A_11 = arith.constant 40 : i32
    %dma_wait3A = arith.constant 0 : i32
    %dma_wait3A_12 = tpu.memref_slice %arg2[%mul3A_6, %dma_wait3A] : memref<163840x16xf32, #tpu.memory_space<hbm>> -> memref<5120x16xf32, #tpu.memory_space<hbm>>
    %dma_wait3A_13 = arith.constant 0 : i32
    %dma_wait3A_14 = tpu.memref_slice %arg2[%mul3A_6, %dma_wait3A_13] : memref<163840x16xf32, #tpu.memory_space<hbm>> -> memref<5120x16xf32, #tpu.memory_space<hbm>>
    tpu.wait_dma2 semaphore(%arg9 : memref<!tpu.dma_semaphore, #tpu.memory_space<semaphore_mem>>) src(%dma_wait3A_14 : memref<5120x16xf32, #tpu.memory_space<hbm>>) dst(%arg7 : memref<5120x16xf32, #tpu.memory_space<vmem>>)
    %barrier3A_15 = arith.constant 0 : index
    tpu.barrier barrier_id(%barrier3A_15)
    %mul3A_16 = arith.constant 640 : i32
    %mul3A_17 = arith.muli %arg1, %mul3A_16 : i32
    %mul3A_18 = arith.constant 640 : i32
    %mul3A_19 = arith.muli %arg1, %mul3A_18 : i32
    "tpu.region"() ({
      %run_scoped3A = tpu.sem_alloc : memref<!tpu.dma_semaphore, #tpu.memory_space<semaphore_mem>>
      %dma_start3A = arith.constant 0 : i32
      %dma_start3A_20 = tpu.memref_slice %arg5[%arg0, %mul3A_19, %dma_start3A] : memref<2x10240x16xf32, #tpu.memory_space<hbm>> -> memref<1x640x16xf32, #tpu.memory_space<hbm>>
      %dma_start3A_21 = tpu.memref_squeeze %dma_start3A_20 : memref<1x640x16xf32, #tpu.memory_space<hbm>> -> memref<640x16xf32, #tpu.memory_space<hbm>>
      %dma_start3A_22 = arith.constant 0 : i32
      %dma_start3A_23 = tpu.memref_slice %arg8[%mul3A_17, %dma_start3A_22] : memref<10240x16xf32, #tpu.memory_space<vmem_shared>> -> memref<640x16xf32, #tpu.memory_space<vmem_shared>>
      tpu.enqueue_dma source(%dma_start3A_23 : memref<640x16xf32, #tpu.memory_space<vmem_shared>>) target(%dma_start3A_21 : memref<640x16xf32, #tpu.memory_space<hbm>>) target_semaphore(%run_scoped3A : memref<!tpu.dma_semaphore, #tpu.memory_space<semaphore_mem>>)
      %dma_wait3A_24 = arith.constant 0 : i32
      %dma_wait3A_25 = tpu.memref_slice %arg5[%arg0, %mul3A_19, %dma_wait3A_24] : memref<2x10240x16xf32, #tpu.memory_space<hbm>> -> memref<1x640x16xf32, #tpu.memory_space<hbm>>
      %dma_wait3A_26 = tpu.memref_squeeze %dma_wait3A_25 : memref<1x640x16xf32, #tpu.memory_space<hbm>> -> memref<640x16xf32, #tpu.memory_space<hbm>>
      %dma_wait3A_27 = arith.constant 0 : i32
      %dma_wait3A_28 = tpu.memref_slice %arg8[%mul3A_17, %dma_wait3A_27] : memref<10240x16xf32, #tpu.memory_space<vmem_shared>> -> memref<640x16xf32, #tpu.memory_space<vmem_shared>>
      tpu.wait_dma2 semaphore(%run_scoped3A : memref<!tpu.dma_semaphore, #tpu.memory_space<semaphore_mem>>) src(%dma_wait3A_28 : memref<640x16xf32, #tpu.memory_space<vmem_shared>>) dst(%dma_wait3A_26 : memref<640x16xf32, #tpu.memory_space<hbm>>)
      tpu.yield
    }) : () -> ()
    return
  }
}

#map = affine_map<(d0, d1) -> (0, 0)>
#map1 = affine_map<(d0, d1) -> (0, 0, 0)>
module attributes {stable_mosaic.version = 14 : i64} {
  func.func @_gather_body(%arg0: i32, %arg1: i32, %arg2: memref<10000x16xf32, #tpu.memory_space<hbm>>, %arg3: memref<32x40x128xi32, #tpu.memory_space<hbm>>, %arg4: memref<163840x16xf32, #tpu.memory_space<hbm>>, %arg5: memref<40x128xi32, #tpu.memory_space<vmem>>, %arg6: memref<5120x16xf32, #tpu.memory_space<vmem>>, %arg7: memref<!tpu.dma_semaphore, #tpu.memory_space<semaphore_mem>>) attributes {dimension_semantics = [#tpu.dimension_semantics<core_parallel>, #tpu.dimension_semantics<subcore_parallel>], iteration_bounds = array<i64: 2, 16>, scalar_prefetch = 0 : i64, scratch_operands = 3 : i64, tpu.core_type = #tpu.core_type<sc_vector_subcore>, window_params = [{transform_indices = #map}, {transform_indices = #map1}, {transform_indices = #map}]} {
    %mul3A = arith.constant 2 : i32
    %mul3A_0 = arith.muli %arg1, %mul3A : i32
    %add3A = arith.addi %mul3A_0, %arg0 : i32
    %mul3A_1 = arith.constant 5120 : i32
    %mul3A_2 = arith.muli %add3A, %mul3A_1 : i32
    "tpu.region"() ({
      %run_scoped3A = tpu.sem_alloc : memref<!tpu.dma_semaphore, #tpu.memory_space<semaphore_mem>>
      %dma_start3A = arith.constant 0 : i32
      %dma_start3A_11 = arith.constant 0 : i32
      %dma_start3A_12 = tpu.memref_slice %arg3[%add3A, %dma_start3A, %dma_start3A_11] : memref<32x40x128xi32, #tpu.memory_space<hbm>> -> memref<1x40x128xi32, #tpu.memory_space<hbm>>
      %dma_start3A_13 = tpu.memref_squeeze %dma_start3A_12 : memref<1x40x128xi32, #tpu.memory_space<hbm>> -> memref<40x128xi32, #tpu.memory_space<hbm>>
      %dma_start3A_14 = arith.constant 0 : i32
      %dma_start3A_15 = arith.constant 0 : i32
      %dma_start3A_16 = tpu.memref_slice %arg3[%add3A, %dma_start3A_14, %dma_start3A_15] : memref<32x40x128xi32, #tpu.memory_space<hbm>> -> memref<1x40x128xi32, #tpu.memory_space<hbm>>
      %dma_start3A_17 = tpu.memref_squeeze %dma_start3A_16 : memref<1x40x128xi32, #tpu.memory_space<hbm>> -> memref<40x128xi32, #tpu.memory_space<hbm>>
      tpu.enqueue_dma source(%dma_start3A_17 : memref<40x128xi32, #tpu.memory_space<hbm>>) target(%arg5 : memref<40x128xi32, #tpu.memory_space<vmem>>) target_semaphore(%run_scoped3A : memref<!tpu.dma_semaphore, #tpu.memory_space<semaphore_mem>>)
      %dma_wait3A_18 = arith.constant 0 : i32
      %dma_wait3A_19 = arith.constant 0 : i32
      %dma_wait3A_20 = tpu.memref_slice %arg3[%add3A, %dma_wait3A_18, %dma_wait3A_19] : memref<32x40x128xi32, #tpu.memory_space<hbm>> -> memref<1x40x128xi32, #tpu.memory_space<hbm>>
      %dma_wait3A_21 = tpu.memref_squeeze %dma_wait3A_20 : memref<1x40x128xi32, #tpu.memory_space<hbm>> -> memref<40x128xi32, #tpu.memory_space<hbm>>
      %dma_wait3A_22 = arith.constant 0 : i32
      %dma_wait3A_23 = arith.constant 0 : i32
      %dma_wait3A_24 = tpu.memref_slice %arg3[%add3A, %dma_wait3A_22, %dma_wait3A_23] : memref<32x40x128xi32, #tpu.memory_space<hbm>> -> memref<1x40x128xi32, #tpu.memory_space<hbm>>
      %dma_wait3A_25 = tpu.memref_squeeze %dma_wait3A_24 : memref<1x40x128xi32, #tpu.memory_space<hbm>> -> memref<40x128xi32, #tpu.memory_space<hbm>>
      tpu.wait_dma2 semaphore(%run_scoped3A : memref<!tpu.dma_semaphore, #tpu.memory_space<semaphore_mem>>) src(%dma_wait3A_25 : memref<40x128xi32, #tpu.memory_space<hbm>>) dst(%arg5 : memref<40x128xi32, #tpu.memory_space<vmem>>)
      tpu.yield
    }) : () -> ()
    %scan3A = arith.constant 0 : i32
    %scan3A_3 = arith.constant 0 : i32
    %scan3A_4 = arith.constant 40 : i32
    %scan3A_5 = arith.addi %scan3A_3, %scan3A_4 : i32
    %scan3A_6 = arith.constant 1 : i32
    scf.for %scan3A_11 = %scan3A_3 to %scan3A_5 step %scan3A_6  : i32 {
      %mul3A_12 = arith.constant 128 : i32
      %mul3A_13 = arith.muli %scan3A_11, %mul3A_12 : i32
      %dma_start3A = arith.constant 0 : i32
      %dma_start3A_14 = tpu.memref_slice %arg6[%mul3A_13, %dma_start3A] : memref<5120x16xf32, #tpu.memory_space<vmem>> -> memref<128x16xf32, #tpu.memory_space<vmem>>
      %dma_start3A_15 = arith.constant 0 : i32
      %dma_start3A_16 = tpu.memref_slice %arg5[%scan3A_11, %dma_start3A_15] : memref<40x128xi32, #tpu.memory_space<vmem>> -> memref<1x128xi32, #tpu.memory_space<vmem>>
      %dma_start3A_17 = tpu.memref_squeeze %dma_start3A_16 : memref<1x128xi32, #tpu.memory_space<vmem>> -> memref<128xi32, #tpu.memory_space<vmem>>
      %dma_start3A_18 = arith.constant 0 : i32
      %dma_start3A_19 = arith.constant 0 : i32
      %dma_start3A_20 = tpu.memref_slice %arg2[%dma_start3A_18, %dma_start3A_19] : memref<10000x16xf32, #tpu.memory_space<hbm>> -> memref<10000x16xf32, #tpu.memory_space<hbm>>
      tpu.enqueue_indirect_dma source(%dma_start3A_20 : memref<10000x16xf32, #tpu.memory_space<hbm>>) target(%dma_start3A_14 : memref<128x16xf32, #tpu.memory_space<vmem>>) offsets(%dma_start3A_17 : memref<128xi32, #tpu.memory_space<vmem>>) semaphore(%arg7 : memref<!tpu.dma_semaphore, #tpu.memory_space<semaphore_mem>>)
    }
    %scan3A_7 = arith.constant 40 : i32
    %dma_wait3A = arith.constant 0 : i32
    %dma_wait3A_8 = tpu.memref_slice %arg4[%mul3A_2, %dma_wait3A] : memref<163840x16xf32, #tpu.memory_space<hbm>> -> memref<5120x16xf32, #tpu.memory_space<hbm>>
    %dma_wait3A_9 = arith.constant 0 : i32
    %dma_wait3A_10 = tpu.memref_slice %arg4[%mul3A_2, %dma_wait3A_9] : memref<163840x16xf32, #tpu.memory_space<hbm>> -> memref<5120x16xf32, #tpu.memory_space<hbm>>
    tpu.wait_dma2 semaphore(%arg7 : memref<!tpu.dma_semaphore, #tpu.memory_space<semaphore_mem>>) src(%dma_wait3A_10 : memref<5120x16xf32, #tpu.memory_space<hbm>>) dst(%arg6 : memref<5120x16xf32, #tpu.memory_space<vmem>>)
    "tpu.region"() ({
      %run_scoped3A = tpu.sem_alloc : memref<!tpu.dma_semaphore, #tpu.memory_space<semaphore_mem>>
      %dma_start3A = arith.constant 0 : i32
      %dma_start3A_11 = tpu.memref_slice %arg4[%mul3A_2, %dma_start3A] : memref<163840x16xf32, #tpu.memory_space<hbm>> -> memref<5120x16xf32, #tpu.memory_space<hbm>>
      %dma_start3A_12 = arith.constant 0 : i32
      %dma_start3A_13 = tpu.memref_slice %arg4[%mul3A_2, %dma_start3A_12] : memref<163840x16xf32, #tpu.memory_space<hbm>> -> memref<5120x16xf32, #tpu.memory_space<hbm>>
      tpu.enqueue_dma source(%arg6 : memref<5120x16xf32, #tpu.memory_space<vmem>>) target(%dma_start3A_13 : memref<5120x16xf32, #tpu.memory_space<hbm>>) target_semaphore(%run_scoped3A : memref<!tpu.dma_semaphore, #tpu.memory_space<semaphore_mem>>)
      %dma_wait3A_14 = arith.constant 0 : i32
      %dma_wait3A_15 = tpu.memref_slice %arg4[%mul3A_2, %dma_wait3A_14] : memref<163840x16xf32, #tpu.memory_space<hbm>> -> memref<5120x16xf32, #tpu.memory_space<hbm>>
      %dma_wait3A_16 = arith.constant 0 : i32
      %dma_wait3A_17 = tpu.memref_slice %arg4[%mul3A_2, %dma_wait3A_16] : memref<163840x16xf32, #tpu.memory_space<hbm>> -> memref<5120x16xf32, #tpu.memory_space<hbm>>
      tpu.wait_dma2 semaphore(%run_scoped3A : memref<!tpu.dma_semaphore, #tpu.memory_space<semaphore_mem>>) src(%arg6 : memref<5120x16xf32, #tpu.memory_space<vmem>>) dst(%dma_wait3A_17 : memref<5120x16xf32, #tpu.memory_space<hbm>>)
      tpu.yield
    }) : () -> ()
    return
  }
}

#map = affine_map<(d0, d1) -> (0, 0)>
#map1 = affine_map<(d0, d1) -> (0, 0, 0)>
module attributes {stable_mosaic.version = 14 : i64} {
  func.func @_scatter_body(%arg0: i32, %arg1: i32, %arg2: memref<163840x16xf32, #tpu.memory_space<hbm>>, %arg3: memref<32x40x128xi32, #tpu.memory_space<hbm>>, %arg4: memref<10240x16xf32, #tpu.memory_space<hbm>>, %arg5: memref<2x10240x16xf32, #tpu.memory_space<hbm>>, %arg6: memref<40x128xi32, #tpu.memory_space<vmem>>, %arg7: memref<5120x16xf32, #tpu.memory_space<vmem>>, %arg8: memref<10240x16xf32, #tpu.memory_space<vmem_shared>>, %arg9: memref<!tpu.dma_semaphore, #tpu.memory_space<semaphore_mem>>) attributes {dimension_semantics = [#tpu.dimension_semantics<core_parallel>, #tpu.dimension_semantics<subcore_parallel>], iteration_bounds = array<i64: 2, 16>, scalar_prefetch = 0 : i64, scratch_operands = 4 : i64, tpu.core_type = #tpu.core_type<sc_vector_subcore>, window_params = [{transform_indices = #map}, {transform_indices = #map1}, {transform_indices = #map}, {transform_indices = #map1}]} {
    %mul3A = arith.constant 2 : i32
    %mul3A_0 = arith.muli %arg1, %mul3A : i32
    %add3A = arith.addi %mul3A_0, %arg0 : i32
    %mul3A_1 = arith.constant 640 : i32
    %mul3A_2 = arith.muli %arg1, %mul3A_1 : i32
    %mul3A_3 = arith.constant 640 : i32
    %mul3A_4 = arith.muli %arg1, %mul3A_3 : i32
    "tpu.region"() ({
      %run_scoped3A = tpu.sem_alloc : memref<!tpu.dma_semaphore, #tpu.memory_space<semaphore_mem>>
      %dma_start3A = arith.constant 0 : i32
      %dma_start3A_20 = tpu.memref_slice %arg8[%mul3A_4, %dma_start3A] : memref<10240x16xf32, #tpu.memory_space<vmem_shared>> -> memref<640x16xf32, #tpu.memory_space<vmem_shared>>
      %dma_start3A_21 = arith.constant 0 : i32
      %dma_start3A_22 = tpu.memref_slice %arg4[%mul3A_2, %dma_start3A_21] : memref<10240x16xf32, #tpu.memory_space<hbm>> -> memref<640x16xf32, #tpu.memory_space<hbm>>
      tpu.enqueue_dma source(%dma_start3A_22 : memref<640x16xf32, #tpu.memory_space<hbm>>) target(%dma_start3A_20 : memref<640x16xf32, #tpu.memory_space<vmem_shared>>) target_semaphore(%run_scoped3A : memref<!tpu.dma_semaphore, #tpu.memory_space<semaphore_mem>>)
      %dma_wait3A_23 = arith.constant 0 : i32
      %dma_wait3A_24 = tpu.memref_slice %arg8[%mul3A_4, %dma_wait3A_23] : memref<10240x16xf32, #tpu.memory_space<vmem_shared>> -> memref<640x16xf32, #tpu.memory_space<vmem_shared>>
      %dma_wait3A_25 = arith.constant 0 : i32
      %dma_wait3A_26 = tpu.memref_slice %arg4[%mul3A_2, %dma_wait3A_25] : memref<10240x16xf32, #tpu.memory_space<hbm>> -> memref<640x16xf32, #tpu.memory_space<hbm>>
      tpu.wait_dma2 semaphore(%run_scoped3A : memref<!tpu.dma_semaphore, #tpu.memory_space<semaphore_mem>>) src(%dma_wait3A_26 : memref<640x16xf32, #tpu.memory_space<hbm>>) dst(%dma_wait3A_24 : memref<640x16xf32, #tpu.memory_space<vmem_shared>>)
      tpu.yield
    }) : () -> ()
    "tpu.region"() ({
      %run_scoped3A = tpu.sem_alloc : memref<!tpu.dma_semaphore, #tpu.memory_space<semaphore_mem>>
      %dma_start3A = arith.constant 0 : i32
      %dma_start3A_20 = arith.constant 0 : i32
      %dma_start3A_21 = tpu.memref_slice %arg3[%add3A, %dma_start3A, %dma_start3A_20] : memref<32x40x128xi32, #tpu.memory_space<hbm>> -> memref<1x40x128xi32, #tpu.memory_space<hbm>>
      %dma_start3A_22 = tpu.memref_squeeze %dma_start3A_21 : memref<1x40x128xi32, #tpu.memory_space<hbm>> -> memref<40x128xi32, #tpu.memory_space<hbm>>
      %dma_start3A_23 = arith.constant 0 : i32
      %dma_start3A_24 = arith.constant 0 : i32
      %dma_start3A_25 = tpu.memref_slice %arg3[%add3A, %dma_start3A_23, %dma_start3A_24] : memref<32x40x128xi32, #tpu.memory_space<hbm>> -> memref<1x40x128xi32, #tpu.memory_space<hbm>>
      %dma_start3A_26 = tpu.memref_squeeze %dma_start3A_25 : memref<1x40x128xi32, #tpu.memory_space<hbm>> -> memref<40x128xi32, #tpu.memory_space<hbm>>
      tpu.enqueue_dma source(%dma_start3A_26 : memref<40x128xi32, #tpu.memory_space<hbm>>) target(%arg6 : memref<40x128xi32, #tpu.memory_space<vmem>>) target_semaphore(%run_scoped3A : memref<!tpu.dma_semaphore, #tpu.memory_space<semaphore_mem>>)
      %dma_wait3A_27 = arith.constant 0 : i32
      %dma_wait3A_28 = arith.constant 0 : i32
      %dma_wait3A_29 = tpu.memref_slice %arg3[%add3A, %dma_wait3A_27, %dma_wait3A_28] : memref<32x40x128xi32, #tpu.memory_space<hbm>> -> memref<1x40x128xi32, #tpu.memory_space<hbm>>
      %dma_wait3A_30 = tpu.memref_squeeze %dma_wait3A_29 : memref<1x40x128xi32, #tpu.memory_space<hbm>> -> memref<40x128xi32, #tpu.memory_space<hbm>>
      %dma_wait3A_31 = arith.constant 0 : i32
      %dma_wait3A_32 = arith.constant 0 : i32
      %dma_wait3A_33 = tpu.memref_slice %arg3[%add3A, %dma_wait3A_31, %dma_wait3A_32] : memref<32x40x128xi32, #tpu.memory_space<hbm>> -> memref<1x40x128xi32, #tpu.memory_space<hbm>>
      %dma_wait3A_34 = tpu.memref_squeeze %dma_wait3A_33 : memref<1x40x128xi32, #tpu.memory_space<hbm>> -> memref<40x128xi32, #tpu.memory_space<hbm>>
      tpu.wait_dma2 semaphore(%run_scoped3A : memref<!tpu.dma_semaphore, #tpu.memory_space<semaphore_mem>>) src(%dma_wait3A_34 : memref<40x128xi32, #tpu.memory_space<hbm>>) dst(%arg6 : memref<40x128xi32, #tpu.memory_space<vmem>>)
      tpu.yield
    }) : () -> ()
    %mul3A_5 = arith.constant 5120 : i32
    %mul3A_6 = arith.muli %add3A, %mul3A_5 : i32
    "tpu.region"() ({
      %run_scoped3A = tpu.sem_alloc : memref<!tpu.dma_semaphore, #tpu.memory_space<semaphore_mem>>
      %dma_start3A = arith.constant 0 : i32
      %dma_start3A_20 = tpu.memref_slice %arg2[%mul3A_6, %dma_start3A] : memref<163840x16xf32, #tpu.memory_space<hbm>> -> memref<5120x16xf32, #tpu.memory_space<hbm>>
      %dma_start3A_21 = arith.constant 0 : i32
      %dma_start3A_22 = tpu.memref_slice %arg2[%mul3A_6, %dma_start3A_21] : memref<163840x16xf32, #tpu.memory_space<hbm>> -> memref<5120x16xf32, #tpu.memory_space<hbm>>
      tpu.enqueue_dma source(%dma_start3A_22 : memref<5120x16xf32, #tpu.memory_space<hbm>>) target(%arg7 : memref<5120x16xf32, #tpu.memory_space<vmem>>) target_semaphore(%run_scoped3A : memref<!tpu.dma_semaphore, #tpu.memory_space<semaphore_mem>>)
      %dma_wait3A_23 = arith.constant 0 : i32
      %dma_wait3A_24 = tpu.memref_slice %arg2[%mul3A_6, %dma_wait3A_23] : memref<163840x16xf32, #tpu.memory_space<hbm>> -> memref<5120x16xf32, #tpu.memory_space<hbm>>
      %dma_wait3A_25 = arith.constant 0 : i32
      %dma_wait3A_26 = tpu.memref_slice %arg2[%mul3A_6, %dma_wait3A_25] : memref<163840x16xf32, #tpu.memory_space<hbm>> -> memref<5120x16xf32, #tpu.memory_space<hbm>>
      tpu.wait_dma2 semaphore(%run_scoped3A : memref<!tpu.dma_semaphore, #tpu.memory_space<semaphore_mem>>) src(%dma_wait3A_26 : memref<5120x16xf32, #tpu.memory_space<hbm>>) dst(%arg7 : memref<5120x16xf32, #tpu.memory_space<vmem>>)
      tpu.yield
    }) : () -> ()
    %barrier3A = arith.constant 0 : index
    tpu.barrier barrier_id(%barrier3A)
    %scan3A = arith.constant 0 : i32
    %scan3A_7 = arith.constant 0 : i32
    %scan3A_8 = arith.constant 40 : i32
    %scan3A_9 = arith.addi %scan3A_7, %scan3A_8 : i32
    %scan3A_10 = arith.constant 1 : i32
    scf.for %scan3A_20 = %scan3A_7 to %scan3A_9 step %scan3A_10  : i32 {
      %mul3A_21 = arith.constant 128 : i32
      %mul3A_22 = arith.muli %scan3A_20, %mul3A_21 : i32
      %dma_start3A = arith.constant 0 : i32
      %dma_start3A_23 = tpu.memref_slice %arg7[%mul3A_22, %dma_start3A] : memref<5120x16xf32, #tpu.memory_space<vmem>> -> memref<128x16xf32, #tpu.memory_space<vmem>>
      %dma_start3A_24 = arith.constant 0 : i32
      %dma_start3A_25 = tpu.memref_slice %arg6[%scan3A_20, %dma_start3A_24] : memref<40x128xi32, #tpu.memory_space<vmem>> -> memref<1x128xi32, #tpu.memory_space<vmem>>
      %dma_start3A_26 = tpu.memref_squeeze %dma_start3A_25 : memref<1x128xi32, #tpu.memory_space<vmem>> -> memref<128xi32, #tpu.memory_space<vmem>>
      %dma_start3A_27 = arith.constant 0 : i32
      %dma_start3A_28 = arith.constant 0 : i32
      %dma_start3A_29 = tpu.memref_slice %arg8[%dma_start3A_27, %dma_start3A_28] : memref<10240x16xf32, #tpu.memory_space<vmem_shared>> -> memref<10240x16xf32, #tpu.memory_space<vmem_shared>>
      tpu.enqueue_indirect_dma source(%dma_start3A_23 : memref<128x16xf32, #tpu.memory_space<vmem>>) target(%dma_start3A_29 : memref<10240x16xf32, #tpu.memory_space<vmem_shared>>) offsets(%dma_start3A_26 : memref<128xi32, #tpu.memory_space<vmem>>) semaphore(%arg9 : memref<!tpu.dma_semaphore, #tpu.memory_space<semaphore_mem>>) {add = true}
    }
    %scan3A_11 = arith.constant 40 : i32
    %dma_wait3A = arith.constant 0 : i32
    %dma_wait3A_12 = tpu.memref_slice %arg2[%mul3A_6, %dma_wait3A] : memref<163840x16xf32, #tpu.memory_space<hbm>> -> memref<5120x16xf32, #tpu.memory_space<hbm>>
    %dma_wait3A_13 = arith.constant 0 : i32
    %dma_wait3A_14 = tpu.memref_slice %arg2[%mul3A_6, %dma_wait3A_13] : memref<163840x16xf32, #tpu.memory_space<hbm>> -> memref<5120x16xf32, #tpu.memory_space<hbm>>
    tpu.wait_dma2 semaphore(%arg9 : memref<!tpu.dma_semaphore, #tpu.memory_space<semaphore_mem>>) src(%dma_wait3A_14 : memref<5120x16xf32, #tpu.memory_space<hbm>>) dst(%arg7 : memref<5120x16xf32, #tpu.memory_space<vmem>>)
    %barrier3A_15 = arith.constant 0 : index
    tpu.barrier barrier_id(%barrier3A_15)
    %mul3A_16 = arith.constant 640 : i32
    %mul3A_17 = arith.muli %arg1, %mul3A_16 : i32
    %mul3A_18 = arith.constant 640 : i32
    %mul3A_19 = arith.muli %arg1, %mul3A_18 : i32
    "tpu.region"() ({
      %run_scoped3A = tpu.sem_alloc : memref<!tpu.dma_semaphore, #tpu.memory_space<semaphore_mem>>
      %dma_start3A = arith.constant 0 : i32
      %dma_start3A_20 = tpu.memref_slice %arg5[%arg0, %mul3A_19, %dma_start3A] : memref<2x10240x16xf32, #tpu.memory_space<hbm>> -> memref<1x640x16xf32, #tpu.memory_space<hbm>>
      %dma_start3A_21 = tpu.memref_squeeze %dma_start3A_20 : memref<1x640x16xf32, #tpu.memory_space<hbm>> -> memref<640x16xf32, #tpu.memory_space<hbm>>
      %dma_start3A_22 = arith.constant 0 : i32
      %dma_start3A_23 = tpu.memref_slice %arg8[%mul3A_17, %dma_start3A_22] : memref<10240x16xf32, #tpu.memory_space<vmem_shared>> -> memref<640x16xf32, #tpu.memory_space<vmem_shared>>
      tpu.enqueue_dma source(%dma_start3A_23 : memref<640x16xf32, #tpu.memory_space<vmem_shared>>) target(%dma_start3A_21 : memref<640x16xf32, #tpu.memory_space<hbm>>) target_semaphore(%run_scoped3A : memref<!tpu.dma_semaphore, #tpu.memory_space<semaphore_mem>>)
      %dma_wait3A_24 = arith.constant 0 : i32
      %dma_wait3A_25 = tpu.memref_slice %arg5[%arg0, %mul3A_19, %dma_wait3A_24] : memref<2x10240x16xf32, #tpu.memory_space<hbm>> -> memref<1x640x16xf32, #tpu.memory_space<hbm>>
      %dma_wait3A_26 = tpu.memref_squeeze %dma_wait3A_25 : memref<1x640x16xf32, #tpu.memory_space<hbm>> -> memref<640x16xf32, #tpu.memory_space<hbm>>
      %dma_wait3A_27 = arith.constant 0 : i32
      %dma_wait3A_28 = tpu.memref_slice %arg8[%mul3A_17, %dma_wait3A_27] : memref<10240x16xf32, #tpu.memory_space<vmem_shared>> -> memref<640x16xf32, #tpu.memory_space<vmem_shared>>
      tpu.wait_dma2 semaphore(%run_scoped3A : memref<!tpu.dma_semaphore, #tpu.memory_space<semaphore_mem>>) src(%dma_wait3A_28 : memref<640x16xf32, #tpu.memory_space<vmem_shared>>) dst(%dma_wait3A_26 : memref<640x16xf32, #tpu.memory_space<hbm>>)
      tpu.yield
    }) : () -> ()
    return
  }
}

module attributes {stable_mosaic.version = 14 : i64} {
  func.func @_edge_body(%arg0: i32, %arg1: memref<2048x128xf32, #tpu.memory_space<vmem>>, %arg2: memref<512x128xf32, #tpu.memory_space<vmem>>, %arg3: memref<128x1024xf32, #tpu.memory_space<vmem>>, %arg4: memref<1x1024xf32, #tpu.memory_space<vmem>>, %arg5: memref<256x2048xf32, #tpu.memory_space<vmem>>, %arg6: memref<1x2048xf32, #tpu.memory_space<vmem>>, %arg7: memref<128x2048xf32, #tpu.memory_space<vmem>>, %arg8: memref<2048x128xf32, #tpu.memory_space<vmem>>, %arg9: memref<2048x128xf32, #tpu.memory_space<vmem>>) attributes {dimension_semantics = [#tpu.dimension_semantics<arbitrary>], iteration_bounds = array<i64: 10>, scalar_prefetch = 0 : i64, scratch_operands = 0 : i64, tpu.core_type = #tpu.core_type<tc>, window_params = [{transform_indices = @transform_0, window_bounds = array<i64: 2048, 128>}, {transform_indices = @transform_1, window_bounds = array<i64: 512, 128>}, {pipeline_mode = #tpu.pipeline_mode<synchronous>, transform_indices = @transform_2, window_bounds = array<i64: 128, 1024>}, {pipeline_mode = #tpu.pipeline_mode<synchronous>, transform_indices = @transform_3, window_bounds = array<i64: 1, 1024>}, {pipeline_mode = #tpu.pipeline_mode<synchronous>, transform_indices = @transform_4, window_bounds = array<i64: 256, 2048>}, {pipeline_mode = #tpu.pipeline_mode<synchronous>, transform_indices = @transform_5, window_bounds = array<i64: 1, 2048>}, {pipeline_mode = #tpu.pipeline_mode<synchronous>, transform_indices = @transform_6, window_bounds = array<i64: 128, 2048>}, {pipeline_mode = #tpu.pipeline_mode<synchronous>, transform_indices = @transform_7, window_bounds = array<i64: 2048, 128>}, {transform_indices = @transform_8, window_bounds = array<i64: 2048, 128>}]} {
    %iota3A = tpu.iota {dimensions = array<i32: 0>} : vector<2048x128xi32>
    %mul3A = arith.constant 2048 : i32
    %mul3A_0 = arith.muli %arg0, %mul3A : i32
    %add3A = vector.broadcast %mul3A_0 : i32 to vector<2048x128xi32>
    %add3A_1 = arith.addi %iota3A, %add3A : vector<2048x128xi32>
    %lt3A = arith.constant 20000 : i32
    %lt3A_2 = vector.broadcast %lt3A : i32 to vector<2048x128xi32>
    %lt3A_3 = arith.cmpi slt, %add3A_1, %lt3A_2 : vector<2048x128xi32>
    %get3A = arith.constant 0 : index
    %get3A_4 = arith.constant 0 : index
    %get3A_5 = vector.load %arg1[%get3A, %get3A_4] : memref<2048x128xf32, #tpu.memory_space<vmem>>, vector<2048x128xf32>
    %jit3A = arith.constant 0.000000e+00 : f32
    %broadcast_in_dim3A = vector.broadcast %jit3A : f32 to vector<2048x128xf32>
    %select_n3A = arith.select %lt3A_3, %get3A_5, %broadcast_in_dim3A : vector<2048x128xi1>, vector<2048x128xf32>
    %get3A_6 = arith.constant 0 : index
    %get3A_7 = arith.constant 0 : index
    %get3A_8 = vector.load %arg2[%get3A_6, %get3A_7] : memref<512x128xf32, #tpu.memory_space<vmem>>, vector<512x128xf32>
    %get3A_9 = arith.constant 0 : index
    %get3A_10 = arith.constant 0 : index
    %get3A_11 = vector.load %arg3[%get3A_9, %get3A_10] : memref<128x1024xf32, #tpu.memory_space<vmem>>, vector<128x1024xf32>
    %dot_general3A = arith.constant dense<0.000000e+00> : vector<512x1024xf32>
    %dot_general3A_12 = tpu.matmul %get3A_8, %get3A_11, %dot_general3A {dimension_numbers = #tpu.dot_dimension_numbers<[1], [0], [0], [1], [0, 0, 1, 1], [], []>, transpose_lhs_hint = false} : vector<512x128xf32>, vector<128x1024xf32>, vector<512x1024xf32> -> vector<512x1024xf32>
    %get3A_13 = arith.constant 0 : index
    %get3A_14 = arith.constant 0 : index
    %get3A_15 = vector.load %arg4[%get3A_13, %get3A_14] : memref<1x1024xf32, #tpu.memory_space<vmem>>, vector<1x1024xf32>
    %add3A_16 = vector.broadcast %get3A_15 : vector<1x1024xf32> to vector<512x1024xf32>
    %add3A_17 = arith.addf %dot_general3A_12, %add3A_16 : vector<512x1024xf32>
    %max3A = arith.constant 0.000000e+00 : f32
    %max3A_18 = vector.broadcast %max3A : f32 to vector<512x1024xf32>
    %max3A_19 = arith.maximumf %add3A_17, %max3A_18 : vector<512x1024xf32>
    %reshape3A = vector.shape_cast %max3A_19 : vector<512x1024xf32> to vector<2048x256xf32>
    %get3A_20 = arith.constant 0 : index
    %get3A_21 = arith.constant 0 : index
    %get3A_22 = vector.load %arg5[%get3A_20, %get3A_21] : memref<256x2048xf32, #tpu.memory_space<vmem>>, vector<256x2048xf32>
    %dot_general3A_23 = arith.constant dense<0.000000e+00> : vector<2048x2048xf32>
    %dot_general3A_24 = tpu.matmul %reshape3A, %get3A_22, %dot_general3A_23 {dimension_numbers = #tpu.dot_dimension_numbers<[1], [0], [0], [1], [0, 0, 1, 1], [], []>, transpose_lhs_hint = false} : vector<2048x256xf32>, vector<256x2048xf32>, vector<2048x2048xf32> -> vector<2048x2048xf32>
    %get3A_25 = arith.constant 0 : index
    %get3A_26 = arith.constant 0 : index
    %get3A_27 = vector.load %arg6[%get3A_25, %get3A_26] : memref<1x2048xf32, #tpu.memory_space<vmem>>, vector<1x2048xf32>
    %add3A_28 = vector.broadcast %get3A_27 : vector<1x2048xf32> to vector<2048x2048xf32>
    %add3A_29 = arith.addf %dot_general3A_24, %add3A_28 : vector<2048x2048xf32>
    %get3A_30 = arith.constant 0 : index
    %get3A_31 = arith.constant 0 : index
    %get3A_32 = vector.load %arg7[%get3A_30, %get3A_31] : memref<128x2048xf32, #tpu.memory_space<vmem>>, vector<128x2048xf32>
    %dot_general3A_33 = arith.constant dense<0.000000e+00> : vector<2048x2048xf32>
    %dot_general3A_34 = tpu.matmul %select_n3A, %get3A_32, %dot_general3A_33 {dimension_numbers = #tpu.dot_dimension_numbers<[1], [0], [0], [1], [0, 0, 1, 1], [], []>, transpose_lhs_hint = false} : vector<2048x128xf32>, vector<128x2048xf32>, vector<2048x2048xf32> -> vector<2048x2048xf32>
    %mul3A_35 = arith.mulf %dot_general3A_34, %add3A_29 : vector<2048x2048xf32>
    %get3A_36 = arith.constant 0 : index
    %get3A_37 = arith.constant 0 : index
    %get3A_38 = vector.load %arg8[%get3A_36, %get3A_37] : memref<2048x128xf32, #tpu.memory_space<vmem>>, vector<2048x128xf32>
    %dot_general3A_39 = arith.constant dense<0.000000e+00> : vector<2048x128xf32>
    %dot_general3A_40 = tpu.matmul %mul3A_35, %get3A_38, %dot_general3A_39 {dimension_numbers = #tpu.dot_dimension_numbers<[1], [0], [0], [1], [0, 0, 1, 1], [], []>, transpose_lhs_hint = false} : vector<2048x2048xf32>, vector<2048x128xf32>, vector<2048x128xf32> -> vector<2048x128xf32>
    %swap3A = arith.constant 0 : index
    %swap3A_41 = arith.constant 0 : index
    %swap3A_42 = vector.load %arg9[%swap3A, %swap3A_41] : memref<2048x128xf32, #tpu.memory_space<vmem>>, vector<2048x128xf32>
    tpu.vector_store %arg9[%swap3A, %swap3A_41], %dot_general3A_40 {strides = array<i32>} : memref<2048x128xf32, #tpu.memory_space<vmem>>, vector<2048x128xf32>,
    return
  }
  func.func @transform_0(%arg0: i32) -> (i32, i32) {
    %c0_i32 = arith.constant 0 : i32
    %c0_i32_0 = arith.constant 0 : i32
    return %arg0, %c0_i32 : i32, i32
  }
  func.func @transform_1(%arg0: i32) -> (i32, i32) {
    %c0_i32 = arith.constant 0 : i32
    %c0_i32_0 = arith.constant 0 : i32
    return %arg0, %c0_i32 : i32, i32
  }
  func.func @transform_2(%arg0: i32) -> (i32, i32) {
    %c0_i32 = arith.constant 0 : i32
    %c0_i32_0 = arith.constant 0 : i32
    %c0_i32_1 = arith.constant 0 : i32
    return %c0_i32, %c0_i32_0 : i32, i32
  }
  func.func @transform_3(%arg0: i32) -> (i32, i32) {
    %c0_i32 = arith.constant 0 : i32
    %c0_i32_0 = arith.constant 0 : i32
    %c0_i32_1 = arith.constant 0 : i32
    return %c0_i32, %c0_i32_0 : i32, i32
  }
  func.func @transform_4(%arg0: i32) -> (i32, i32) {
    %c0_i32 = arith.constant 0 : i32
    %c0_i32_0 = arith.constant 0 : i32
    %c0_i32_1 = arith.constant 0 : i32
    return %c0_i32, %c0_i32_0 : i32, i32
  }
  func.func @transform_5(%arg0: i32) -> (i32, i32) {
    %c0_i32 = arith.constant 0 : i32
    %c0_i32_0 = arith.constant 0 : i32
    %c0_i32_1 = arith.constant 0 : i32
    return %c0_i32, %c0_i32_0 : i32, i32
  }
  func.func @transform_6(%arg0: i32) -> (i32, i32) {
    %c0_i32 = arith.constant 0 : i32
    %c0_i32_0 = arith.constant 0 : i32
    %c0_i32_1 = arith.constant 0 : i32
    return %c0_i32, %c0_i32_0 : i32, i32
  }
  func.func @transform_7(%arg0: i32) -> (i32, i32) {
    %c0_i32 = arith.constant 0 : i32
    %c0_i32_0 = arith.constant 0 : i32
    %c0_i32_1 = arith.constant 0 : i32
    return %c0_i32, %c0_i32_0 : i32, i32
  }
  func.func @transform_8(%arg0: i32) -> (i32, i32) {
    %c0_i32 = arith.constant 0 : i32
    %c0_i32_0 = arith.constant 0 : i32
    return %arg0, %c0_i32 : i32, i32
  }
}

module attributes {stable_mosaic.version = 14 : i64} {
  func.func @_fin_body(%arg0: memref<10000x16xf32, #tpu.memory_space<vmem>>, %arg1: memref<2x10240x16xf32, #tpu.memory_space<vmem>>, %arg2: memref<2x10240x16xf32, #tpu.memory_space<vmem>>, %arg3: memref<16x16xf32, #tpu.memory_space<vmem>>, %arg4: memref<1x16xf32, #tpu.memory_space<vmem>>, %arg5: memref<10000x16xf32, #tpu.memory_space<vmem>>) attributes {dimension_semantics = [], scalar_prefetch = 0 : i64, scratch_operands = 0 : i64, tpu.core_type = #tpu.core_type<tc>} {
    %get3A = arith.constant 0 : index
    %get3A_0 = arith.constant 0 : index
    %get3A_1 = arith.constant 0 : index
    %get3A_2 = vector.load %arg1[%get3A, %get3A_0, %get3A_1] : memref<2x10240x16xf32, #tpu.memory_space<vmem>>, vector<1x10000x16xf32>
    %get3A_3 = vector.shape_cast %get3A_2 : vector<1x10000x16xf32> to vector<10000x16xf32>
    %get3A_4 = arith.constant 1 : index
    %get3A_5 = arith.constant 0 : index
    %get3A_6 = arith.constant 0 : index
    %get3A_7 = vector.load %arg1[%get3A_4, %get3A_5, %get3A_6] : memref<2x10240x16xf32, #tpu.memory_space<vmem>>, vector<1x10000x16xf32>
    %get3A_8 = vector.shape_cast %get3A_7 : vector<1x10000x16xf32> to vector<10000x16xf32>
    %add3A = arith.addf %get3A_3, %get3A_8 : vector<10000x16xf32>
    %get3A_9 = arith.constant 0 : index
    %get3A_10 = arith.constant 0 : index
    %get3A_11 = arith.constant 0 : index
    %get3A_12 = vector.load %arg2[%get3A_9, %get3A_10, %get3A_11] : memref<2x10240x16xf32, #tpu.memory_space<vmem>>, vector<1x10000x1xf32>
    %get3A_13 = vector.shape_cast %get3A_12 : vector<1x10000x1xf32> to vector<10000x1xf32>
    %get3A_14 = arith.constant 1 : index
    %get3A_15 = arith.constant 0 : index
    %get3A_16 = arith.constant 0 : index
    %get3A_17 = vector.load %arg2[%get3A_14, %get3A_15, %get3A_16] : memref<2x10240x16xf32, #tpu.memory_space<vmem>>, vector<1x10000x1xf32>
    %get3A_18 = vector.shape_cast %get3A_17 : vector<1x10000x1xf32> to vector<10000x1xf32>
    %add3A_19 = arith.addf %get3A_13, %get3A_18 : vector<10000x1xf32>
    %max3A = arith.constant 1.000000e+00 : f32
    %max3A_20 = vector.broadcast %max3A : f32 to vector<10000x1xf32>
    %max3A_21 = arith.maximumf %add3A_19, %max3A_20 : vector<10000x1xf32>
    %div3A = vector.broadcast %max3A_21 : vector<10000x1xf32> to vector<10000x16xf32>
    %div3A_22 = arith.divf %add3A, %div3A : vector<10000x16xf32>
    %get3A_23 = arith.constant 0 : index
    %get3A_24 = arith.constant 0 : index
    %get3A_25 = vector.load %arg0[%get3A_23, %get3A_24] : memref<10000x16xf32, #tpu.memory_space<vmem>>, vector<10000x16xf32>
    %get3A_26 = arith.constant 0 : index
    %get3A_27 = arith.constant 0 : index
    %get3A_28 = vector.load %arg3[%get3A_26, %get3A_27] : memref<16x16xf32, #tpu.memory_space<vmem>>, vector<16x16xf32>
    %dot_general3A = arith.constant dense<0.000000e+00> : vector<10000x16xf32>
    %dot_general3A_29 = tpu.matmul %get3A_25, %get3A_28, %dot_general3A {dimension_numbers = #tpu.dot_dimension_numbers<[1], [0], [0], [1], [0, 0, 1, 1], [], []>, transpose_lhs_hint = false} : vector<10000x16xf32>, vector<16x16xf32>, vector<10000x16xf32> -> vector<10000x16xf32>
    %add3A_30 = arith.addf %div3A_22, %dot_general3A_29 : vector<10000x16xf32>
    %get3A_31 = arith.constant 0 : index
    %get3A_32 = arith.constant 0 : index
    %get3A_33 = vector.load %arg4[%get3A_31, %get3A_32] : memref<1x16xf32, #tpu.memory_space<vmem>>, vector<1x16xf32>
    %add3A_34 = vector.broadcast %get3A_33 : vector<1x16xf32> to vector<10000x16xf32>
    %add3A_35 = arith.addf %add3A_30, %add3A_34 : vector<10000x16xf32>
    %max3A_36 = arith.constant 0.000000e+00 : f32
    %max3A_37 = vector.broadcast %max3A_36 : f32 to vector<10000x16xf32>
    %max3A_38 = arith.maximumf %add3A_35, %max3A_37 : vector<10000x16xf32>
    %swap3A = arith.constant 0 : index
    %swap3A_39 = arith.constant 0 : index
    %swap3A_40 = vector.load %arg5[%swap3A, %swap3A_39] : memref<10000x16xf32, #tpu.memory_space<vmem>>, vector<10000x16xf32>
    tpu.vector_store %arg5[%swap3A, %swap3A_39], %max3A_38 {strides = array<i32>} : memref<10000x16xf32, #tpu.memory_space<vmem>>, vector<10000x16xf32>,
    return
  }
}

module attributes {stable_mosaic.version = 14 : i64} {
  func.func @_pool_body(%arg0: memref<10000x16xf32, #tpu.memory_space<vmem>>, %arg1: memref<10000x1xi32, #tpu.memory_space<vmem>>, %arg2: memref<16x8xf32, #tpu.memory_space<vmem>>, %arg3: memref<1x8xf32, #tpu.memory_space<vmem>>, %arg4: memref<8x2xf32, #tpu.memory_space<vmem>>, %arg5: memref<1x2xf32, #tpu.memory_space<vmem>>, %arg6: memref<8x2xf32, #tpu.memory_space<vmem>>) attributes {dimension_semantics = [], scalar_prefetch = 0 : i64, scratch_operands = 0 : i64, tpu.core_type = #tpu.core_type<tc>} {
    %get3A = arith.constant 0 : index
    %get3A_0 = arith.constant 0 : index
    %get3A_1 = vector.load %arg0[%get3A, %get3A_0] : memref<10000x16xf32, #tpu.memory_space<vmem>>, vector<10000x16xf32>
    %get3A_2 = arith.constant 0 : index
    %get3A_3 = arith.constant 0 : index
    %get3A_4 = vector.load %arg1[%get3A_2, %get3A_3] : memref<10000x1xi32, #tpu.memory_space<vmem>>, vector<10000x1xi32>
    %iota3A = tpu.iota {dimensions = array<i32: 1>} : vector<1x8xi32>
    %eq3A = vector.broadcast %get3A_4 : vector<10000x1xi32> to vector<10000x8xi32>
    %eq3A_5 = vector.broadcast %iota3A : vector<1x8xi32> to vector<10000x8xi32>
    %eq3A_6 = arith.cmpi eq, %eq3A, %eq3A_5 : vector<10000x8xi32>
    %convert_element_type3A = arith.extui %eq3A_6 : vector<10000x8xi1> to vector<10000x8xi32>
    %convert_element_type3A_7 = arith.sitofp %convert_element_type3A : vector<10000x8xi32> to vector<10000x8xf32>
    %dot_general3A = arith.constant dense<0.000000e+00> : vector<8x16xf32>
    %dot_general3A_8 = tpu.matmul %convert_element_type3A_7, %get3A_1, %dot_general3A {dimension_numbers = #tpu.dot_dimension_numbers<[0], [0], [1], [1], [0, 1, 1, 1], [], []>, transpose_lhs_hint = false} : vector<10000x8xf32>, vector<10000x16xf32>, vector<8x16xf32> -> vector<8x16xf32>
    %broadcast_in_dim3A = arith.constant 1.000000e+00 : f32
    %broadcast_in_dim3A_9 = vector.broadcast %broadcast_in_dim3A : f32 to vector<10000x1xf32>
    %dot_general3A_10 = arith.constant dense<0.000000e+00> : vector<8x1xf32>
    %dot_general3A_11 = tpu.matmul %convert_element_type3A_7, %broadcast_in_dim3A_9, %dot_general3A_10 {dimension_numbers = #tpu.dot_dimension_numbers<[0], [0], [1], [1], [0, 1, 1, 1], [], []>, transpose_lhs_hint = false} : vector<10000x8xf32>, vector<10000x1xf32>, vector<8x1xf32> -> vector<8x1xf32>
    %max3A = arith.constant 1.000000e+00 : f32
    %max3A_12 = vector.broadcast %max3A : f32 to vector<8x1xf32>
    %max3A_13 = arith.maximumf %dot_general3A_11, %max3A_12 : vector<8x1xf32>
    %div3A = vector.broadcast %max3A_13 : vector<8x1xf32> to vector<8x16xf32>
    %div3A_14 = arith.divf %dot_general3A_8, %div3A : vector<8x16xf32>
    %get3A_15 = arith.constant 0 : index
    %get3A_16 = arith.constant 0 : index
    %get3A_17 = vector.load %arg2[%get3A_15, %get3A_16] : memref<16x8xf32, #tpu.memory_space<vmem>>, vector<16x8xf32>
    %dot_general3A_18 = arith.constant dense<0.000000e+00> : vector<8x8xf32>
    %dot_general3A_19 = tpu.matmul %div3A_14, %get3A_17, %dot_general3A_18 {dimension_numbers = #tpu.dot_dimension_numbers<[1], [0], [0], [1], [0, 0, 1, 1], [], []>, transpose_lhs_hint = false} : vector<8x16xf32>, vector<16x8xf32>, vector<8x8xf32> -> vector<8x8xf32>
    %get3A_20 = arith.constant 0 : index
    %get3A_21 = arith.constant 0 : index
    %get3A_22 = vector.load %arg3[%get3A_20, %get3A_21] : memref<1x8xf32, #tpu.memory_space<vmem>>, vector<1x8xf32>
    %add3A = vector.broadcast %get3A_22 : vector<1x8xf32> to vector<8x8xf32>
    %add3A_23 = arith.addf %dot_general3A_19, %add3A : vector<8x8xf32>
    %max3A_24 = arith.constant 0.000000e+00 : f32
    %max3A_25 = vector.broadcast %max3A_24 : f32 to vector<8x8xf32>
    %max3A_26 = arith.maximumf %add3A_23, %max3A_25 : vector<8x8xf32>
    %get3A_27 = arith.constant 0 : index
    %get3A_28 = arith.constant 0 : index
    %get3A_29 = vector.load %arg4[%get3A_27, %get3A_28] : memref<8x2xf32, #tpu.memory_space<vmem>>, vector<8x2xf32>
    %dot_general3A_30 = arith.constant dense<0.000000e+00> : vector<8x2xf32>
    %dot_general3A_31 = tpu.matmul %max3A_26, %get3A_29, %dot_general3A_30 {dimension_numbers = #tpu.dot_dimension_numbers<[1], [0], [0], [1], [0, 0, 1, 1], [], []>, transpose_lhs_hint = false} : vector<8x8xf32>, vector<8x2xf32>, vector<8x2xf32> -> vector<8x2xf32>
    %get3A_32 = arith.constant 0 : index
    %get3A_33 = arith.constant 0 : index
    %get3A_34 = vector.load %arg5[%get3A_32, %get3A_33] : memref<1x2xf32, #tpu.memory_space<vmem>>, vector<1x2xf32>
    %add3A_35 = vector.broadcast %get3A_34 : vector<1x2xf32> to vector<8x2xf32>
    %add3A_36 = arith.addf %dot_general3A_31, %add3A_35 : vector<8x2xf32>
    %swap3A = arith.constant 0 : index
    %swap3A_37 = arith.constant 0 : index
    %swap3A_38 = vector.load %arg6[%swap3A, %swap3A_37] : memref<8x2xf32, #tpu.memory_space<vmem>>, vector<8x2xf32>
    tpu.vector_store %arg6[%swap3A, %swap3A_37], %add3A_36 {strides = array<i32>} : memref<8x2xf32, #tpu.memory_space<vmem>>, vector<8x2xf32>,
    return
  }
}

</mosaic_0001>

<sc_bundles>
// kernel: kernel.16.cloned.1.call-start
scs
__scs_entry_jumppad:
0x0: {  	(pc) =	sbr.rel $0x88, $3  }
0x1: {  	(tag) =	ssettag $0x0;
	lr =	simm.s32 $0x1  }
0x2: {  	[smem:$0x3F87] =	sst lr;
	_ =	strace $0xD0000000  }
0x3: {  	_ = 	snop  }
0x4: {  	_ = 	snop  }
0x5: {  	_ = 	snop  }
0x6: {  	_ = 	snop  }
0x7: {  	_ = 	snop  }
__scs_overlays_trampoline_lowered:
0x8: {  	[smem:$0x3F96] =	sst s0  }
0x9: {  	[smem:$0x3F97] =	sst s1  }
0xa: {  	[smem:$0x3F98] =	sst s2  }
0xb: {  	[smem:$0x3F99] =	sst s3  }
0xc: {  	[smem:$0x3F9A] =	sst s4  }
0xd: {  	[smem:$0x3F9B] =	sst s5  }
0xe: {  	[smem:$0x3F9C] =	sst s6  }
0xf: {  	[smem:$0x3F9D] =	sst s7  }
0x10: {  	[smem:$0x3F9E] =	sst s8  }
0x11: {  	[smem:$0x3F9F] =	sst s9;
	s0 =	simm.s32 @!p0 $0x0  }
0x12: {  	s1 =	sld [smem:$0x3F85];
	s0 =	simm.s32 @p0 $0x1  }
0x13: {  	[smem:$0x3FA0] =	sst s0;
	s0 =	simm.s32 @!p1 $0x0  }
0x14: {  	s2 =	sld [smem:$0x3F84];
	s0 =	simm.s32 @p1 $0x1  }
0x15: {  	[smem:$0x3FA1] =	sst s0;
	s0 =	simm.s32 @!p2 $0x0  }
0x16: {  	s3 =	sld [smem:$0x3FDB];
	s0 =	simm.s32 @p2 $0x1  }
0x17: {  	s4 =	simm.s32 $0x1BF5;
	[smem:$0x3FA3] =	sst s0  }
0x18: {  	s0 =	sld [smem:$0x3F86];
	_ =	swait.ge [sflag:s4], $0x0  }
0x19: {  	s7 =	sld [smem:$0x3F87]  }
0x1a: {  	s8 =	sadd.s32 $0xFFFFE003, lr  }
0x1b: {  	s9 =	sadd.s32 $0xFFFFFEF7, lr;
	s5 =	simm.s32 $0xFFFFFFFF;
	p2 =	slt.u32 s8, $0xFFFFF086  }
0x1c: {  	p1 =	slt.u32 s9, $0xF7A;
	s5 =	simm.s32 @!p2 $0x0  }
0x1d: {  	s5 =	simm.s32 @p1 $0x1;
	p0 =	seq.s32 s7, s2  }
0x1e: {  	s7 =	smul.u32 @!p0 $0xF7A, s2;
	p2 =	seq.s32 @!p0 s5, $0x0  }
0x1f: {  	s9 =	smul.u32 $0xF7A, s1;
	s8 =	simm.s32 @!p0 $0x1BF5;
	p2 =	por !p2, p0  }
0x20: {  	[sflag:s8] =	ssyncset.s32 @!p0 $0xFFFFF086;
	s6 =	sadd.s32 @!p0 s3, s7;
	s7 =	simm.s32 @!p0 $0x108  }
0x21: {  	s3 =	sadd.s32 s3, s9;
	s6 =	sadd.s32 @!p0 $0x88, s6;
	s7 =	simm.s32 @p2 $0x1082  }
0x22: {  	[simem:s7], [sflag:s8] =	dma.local @!p0 [hbm:s6], $0xF7A  }
0x23: {  	s9 =	sor.u32 $0xD0000000, s2;
	s6 =	simm.s32 $0x108;
	_ =	swait.ge @!p0 [sflag:s8], $0x0  }
0x24: {  	s3 =	sadd.s32 $0x88, s3;
	s6 =	simm.s32 @!p1 $0x1082;
	[sflag:s4] =	ssyncset.s32 $0xFFFFF086  }
0x25: {  	[simem:s6], [sflag:s4] =	dma.local [hbm:s3], $0xF7A  }
0x26: {  	[smem:$0x3F87] =	sst s1;
	(tag) =	ssettag s2;
	_ =	strace s9  }
0x27: {  	s1 =	sld [smem:$0x3F97]  }
0x28: {  	s2 =	sld [smem:$0x3F98]  }
0x29: {  	s4 =	sld [smem:$0x3F9A]  }
0x2a: {  	p0 =	seq.s32 s5, $0x0;
	s5 =	sld [smem:$0x3F9B]  }
0x2b: {  	s6 =	sld [smem:$0x3F9C]  }
0x2c: {  	s7 =	sld [smem:$0x3F9D]  }
0x2d: {  	s3 =	simm.s32 $0x108;
	s8 =	sld [smem:$0x3F9E]  }
0x2e: {  	s3 =	simm.s32 @!p0 $0x1082;
	s9 =	sld [smem:$0x3F9F]  }
0x2f: {  	lr =	sadd.s32 s0, s3;
	s0 =	sld [smem:$0x3F96]  }
0x30: {  	s3 =	sld [smem:$0x3F99]  }
0x31: {  	[smem:$0x3FA2] =	sst s10  }
0x32: {  	s10 =	sld [smem:$0x3FA0];
	_ =	sdelay $0x3  }
0x33: {  	p0 =	seq.s32 s10, $0x1;
	s10 =	sld [smem:$0x3FA2];
	_ =	sdelay $0x3  }
0x34: {  	[smem:$0x3FA2] =	sst s10  }
0x35: {  	s10 =	sld [smem:$0x3FA1];
	_ =	sdelay $0x3  }
0x36: {  	p1 =	seq.s32 s10, $0x1;
	s10 =	sld [smem:$0x3FA2];
	_ =	sdelay $0x3  }
0x37: {  	[smem:$0x3FA2] =	sst s10  }
0x38: {  	s10 =	sld [smem:$0x3FA3]  }
0x39: {  	_ = 	snop;
	(pc) =	sbr.ind lr, $3  }
0x3a: {  	_ = 	snop  }
0x3b: {  	_ = 	snop  }
0x3c: {  	p2 =	seq.s32 s10, $0x1;
	s10 =	sld [smem:$0x3FA2]  }
0x3d: {  	_ =	shalt  }
0x3e: {  	_ =	shalt  }
0x3f: {  	_ =	shalt  }
0x40: {  	_ =	shalt  }
0x41: {  	_ =	shalt  }
0x42: {  	_ =	shalt  }
0x43: {  	_ =	shalt  }
0x44: {  	_ =	shalt  }
0x45: {  	_ =	shalt  }
0x46: {  	_ =	shalt  }
0x47: {  	_ =	shalt  }
0x48: {  	_ =	shalt  }
0x49: {  	_ =	shalt  }
0x4a: {  	_ =	shalt  }
0x4b: {  	_ =	shalt  }
0x4c: {  	_ =	shalt  }
0x4d: {  	_ =	shalt  }
0x4e: {  	_ =	shalt  }
0x4f: {  	_ =	shalt  }
0x50: {  	_ =	shalt  }
0x51: {  	_ =	shalt  }
0x52: {  	_ =	shalt  }
0x53: {  	_ =	shalt  }
0x54: {  	_ =	shalt  }
0x55: {  	_ =	shalt  }
0x56: {  	_ =	shalt  }
0x57: {  	_ =	shalt  }
0x58: {  	_ =	shalt  }
0x59: {  	_ =	shalt  }
0x5a: {  	_ =	shalt  }
0x5b: {  	_ =	shalt  }
0x5c: {  	_ =	shalt  }
0x5d: {  	_ =	shalt  }
0x5e: {  	_ =	shalt  }
0x5f: {  	_ =	shalt  }
0x60: {  	_ =	shalt  }
0x61: {  	_ =	shalt  }
0x62: {  	_ =	shalt  }
0x63: {  	_ =	shalt  }
0x64: {  	_ =	shalt  }
0x65: {  	_ =	shalt  }
0x66: {  	_ =	shalt  }
0x67: {  	_ =	shalt  }
0x68: {  	_ =	shalt  }
0x69: {  	_ =	shalt  }
0x6a: {  	_ =	shalt  }
0x6b: {  	_ =	shalt  }
0x6c: {  	_ =	shalt  }
0x6d: {  	_ =	shalt  }
0x6e: {  	_ =	shalt  }
0x6f: {  	_ =	shalt  }
0x70: {  	_ =	shalt  }
0x71: {  	_ =	shalt  }
0x72: {  	_ =	shalt  }
0x73: {  	_ =	shalt  }
0x74: {  	_ =	shalt  }
0x75: {  	_ =	shalt  }
0x76: {  	_ =	shalt  }
0x77: {  	_ =	shalt  }
0x78: {  	_ =	shalt  }
0x79: {  	_ =	shalt  }
0x7a: {  	_ =	shalt  }
0x7b: {  	_ =	shalt  }
0x7c: {  	_ =	shalt  }
0x7d: {  	_ =	shalt  }
0x7e: {  	_ =	shalt  }
0x7f: {  	_ =	shalt  }
0x80: {  	_ =	shalt  }
0x81: {  	_ =	shalt  }
0x82: {  	_ =	shalt  }
0x83: {  	_ =	shalt  }
0x84: {  	_ =	shalt  }
0x85: {  	_ =	shalt  }
0x86: {  	_ =	shalt  }
0x87: {  	_ =	shalt  }
.Lfunc_end0:
.L_simem_size_0:
called_computation_lowered:
.L_overlay_start_0:
0x88: {  	s2 =	sld [smem:$0x3FD9]  }
0x89: {  	s3 =	sld [smem:$0x3FFE];
	_ =	sdelay $0x1  }
0x8a: {  	s1 =	srdreg.scid  }
0x8b: {  	s0 =	sand.u32 $0x1, s1  }
0x8c: {  	s17 =	sshll.u32 s0, $0xA;
	s2 =	sadd.s32 s3, s2  }
0x8d: {  	s2 =	sadd.s32 s2, s17  }
0x8e: {  	[smem:$0x3FAE] =	sst s2  }
0x8f: {  	_ = 	snop  }
0x90: {  	(tm) =	ssettm $0x1  }
0x91: {  	s18 =	sld [smem:$0x3FFB];
	_ =	sdelay $0x3  }
0x92: {  	_ =	strace s18  }
0x93: {  	s2 =	sld [smem:$0x3FFC];
	_ =	sdelay $0x3  }
0x94: {  	_ =	strace s2  }
0x95: {  	s2 =	sld [smem:$0x3FFD];
	_ =	sdelay $0x3  }
0x96: {  	_ =	strace s2  }
0x97: {  	_ =	strace $0x8FFFFFFF  }
0x98: {  	s19 =	sld [smem:$0x3FDB];
	_ =	sdelay $0x1  }
0x99: {  	s20 =	simm.s32 $_scs_section_size  }
0x9a: {  	s4 =	simm.s32 $_size__tile_overlayer_lowered;
	s5 =	simm.s32 $_tile_overlayer_lowered  }
0x9b: {  	s6 =	simm.s32 $0x1BFF;
	s21 =	sshll.u32 s5, $0x1;
	s3 =	sadd.s32 s20, s19  }
0x9c: {  	s22 =	simm.s32 $0x0;
	s4 =	sshll.u32 s4, $0x1;
	s5 =	sadd.s32 s21, s3  }
0x9d: {  	[timem:s22], [sflag:s6] =	dma.local [hbm:s5], s4  }
0x9e: {  	_ =	swait.ge [sflag:s6], s4  }
0x9f: {  	s4 =	ssub.s32 $0x0, s4;
	[sflag:s6] =	ssyncset.done $0x0  }
0xa0: {  	[sflag:s6] =	ssyncadd.s32 s4;
	_ =	sdelay $0x1  }
0xa1: {  	s23 =	simm.s32 $0x1B8B  }
0xa2: {  	_ =	swait.ge [sflag:s23], $0x1  }
0xa3: {  	[sflag:s23] =	ssyncset.done $0x0  }
0xa4: {  	[sflag:s23] =	ssyncadd.s32 $0xFFFFFFFF  }
0xa5: {  	s4 =	sld [smem:$0x0]  }
0xa6: {  	s5 =	sand.u32 $0xFFFFFFFE, s1  }
0xa7: {  	p0 =	sne.s32 s1, s5  }
0xa8: {  	s5 =	sshll.u32 @p0 s5, $0xE  }
0xa9: {  	s5 =	sadd.s32 @p0 $0x11B8D, s5;
	s6 =	sshll.u32 @p0 s4, $0x11  }
0xaa: {  	s5 =	sor.u32 @p0 s6, s5  }
0xab: {  	[sflag:s5] =	ssyncadd.remote.s32 @p0 $0x1;
	_ =	sdelay $0x1  }
0xac: {  	s5 =	simm.s32 @p0 $0x1B8D  }
0xad: {  	_ =	swait.eq @p0 [sflag:s5], $0x1  }
0xae: {  	[sflag:s5] =	ssyncadd.s32 @p0 $0xFFFFFFFF  }
0xaf: {  	s6 =	sshll.u32 @!p0 s1, $0xE  }
0xb0: {  	s6 =	sor.u32 @!p0 $0x4000, s6;
	s5 =	simm.s32 @!p0 $0x1B8D  }
0xb1: {  	s4 =	sshll.u32 @!p0 s4, $0x11;
	s6 =	sadd.s32 @!p0 $0x11B8D, s6;
	_ =	swait.eq @!p0 [sflag:s5], $0x1  }
0xb2: {  	s4 =	sor.u32 @!p0 s4, s6;
	[sflag:s5] =	ssyncadd.s32 @!p0 $0xFFFFFFFF  }
0xb3: {  	s25 =	simm.s32 $0x1B8E;
	s24 =	sld [smem:$0x3FFE];
	[sflag:s4] =	ssyncadd.remote.s32 @!p0 $0x1  }
0xb4: {  	s26 =	simm.s32 $execute0_lowered;
	[smem:$0x3FD2] =	sst s25  }
0xb5: {  	s5 =	sshll.u32 s26, $0x1;
	_ =	strace $0x80000049;
	[dreg:$0x1] =	wrdreg $0xFFFFFFFF  }
0xb6: {  	s28 =	simm.s32 $_size_execute0_lowered;
	s3 =	sadd.s32 s3, s5;
	[dreg:$0x0] =	wrdreg $0x0  }
0xb7: {  	s5 =	sshll.u32 s28, $0x1;
	[dreg:$0x2] =	wrdreg s3  }
0xb8: {  	[dreg:$0x3] =	wrdreg s5  }
0xb9: {  	[dreg:$0x4] =	wrdreg $0xC0  }
0xba: {  	_ =	task [dreg:s22], $0x5FFFF  }
0xbb: {  	[dreg:$0x1] =	wrdreg $0xFFFFFFFF  }
0xbc: {  	[dreg:$0x0] =	wrdreg $0x60  }
0xbd: {  	[dreg:$0x2] =	wrdreg s24  }
0xbe: {  	[dreg:$0x3] =	wrdreg $0x1C000  }
0xbf: {  	[dreg:$0x4] =	wrdreg $0x9  }
0xc0: {  	_ =	task.clear_ibuf [dreg:s22], $0x5FFFF;
	_ =	strace $0x90000049  }
0xc1: {  	s29 =	simm.s32 $0x9;
	_ =	strace $0x8000004B  }
0xc2: {  	_ =	swait.ge [sflag:s29], $0x1  }
0xc3: {  	[sflag:s29] =	ssyncadd.s32 $0xFFFFFFFF  }
0xc4: {  	_ =	strace $0x9000004B  }
0xc5: {  	_ =	sfence  }
0xc6: {  	s30 =	sld [smem:$0x0];
	_ =	sdelay $0x2  }
0xc7: {  	s31 =	sshll.u32 s1, $0xD;
	s1 =	sshrl.u32 s1, $0x2  }
0xc8: {  	s4 =	sand.u32 $0x4000, s31;
	s1 =	sadd.s32 s1, s30  }
0xc9: {  	s0 =	sor.u32 s4, s0;
	s1 =	sshll.u32 s1, $0x11  }
0xca: {  	s0 =	sor.u32 s1, s0  }
0xcb: {  	s0 =	sadd.s32 $0x8F2B, s0  }
0xcc: {  	[sflag:s0] =	ssyncadd.remote.s32 $0x1  }
0xcd: {  	_ =	sfence.sel $0xFFFF  }
0xce: {  	[dreg:$0x0] =	wrdreg $0xFFFFFFFF;
	(pc) =	sbr.abs _section_cstart, $3  }
0xcf: {  	[dreg:$0x1] =	wrdreg $0xFFFFFFFF  }
0xd0: {  	_ =	task.clear_ibuf [dreg:s22], $0x2FFFF;
	_ =	strace $0x9FFFFFFF  }
0xd1: {  	(tm) =	ssettm $0x7FFFFFFF  }
tec
execute0_lowered:
.L_overlay_start_1:
0x0: {  	(tag) =	ssettag $0x1  }
0x1: {  	s0 =	srdreg.scid;
	s5 =	rddreg [dreg:$0x0]  }
0x2: {  	s11 =	stileid.u32;
	s2 =	rddreg [dreg:$0x1]  }
0x3: {  	s3 =	simm.s32 $0x0;
	s12 =	simm.s32 $0x1400;
	s13 =	simm.s32 $0x80  }
0x4: {  	s17 =	simm.s32 $0xC00;
	s18 =	simm.s32 $0xC80;
	s19 =	simm.s32 $0xD00  }
0x5: {  	s20 =	simm.s32 $0xD80;
	s21 =	simm.s32 $0xE00;
	s22 =	simm.s32 $0xE80  }
0x6: {  	s23 =	simm.s32 $0xF00;
	s24 =	simm.s32 $0xF80;
	s25 =	simm.s32 $0x1000  }
0x7: {  	s28 =	simm.s32 $0x1100;
	s29 =	simm.s32 $0x1180;
	s30 =	simm.s32 $0x1200  }
0x8: {  	s31 =	simm.s32 $0x1280;
	s14 =	simm.s32 $0x1;
	s15 =	simm.s32 $0x0  }
0x9: {  	s0 =	sand.u32 $0x1, s0;
	s1 =	sshll.u32 s11, $0x1;
	s6 =	smul.u32 $0x2800, s11  }
0xa: {  	[smem:$0x7FF] =	sst s3;
	s26 =	sshll.u32 s11, $0x6;
	s11 =	simm.s32 $0x2  }
0xb: {  	s1 =	sor.u32 s0, s1;
	s4 =	smul.u32 $0x28000, s0;
	_ =	strace $0x8000004A  }
0xc: {  	s0 =	ssub.s32 $0x2, s0;
	s1 =	smul.u32 $0x280, s1;
	s7 =	sshrl.u32 s6, $0x3  }
0xd: {  	s9 =	sshrl.u32 s0, $0x1;
	s10 =	sadd.s32 s6, s2;
	s4 =	sadd.s32 s6, s4  }
0xe: {  	s7 =	sadd.s32 s7, s5;
	s0 =	ssub.s32 s0, s9;
	s6 =	sor.u32 $0x1C02, s26  }
0xf: {  	s10 =	sshrl.u32 s10, $0x3;
	s26 =	simm.s32 $0x1080;
	s1 =	sadd.s32 s1, s5  }
0x10: {  	s8 =	sshrl.u32 s4, $0x3;
	s4 =	sadd.s32 $0x5F000, s5;
	s9 =	smax.u32 s0, $0x1  }
0x11: {  	s0 =	simm.s32 $0x1380;
	s8 =	sadd.s32 s8, s5;
	s5 =	sadd.s32 $0x64200, s7  }
0x12: {  	s7 =	sadd.s32 $0x5F200, s1;
	s1 =	simm.s32 $0x1300;
	s8 =	sadd.s32 $0x69200, s8  }
.LBB2_1:
0x13: {  	[spmem:s10], [sflag:s6] =	dma.local [hbm:s5], $0x500  }
0x14: {  	_ =	swait.ge [sflag:s11], $0x500  }
0x15: {  	[sflag:s11] =	ssyncset.done $0x0  }
0x16: {  	[sflag:s11] =	ssyncadd.s32 $0xFFFFFB00  }
0x17: {  	[tilespmem:s3], [sflag:$0x2] =	stream.linear.gather [hbm4b:s7+s3], $0x1400, $0x38;
	[tilespmem:$0x4400] =	vst v63  }
0x18: {  	_ =	swait.ge [sflag:s11], $0x1400  }
0x19: {  	[sflag:s11] =	ssyncset.done $0x0  }
0x1a: {  	[sflag:s11] =	ssyncadd.s32 $0xFFFFEC00  }
0x1b: {  	[tilespmem:s12], [sflag:$0x2] =	stream.linear.gather [hbm4b:s4+s3], $0x800, $0x38;
	[tilespmem:$0x4400] =	vst v63  }
0x1c: {  	_ =	swait.ge [sflag:s11], $0x800  }
0x1d: {  	[sflag:s11] =	ssyncset.done $0x0  }
0x1e: {  	[sflag:s11] =	ssyncadd.s32 $0xFFFFF800  }
0x1f: {  	[bflag:$0x0] =	sbarrier.arrive $0xFFFF  }
0x20: {  	[spmem:s2] =	stream.indirect.scatter.add.f32 [tilespmem:s12], [sflag:$0x1], $0x10, s3, s13, $0xb8;
	[tilespmem:$0x4400] =	vst v63  }
0x21: {  	_ = 	snop  }
0x22: {  	[spmem:s2] =	stream.indirect.scatter.add.f32 [tilespmem:s12], [sflag:$0x1], $0x10, s13, s13, $0xb8;
	[tilespmem:$0x4400] =	vst v63  }
0x23: {  	s16 =	simm.s32 $0x100  }
0x24: {  	[spmem:s2] =	stream.indirect.scatter.add.f32 [tilespmem:s12], [sflag:$0x1], $0x10, s16, s13, $0xb8;
	[tilespmem:$0x4400] =	vst v63  }
0x25: {  	s16 =	simm.s32 $0x180  }
0x26: {  	[spmem:s2] =	stream.indirect.scatter.add.f32 [tilespmem:s12], [sflag:$0x1], $0x10, s16, s13, $0xb8;
	[tilespmem:$0x4400] =	vst v63  }
0x27: {  	s16 =	simm.s32 $0x200  }
0x28: {  	[spmem:s2] =	stream.indirect.scatter.add.f32 [tilespmem:s12], [sflag:$0x1], $0x10, s16, s13, $0xb8;
	[tilespmem:$0x4400] =	vst v63  }
0x29: {  	s16 =	simm.s32 $0x280  }
0x2a: {  	[spmem:s2] =	stream.indirect.scatter.add.f32 [tilespmem:s12], [sflag:$0x1], $0x10, s16, s13, $0xb8;
	[tilespmem:$0x4400] =	vst v63  }
0x2b: {  	s16 =	simm.s32 $0x300  }
0x2c: {  	[spmem:s2] =	stream.indirect.scatter.add.f32 [tilespmem:s12], [sflag:$0x1], $0x10, s16, s13, $0xb8;
	[tilespmem:$0x4400] =	vst v63  }
0x2d: {  	s16 =	simm.s32 $0x380  }
0x2e: {  	[spmem:s2] =	stream.indirect.scatter.add.f32 [tilespmem:s12], [sflag:$0x1], $0x10, s16, s13, $0xb8;
	[tilespmem:$0x4400] =	vst v63  }
0x2f: {  	s16 =	simm.s32 $0x400  }
0x30: {  	[spmem:s2] =	stream.indirect.scatter.add.f32 [tilespmem:s12], [sflag:$0x1], $0x10, s16, s13, $0xb8;
	[tilespmem:$0x4400] =	vst v63  }
0x31: {  	s16 =	simm.s32 $0x480  }
0x32: {  	[spmem:s2] =	stream.indirect.scatter.add.f32 [tilespmem:s12], [sflag:$0x1], $0x10, s16, s13, $0xb8;
	[tilespmem:$0x4400] =	vst v63  }
0x33: {  	s16 =	simm.s32 $0x500  }
0x34: {  	[spmem:s2] =	stream.indirect.scatter.add.f32 [tilespmem:s12], [sflag:$0x1], $0x10, s16, s13, $0xb8;
	[tilespmem:$0x4400] =	vst v63  }
0x35: {  	s16 =	simm.s32 $0x580  }
0x36: {  	[spmem:s2] =	stream.indirect.scatter.add.f32 [tilespmem:s12], [sflag:$0x1], $0x10, s16, s13, $0xb8;
	[tilespmem:$0x4400] =	vst v63  }
0x37: {  	s16 =	simm.s32 $0x600  }
0x38: {  	[spmem:s2] =	stream.indirect.scatter.add.f32 [tilespmem:s12], [sflag:$0x1], $0x10, s16, s13, $0xb8;
	[tilespmem:$0x4400] =	vst v63  }
0x39: {  	s16 =	simm.s32 $0x680  }
0x3a: {  	[spmem:s2] =	stream.indirect.scatter.add.f32 [tilespmem:s12], [sflag:$0x1], $0x10, s16, s13, $0xb8;
	[tilespmem:$0x4400] =	vst v63  }
0x3b: {  	s16 =	simm.s32 $0x700  }
0x3c: {  	[spmem:s2] =	stream.indirect.scatter.add.f32 [tilespmem:s12], [sflag:$0x1], $0x10, s16, s13, $0xb8;
	[tilespmem:$0x4400] =	vst v63  }
0x3d: {  	s16 =	simm.s32 $0x780  }
0x3e: {  	[spmem:s2] =	stream.indirect.scatter.add.f32 [tilespmem:s12], [sflag:$0x1], $0x10, s16, s13, $0xb8;
	[tilespmem:$0x4400] =	vst v63  }
0x3f: {  	s16 =	simm.s32 $0x800  }
0x40: {  	[spmem:s2] =	stream.indirect.scatter.add.f32 [tilespmem:s12], [sflag:$0x1], $0x10, s16, s13, $0xb8;
	[tilespmem:$0x4400] =	vst v63  }
0x41: {  	s16 =	simm.s32 $0x880  }
0x42: {  	[spmem:s2] =	stream.indirect.scatter.add.f32 [tilespmem:s12], [sflag:$0x1], $0x10, s16, s13, $0xb8;
	[tilespmem:$0x4400] =	vst v63  }
0x43: {  	s16 =	simm.s32 $0x900  }
0x44: {  	[spmem:s2] =	stream.indirect.scatter.add.f32 [tilespmem:s12], [sflag:$0x1], $0x10, s16, s13, $0xb8;
	[tilespmem:$0x4400] =	vst v63  }
0x45: {  	s16 =	simm.s32 $0x980  }
0x46: {  	[spmem:s2] =	stream.indirect.scatter.add.f32 [tilespmem:s12], [sflag:$0x1], $0x10, s16, s13, $0xb8;
	[tilespmem:$0x4400] =	vst v63  }
0x47: {  	s16 =	simm.s32 $0xA00  }
0x48: {  	[spmem:s2] =	stream.indirect.scatter.add.f32 [tilespmem:s12], [sflag:$0x1], $0x10, s16, s13, $0xb8;
	[tilespmem:$0x4400] =	vst v63  }
0x49: {  	s16 =	simm.s32 $0xA80  }
0x4a: {  	[spmem:s2] =	stream.indirect.scatter.add.f32 [tilespmem:s12], [sflag:$0x1], $0x10, s16, s13, $0xb8;
	[tilespmem:$0x4400] =	vst v63  }
0x4b: {  	s16 =	simm.s32 $0xB00  }
0x4c: {  	[spmem:s2] =	stream.indirect.scatter.add.f32 [tilespmem:s12], [sflag:$0x1], $0x10, s16, s13, $0xb8;
	[tilespmem:$0x4400] =	vst v63  }
0x4d: {  	s16 =	simm.s32 $0xB80  }
0x4e: {  	[spmem:s2] =	stream.indirect.scatter.add.f32 [tilespmem:s12], [sflag:$0x1], $0x10, s16, s13, $0xb8;
	[tilespmem:$0x4400] =	vst v63  }
0x4f: {  	_ = 	snop  }
0x50: {  	[spmem:s2] =	stream.indirect.scatter.add.f32 [tilespmem:s12], [sflag:$0x1], $0x10, s17, s13, $0xb8;
	[tilespmem:$0x4400] =	vst v63  }
0x51: {  	_ = 	snop  }
0x52: {  	[spmem:s2] =	stream.indirect.scatter.add.f32 [tilespmem:s12], [sflag:$0x1], $0x10, s18, s13, $0xb8;
	[tilespmem:$0x4400] =	vst v63  }
0x53: {  	_ = 	snop  }
0x54: {  	[spmem:s2] =	stream.indirect.scatter.add.f32 [tilespmem:s12], [sflag:$0x1], $0x10, s19, s13, $0xb8;
	[tilespmem:$0x4400] =	vst v63  }
0x55: {  	_ = 	snop  }
0x56: {  	[spmem:s2] =	stream.indirect.scatter.add.f32 [tilespmem:s12], [sflag:$0x1], $0x10, s20, s13, $0xb8;
	[tilespmem:$0x4400] =	vst v63  }
0x57: {  	_ = 	snop  }
0x58: {  	[spmem:s2] =	stream.indirect.scatter.add.f32 [tilespmem:s12], [sflag:$0x1], $0x10, s21, s13, $0xb8;
	[tilespmem:$0x4400] =	vst v63  }
0x59: {  	_ = 	snop  }
0x5a: {  	[spmem:s2] =	stream.indirect.scatter.add.f32 [tilespmem:s12], [sflag:$0x1], $0x10, s22, s13, $0xb8;
	[tilespmem:$0x4400] =	vst v63  }
0x5b: {  	_ = 	snop  }
0x5c: {  	[spmem:s2] =	stream.indirect.scatter.add.f32 [tilespmem:s12], [sflag:$0x1], $0x10, s23, s13, $0xb8;
	[tilespmem:$0x4400] =	vst v63  }
0x5d: {  	_ = 	snop  }
0x5e: {  	[spmem:s2] =	stream.indirect.scatter.add.f32 [tilespmem:s12], [sflag:$0x1], $0x10, s24, s13, $0xb8;
	[tilespmem:$0x4400] =	vst v63  }
0x5f: {  	_ = 	snop  }
0x60: {  	[spmem:s2] =	stream.indirect.scatter.add.f32 [tilespmem:s12], [sflag:$0x1], $0x10, s25, s13, $0xb8;
	[tilespmem:$0x4400] =	vst v63  }
0x61: {  	_ = 	snop  }
0x62: {  	[spmem:s2] =	stream.indirect.scatter.add.f32 [tilespmem:s12], [sflag:$0x1], $0x10, s26, s13, $0xb8;
	[tilespmem:$0x4400] =	vst v63  }
0x63: {  	_ = 	snop  }
0x64: {  	[spmem:s2] =	stream.indirect.scatter.add.f32 [tilespmem:s12], [sflag:$0x1], $0x10, s28, s13, $0xb8;
	[tilespmem:$0x4400] =	vst v63  }
0x65: {  	_ = 	snop  }
0x66: {  	[spmem:s2] =	stream.indirect.scatter.add.f32 [tilespmem:s12], [sflag:$0x1], $0x10, s29, s13, $0xb8;
	[tilespmem:$0x4400] =	vst v63  }
0x67: {  	_ = 	snop  }
0x68: {  	[spmem:s2] =	stream.indirect.scatter.add.f32 [tilespmem:s12], [sflag:$0x1], $0x10, s30, s13, $0xb8;
	[tilespmem:$0x4400] =	vst v63  }
0x69: {  	_ = 	snop  }
0x6a: {  	[spmem:s2] =	stream.indirect.scatter.add.f32 [tilespmem:s12], [sflag:$0x1], $0x10, s31, s13, $0xb8;
	[tilespmem:$0x4400] =	vst v63  }
0x6b: {  	_ = 	snop  }
0x6c: {  	[spmem:s2] =	stream.indirect.scatter.add.f32 [tilespmem:s12], [sflag:$0x1], $0x10, s1, s13, $0xb8;
	[tilespmem:$0x4400] =	vst v63  }
0x6d: {  	_ = 	snop  }
0x6e: {  	[spmem:s2] =	stream.indirect.scatter.add.f32 [tilespmem:s12], [sflag:$0x1], $0x10, s0, s13, $0xb8;
	[tilespmem:$0x4400] =	vst v63  }
0x6f: {  	_ =	swait.ge [sflag:s14], $0x800  }
0x70: {  	s16 =	simm.s32 $0x27;
	[sflag:s14] =	ssyncset.done $0x0  }
.LBB2_2:
0x71: {  	p0 =	sne.s32 s16, $0x1;
	s16 =	sadd.s32 $0xFFFFFFFF, s16;
	[sflag:s14] =	ssyncadd.s32 $0xFFFFF800  }
.Ltmp0:
0x72: {  	(pc) =	sbr.rel @p0 .LBB2_2-.Ltmp0, $3  }
0x73: {  	_ =	sdelay $0x1  }
0x74: {  	_ =	swait.ge [sflag:s14], $0x800  }
0x75: {  	[sflag:s14] =	ssyncset.done $0x0  }
0x76: {  	s15 =	sadd.s32 $0x1, s15  }
0x77: {  	[sflag:s14] =	ssyncadd.s32 $0xFFFFF800;
	p0 =	sne.s32 s15, s9  }
.Ltmp1:
0x78: {  	[bflag:$0x0] =	sbarrier.arrive $0xFFFF;
	(pc) =	sbr.rel @p0 .LBB2_1-.Ltmp1, $4  }
0x79: {  	[hbm:s8], [sflag:s6] =	dma.local [spmem:s10], $0x500  }
0x7a: {  	_ =	swait.ge [sflag:s11], $0x500  }
0x7b: {  	[sflag:s11] =	ssyncset.done $0x0  }
0x7c: {  	[sflag:s11] =	ssyncadd.s32 $0xFFFFFB00  }
0x7d: {  	_ =	sfence.sel $0x180000  }
0x7e: {  	[bflag:$0x0] =	sbarrier.arrive $0xFFFF  }
0x7f: {  	_ =	strace $0x9000004A  }
0x80: {  	s0 =	stileid.u32;
	[bflag:$0x2] =	sbarrier.arrive $0xFFFF  }
0x81: {  	p0 =	sne.s32 s0, $0x0;
	s0 =	rddreg [dreg:$0x2]  }
0x82: {  	s0 =	sadd.s32 @!p0 $0x100000, s0  }
0x83: {  	[sflag:s0] =	ssyncadd.tile.s32 @!p0 $0x1;
	_ =	shalt  }
.Lfunc_end2:
_tile_overlayer_lowered:
.L_overlay_start_2:
0x84: {  	(tag) =	ssettag $0x2  }
0x85: {  	s0 =	rddreg [dreg:$0x0];
	s2 =	stileid.u32  }
0x86: {  	s1 =	rddreg [dreg:$0x1];
	p0 =	sne.s32 s2, $0x0  }
0x87: {  	s3 =	rddreg [dreg:$0x2];
	[bflag:$0x3] =	sbarrier.arrive $0xFFFF;
	s2 =	simm.s32 @!p0 $0x1C02  }
0x88: {  	[timem:s3], [sflag:s2] =	dma.local @!p0 [hbm:s0], s1  }
0x89: {  	s0 =	simm.s32 @!p0 $0x2  }
0x8a: {  	_ =	swait.ge @!p0 [sflag:s0], s1  }
0x8b: {  	s1 =	ssub.s32 @!p0 $0x0, s1;
	[sflag:s0] =	ssyncset.done @!p0 $0x0  }
0x8c: {  	[sflag:s0] =	ssyncadd.s32 @!p0 s1  }
0x8d: {  	[bflag:$0x3] =	sbarrier.arrive $0xFFFF  }
0x8e: {  	_ =	shalt  }

// kernel: kernel.19.cloned.1.call-start
scs
__scs_entry_jumppad:
0x0: {  	(pc) =	sbr.rel $0x88, $3  }
0x1: {  	(tag) =	ssettag $0x0;
	lr =	simm.s32 $0x1  }
0x2: {  	[smem:$0x3F87] =	sst lr;
	_ =	strace $0xD0000000  }
0x3: {  	_ = 	snop  }
0x4: {  	_ = 	snop  }
0x5: {  	_ = 	snop  }
0x6: {  	_ = 	snop  }
0x7: {  	_ = 	snop  }
__scs_overlays_trampoline_lowered:
0x8: {  	[smem:$0x3F96] =	sst s0  }
0x9: {  	[smem:$0x3F97] =	sst s1  }
0xa: {  	[smem:$0x3F98] =	sst s2  }
0xb: {  	[smem:$0x3F99] =	sst s3  }
0xc: {  	[smem:$0x3F9A] =	sst s4  }
0xd: {  	[smem:$0x3F9B] =	sst s5  }
0xe: {  	[smem:$0x3F9C] =	sst s6  }
0xf: {  	[smem:$0x3F9D] =	sst s7  }
0x10: {  	[smem:$0x3F9E] =	sst s8  }
0x11: {  	[smem:$0x3F9F] =	sst s9;
	s0 =	simm.s32 @!p0 $0x0  }
0x12: {  	s1 =	sld [smem:$0x3F85];
	s0 =	simm.s32 @p0 $0x1  }
0x13: {  	[smem:$0x3FA0] =	sst s0;
	s0 =	simm.s32 @!p1 $0x0  }
0x14: {  	s2 =	sld [smem:$0x3F84];
	s0 =	simm.s32 @p1 $0x1  }
0x15: {  	[smem:$0x3FA1] =	sst s0;
	s0 =	simm.s32 @!p2 $0x0  }
0x16: {  	s3 =	sld [smem:$0x3FDB];
	s0 =	simm.s32 @p2 $0x1  }
0x17: {  	s4 =	simm.s32 $0x1BF5;
	[smem:$0x3FA3] =	sst s0  }
0x18: {  	s0 =	sld [smem:$0x3F86];
	_ =	swait.ge [sflag:s4], $0x0  }
0x19: {  	s7 =	sld [smem:$0x3F87]  }
0x1a: {  	s8 =	sadd.s32 $0xFFFFE003, lr  }
0x1b: {  	s9 =	sadd.s32 $0xFFFFFEF7, lr;
	s5 =	simm.s32 $0xFFFFFFFF;
	p2 =	slt.u32 s8, $0xFFFFF086  }
0x1c: {  	p1 =	slt.u32 s9, $0xF7A;
	s5 =	simm.s32 @!p2 $0x0  }
0x1d: {  	s5 =	simm.s32 @p1 $0x1;
	p0 =	seq.s32 s7, s2  }
0x1e: {  	s7 =	smul.u32 @!p0 $0xF7A, s2;
	p2 =	seq.s32 @!p0 s5, $0x0  }
0x1f: {  	s9 =	smul.u32 $0xF7A, s1;
	s8 =	simm.s32 @!p0 $0x1BF5;
	p2 =	por !p2, p0  }
0x20: {  	[sflag:s8] =	ssyncset.s32 @!p0 $0xFFFFF086;
	s6 =	sadd.s32 @!p0 s3, s7;
	s7 =	simm.s32 @!p0 $0x108  }
0x21: {  	s3 =	sadd.s32 s3, s9;
	s6 =	sadd.s32 @!p0 $0x88, s6;
	s7 =	simm.s32 @p2 $0x1082  }
0x22: {  	[simem:s7], [sflag:s8] =	dma.local @!p0 [hbm:s6], $0xF7A  }
0x23: {  	s9 =	sor.u32 $0xD0000000, s2;
	s6 =	simm.s32 $0x108;
	_ =	swait.ge @!p0 [sflag:s8], $0x0  }
0x24: {  	s3 =	sadd.s32 $0x88, s3;
	s6 =	simm.s32 @!p1 $0x1082;
	[sflag:s4] =	ssyncset.s32 $0xFFFFF086  }
0x25: {  	[simem:s6], [sflag:s4] =	dma.local [hbm:s3], $0xF7A  }
0x26: {  	[smem:$0x3F87] =	sst s1;
	(tag) =	ssettag s2;
	_ =	strace s9  }
0x27: {  	s1 =	sld [smem:$0x3F97]  }
0x28: {  	s2 =	sld [smem:$0x3F98]  }
0x29: {  	s4 =	sld [smem:$0x3F9A]  }
0x2a: {  	p0 =	seq.s32 s5, $0x0;
	s5 =	sld [smem:$0x3F9B]  }
0x2b: {  	s6 =	sld [smem:$0x3F9C]  }
0x2c: {  	s7 =	sld [smem:$0x3F9D]  }
0x2d: {  	s3 =	simm.s32 $0x108;
	s8 =	sld [smem:$0x3F9E]  }
0x2e: {  	s3 =	simm.s32 @!p0 $0x1082;
	s9 =	sld [smem:$0x3F9F]  }
0x2f: {  	lr =	sadd.s32 s0, s3;
	s0 =	sld [smem:$0x3F96]  }
0x30: {  	s3 =	sld [smem:$0x3F99]  }
0x31: {  	[smem:$0x3FA2] =	sst s10  }
0x32: {  	s10 =	sld [smem:$0x3FA0];
	_ =	sdelay $0x3  }
0x33: {  	p0 =	seq.s32 s10, $0x1;
	s10 =	sld [smem:$0x3FA2];
	_ =	sdelay $0x3  }
0x34: {  	[smem:$0x3FA2] =	sst s10  }
0x35: {  	s10 =	sld [smem:$0x3FA1];
	_ =	sdelay $0x3  }
0x36: {  	p1 =	seq.s32 s10, $0x1;
	s10 =	sld [smem:$0x3FA2];
	_ =	sdelay $0x3  }
0x37: {  	[smem:$0x3FA2] =	sst s10  }
0x38: {  	s10 =	sld [smem:$0x3FA3]  }
0x39: {  	_ = 	snop;
	(pc) =	sbr.ind lr, $3  }
0x3a: {  	_ = 	snop  }
0x3b: {  	_ = 	snop  }
0x3c: {  	p2 =	seq.s32 s10, $0x1;
	s10 =	sld [smem:$0x3FA2]  }
0x3d: {  	_ =	shalt  }
0x3e: {  	_ =	shalt  }
0x3f: {  	_ =	shalt  }
0x40: {  	_ =	shalt  }
0x41: {  	_ =	shalt  }
0x42: {  	_ =	shalt  }
0x43: {  	_ =	shalt  }
0x44: {  	_ =	shalt  }
0x45: {  	_ =	shalt  }
0x46: {  	_ =	shalt  }
0x47: {  	_ =	shalt  }
0x48: {  	_ =	shalt  }
0x49: {  	_ =	shalt  }
0x4a: {  	_ =	shalt  }
0x4b: {  	_ =	shalt  }
0x4c: {  	_ =	shalt  }
0x4d: {  	_ =	shalt  }
0x4e: {  	_ =	shalt  }
0x4f: {  	_ =	shalt  }
0x50: {  	_ =	shalt  }
0x51: {  	_ =	shalt  }
0x52: {  	_ =	shalt  }
0x53: {  	_ =	shalt  }
0x54: {  	_ =	shalt  }
0x55: {  	_ =	shalt  }
0x56: {  	_ =	shalt  }
0x57: {  	_ =	shalt  }
0x58: {  	_ =	shalt  }
0x59: {  	_ =	shalt  }
0x5a: {  	_ =	shalt  }
0x5b: {  	_ =	shalt  }
0x5c: {  	_ =	shalt  }
0x5d: {  	_ =	shalt  }
0x5e: {  	_ =	shalt  }
0x5f: {  	_ =	shalt  }
0x60: {  	_ =	shalt  }
0x61: {  	_ =	shalt  }
0x62: {  	_ =	shalt  }
0x63: {  	_ =	shalt  }
0x64: {  	_ =	shalt  }
0x65: {  	_ =	shalt  }
0x66: {  	_ =	shalt  }
0x67: {  	_ =	shalt  }
0x68: {  	_ =	shalt  }
0x69: {  	_ =	shalt  }
0x6a: {  	_ =	shalt  }
0x6b: {  	_ =	shalt  }
0x6c: {  	_ =	shalt  }
0x6d: {  	_ =	shalt  }
0x6e: {  	_ =	shalt  }
0x6f: {  	_ =	shalt  }
0x70: {  	_ =	shalt  }
0x71: {  	_ =	shalt  }
0x72: {  	_ =	shalt  }
0x73: {  	_ =	shalt  }
0x74: {  	_ =	shalt  }
0x75: {  	_ =	shalt  }
0x76: {  	_ =	shalt  }
0x77: {  	_ =	shalt  }
0x78: {  	_ =	shalt  }
0x79: {  	_ =	shalt  }
0x7a: {  	_ =	shalt  }
0x7b: {  	_ =	shalt  }
0x7c: {  	_ =	shalt  }
0x7d: {  	_ =	shalt  }
0x7e: {  	_ =	shalt  }
0x7f: {  	_ =	shalt  }
0x80: {  	_ =	shalt  }
0x81: {  	_ =	shalt  }
0x82: {  	_ =	shalt  }
0x83: {  	_ =	shalt  }
0x84: {  	_ =	shalt  }
0x85: {  	_ =	shalt  }
0x86: {  	_ =	shalt  }
0x87: {  	_ =	shalt  }
.Lfunc_end0:
.L_simem_size_0:
called_computation.1_lowered:
.L_overlay_start_0:
0x88: {  	s2 =	sld [smem:$0x3FD9]  }
0x89: {  	s3 =	sld [smem:$0x3FFE];
	_ =	sdelay $0x1  }
0x8a: {  	s1 =	srdreg.scid  }
0x8b: {  	s0 =	sand.u32 $0x1, s1  }
0x8c: {  	s16 =	sshll.u32 s0, $0xA;
	s2 =	sadd.s32 s3, s2  }
0x8d: {  	s2 =	sadd.s32 s2, s16  }
0x8e: {  	[smem:$0x3FAE] =	sst s2  }
0x8f: {  	_ = 	snop  }
0x90: {  	(tm) =	ssettm $0x1  }
0x91: {  	s17 =	sld [smem:$0x3FFB];
	_ =	sdelay $0x3  }
0x92: {  	_ =	strace s17  }
0x93: {  	s2 =	sld [smem:$0x3FFC];
	_ =	sdelay $0x3  }
0x94: {  	_ =	strace s2  }
0x95: {  	s2 =	sld [smem:$0x3FFD];
	_ =	sdelay $0x3  }
0x96: {  	_ =	strace s2  }
0x97: {  	_ =	strace $0x8FFFFFFF  }
0x98: {  	s18 =	sld [smem:$0x3FDB];
	_ =	sdelay $0x1  }
0x99: {  	s19 =	simm.s32 $_scs_section_size  }
0x9a: {  	s4 =	simm.s32 $_size__tile_overlayer_lowered;
	s5 =	simm.s32 $_tile_overlayer_lowered  }
0x9b: {  	s22 =	simm.s32 $0x1BFF;
	s21 =	sshll.u32 s5, $0x1;
	s2 =	sadd.s32 s19, s18  }
0x9c: {  	s6 =	simm.s32 $0x0;
	s20 =	sshll.u32 s4, $0x1;
	s4 =	sadd.s32 s21, s2  }
0x9d: {  	[timem:s6], [sflag:s22] =	dma.local [hbm:s4], s20  }
0x9e: {  	_ =	swait.ge [sflag:s22], s20  }
0x9f: {  	s3 =	ssub.s32 $0x0, s20;
	[sflag:s22] =	ssyncset.done $0x0  }
0xa0: {  	[sflag:s22] =	ssyncadd.s32 s3;
	_ =	sdelay $0x1  }
0xa1: {  	s23 =	simm.s32 $0x1B8B  }
0xa2: {  	_ =	swait.ge [sflag:s23], $0x1  }
0xa3: {  	[sflag:s23] =	ssyncset.done $0x0  }
0xa4: {  	s25 =	simm.s32 $0x1B8E;
	s24 =	sld [smem:$0x3FFE];
	[sflag:s23] =	ssyncadd.s32 $0xFFFFFFFF  }
0xa5: {  	s26 =	simm.s32 $execute0_lowered;
	[smem:$0x3FD2] =	sst s25  }
0xa6: {  	s4 =	sshll.u32 s26, $0x1;
	_ =	strace $0x80000046;
	[dreg:$0x1] =	wrdreg $0xFFFFFFFF  }
0xa7: {  	s28 =	simm.s32 $_size_execute0_lowered;
	s2 =	sadd.s32 s2, s4;
	[dreg:$0x0] =	wrdreg $0x0  }
0xa8: {  	s4 =	sshll.u32 s28, $0x1;
	[dreg:$0x2] =	wrdreg s2  }
0xa9: {  	[dreg:$0x3] =	wrdreg s4  }
0xaa: {  	[dreg:$0x4] =	wrdreg $0xC0  }
0xab: {  	_ =	task [dreg:s6], $0x5FFFF  }
0xac: {  	[dreg:$0x1] =	wrdreg $0xFFFFFFFF  }
0xad: {  	[dreg:$0x0] =	wrdreg $0x60  }
0xae: {  	[dreg:$0x2] =	wrdreg s24  }
0xaf: {  	[dreg:$0x3] =	wrdreg $0xA  }
0xb0: {  	_ =	task.clear_ibuf [dreg:s6], $0x4FFFF;
	_ =	strace $0x90000046  }
0xb1: {  	s29 =	simm.s32 $0xA;
	_ =	strace $0x80000048  }
0xb2: {  	_ =	swait.ge [sflag:s29], $0x1  }
0xb3: {  	[sflag:s29] =	ssyncadd.s32 $0xFFFFFFFF  }
0xb4: {  	_ =	strace $0x90000048  }
0xb5: {  	_ =	sfence  }
0xb6: {  	s30 =	sld [smem:$0x0];
	_ =	sdelay $0x2  }
0xb7: {  	s31 =	sshll.u32 s1, $0xD;
	s1 =	sshrl.u32 s1, $0x2  }
0xb8: {  	s3 =	sand.u32 $0x4000, s31;
	s1 =	sadd.s32 s1, s30  }
0xb9: {  	s0 =	sor.u32 s3, s0;
	s1 =	sshll.u32 s1, $0x11  }
0xba: {  	s0 =	sor.u32 s1, s0  }
0xbb: {  	s0 =	sadd.s32 $0x8F2B, s0  }
0xbc: {  	[sflag:s0] =	ssyncadd.remote.s32 $0x1  }
0xbd: {  	_ =	sfence.sel $0xFFFF  }
0xbe: {  	[dreg:$0x0] =	wrdreg $0xFFFFFFFF;
	(pc) =	sbr.abs _section_cstart, $3  }
0xbf: {  	[dreg:$0x1] =	wrdreg $0xFFFFFFFF  }
0xc0: {  	_ =	task.clear_ibuf [dreg:s6], $0x2FFFF;
	_ =	strace $0x9FFFFFFF  }
0xc1: {  	(tm) =	ssettm $0x7FFFFFFF  }
tec
execute0_lowered:
.L_overlay_start_1:
0x0: {  	(tag) =	ssettag $0x1  }
0x1: {  	s1 =	srdreg.scid;
	s0 =	stileid.u32  }
0x2: {  	s5 =	rddreg [dreg:$0x0];
	s2 =	simm.s32 $0x0;
	s8 =	simm.s32 $0x80  }
0x3: {  	s9 =	simm.s32 $0x1;
	s4 =	sand.u32 $0x1, s1;
	s30 =	sshll.u32 s0, $0x1  }
0x4: {  	s10 =	simm.s32 $0x1400;
	s1 =	rddreg [dreg:$0x1];
	s3 =	sor.u32 s4, s30  }
0x5: {  	s11 =	simm.s32 $0x0;
	[smem:$0x7FF] =	sst s2;
	s6 =	smul.u32 $0x280, s3  }
0x6: {  	_ =	strace $0x80000047;
	s4 =	ssub.s32 $0x2, s4;
	s7 =	smul.u32 $0x2800, s3  }
0x7: {  	s3 =	sadd.s32 $0x5000, s5;
	s31 =	sshrl.u32 s4, $0x1;
	s6 =	sadd.s32 s6, s5  }
0x8: {  	s5 =	sadd.s32 s7, s5;
	s7 =	ssub.s32 s4, s31;
	s4 =	sadd.s32 $0xA000, s6  }
0x9: {  	s5 =	sadd.s32 $0xF000, s5;
	s6 =	smax.u32 s7, $0x1;
	s7 =	simm.s32 $0x2  }
.LBB2_1:
0xa: {  	[tilespmem:s2], [sflag:$0x2] =	stream.linear.gather [hbm4b:s4+s2], $0x1400, $0x38;
	[tilespmem:$0x15400] =	vst v63  }
0xb: {  	_ =	swait.ge [sflag:s7], $0x1400  }
0xc: {  	s12 =	simm.s32 $0x200;
	s15 =	simm.s32 $0x0;
	[sflag:s7] =	ssyncset.done $0x0  }
0xd: {  	s13 =	simm.s32 $0x1C00;
	s14 =	simm.s32 $0x1400;
	[sflag:s7] =	ssyncadd.s32 $0xFFFFEC00  }
.LBB2_2:
0xe: {  	[tilespmem:s14], [sflag:$0x1] =	stream.indirect.gather [hbm4b:s3+s8], $0x10, s15, s8, $0xb8;
	[tilespmem:$0x15400] =	vst v63  }
0xf: {  	s15 =	smov.u32 s12;
	s14 =	smov.u32 s13;
	p0 =	sne.s32 s12, $0x4E00  }
.Ltmp0:
0x10: {  	s12 =	sadd.s32 $0x200, s12;
	(pc) =	sbr.rel @p0 .LBB2_2-.Ltmp0, $2  }
0x11: {  	_ =	sdelay $0x2  }
0x12: {  	s13 =	sadd.s32 $0x800, s13;
	s15 =	sshra.s32 s15, $0x2  }
0x13: {  	[tilespmem:s14], [sflag:$0x1] =	stream.indirect.gather [hbm4b:s3+s8], $0x10, s15, s8, $0xb8;
	[tilespmem:$0x15400] =	vst v63  }
0x14: {  	s11 =	sadd.s32 $0x1, s11;
	_ =	swait.ge [sflag:s9], $0x14000  }
0x15: {  	p0 =	sne.s32 s11, s6;
	[sflag:s9] =	ssyncset.done $0x0  }
.Ltmp1:
0x16: {  	[sflag:s9] =	ssyncadd.s32 $0xFFFEC000;
	(pc) =	sbr.rel @p0 .LBB2_1-.Ltmp1, $4  }
0x17: {  	[hbm4b:s5+s2] =	stream.linear.scatter [tilespmem:s10], [sflag:$0x2], $0x14000, $0x38;
	[tilespmem:$0x15400] =	vst v63  }
0x18: {  	_ =	swait.ge [sflag:s7], $0x14000  }
0x19: {  	[sflag:s7] =	ssyncset.done $0x0  }
0x1a: {  	[sflag:s7] =	ssyncadd.s32 $0xFFFEC000  }
0x1b: {  	_ =	sfence.sel $0x180000  }
0x1c: {  	[bflag:$0x0] =	sbarrier.arrive $0xFFFF  }
0x1d: {  	p0 =	sne.s32 s0, $0x0;
	_ =	strace $0x90000047  }
0x1e: {  	s0 =	sadd.s32 @!p0 $0x100000, s1;
	[bflag:$0x2] =	sbarrier.arrive $0xFFFF  }
0x1f: {  	[sflag:s0] =	ssyncadd.tile.s32 @!p0 $0x1;
	_ =	shalt  }
.Lfunc_end2:
_tile_overlayer_lowered:
.L_overlay_start_2:
0x20: {  	(tag) =	ssettag $0x2  }
0x21: {  	s0 =	rddreg [dreg:$0x0];
	s2 =	stileid.u32  }
0x22: {  	s1 =	rddreg [dreg:$0x1];
	p0 =	sne.s32 s2, $0x0  }
0x23: {  	s3 =	rddreg [dreg:$0x2];
	[bflag:$0x3] =	sbarrier.arrive $0xFFFF;
	s2 =	simm.s32 @!p0 $0x1C02  }
0x24: {  	[timem:s3], [sflag:s2] =	dma.local @!p0 [hbm:s0], s1  }
0x25: {  	s0 =	simm.s32 @!p0 $0x2  }
0x26: {  	_ =	swait.ge @!p0 [sflag:s0], s1  }
0x27: {  	s1 =	ssub.s32 @!p0 $0x0, s1;
	[sflag:s0] =	ssyncset.done @!p0 $0x0  }
0x28: {  	[sflag:s0] =	ssyncadd.s32 @!p0 s1  }
0x29: {  	[bflag:$0x3] =	sbarrier.arrive $0xFFFF  }
0x2a: {  	_ =	shalt  }

// kernel: kernel.22.cloned.1.call-start
scs
__scs_entry_jumppad:
0x0: {  	(pc) =	sbr.rel $0x88, $3  }
0x1: {  	(tag) =	ssettag $0x0;
	lr =	simm.s32 $0x1  }
0x2: {  	[smem:$0x3F87] =	sst lr;
	_ =	strace $0xD0000000  }
0x3: {  	_ = 	snop  }
0x4: {  	_ = 	snop  }
0x5: {  	_ = 	snop  }
0x6: {  	_ = 	snop  }
0x7: {  	_ = 	snop  }
__scs_overlays_trampoline_lowered:
0x8: {  	[smem:$0x3F96] =	sst s0  }
0x9: {  	[smem:$0x3F97] =	sst s1  }
0xa: {  	[smem:$0x3F98] =	sst s2  }
0xb: {  	[smem:$0x3F99] =	sst s3  }
0xc: {  	[smem:$0x3F9A] =	sst s4  }
0xd: {  	[smem:$0x3F9B] =	sst s5  }
0xe: {  	[smem:$0x3F9C] =	sst s6  }
0xf: {  	[smem:$0x3F9D] =	sst s7  }
0x10: {  	[smem:$0x3F9E] =	sst s8  }
0x11: {  	[smem:$0x3F9F] =	sst s9;
	s0 =	simm.s32 @!p0 $0x0  }
0x12: {  	s1 =	sld [smem:$0x3F85];
	s0 =	simm.s32 @p0 $0x1  }
0x13: {  	[smem:$0x3FA0] =	sst s0;
	s0 =	simm.s32 @!p1 $0x0  }
0x14: {  	s2 =	sld [smem:$0x3F84];
	s0 =	simm.s32 @p1 $0x1  }
0x15: {  	[smem:$0x3FA1] =	sst s0;
	s0 =	simm.s32 @!p2 $0x0  }
0x16: {  	s3 =	sld [smem:$0x3FDB];
	s0 =	simm.s32 @p2 $0x1  }
0x17: {  	s4 =	simm.s32 $0x1BF5;
	[smem:$0x3FA3] =	sst s0  }
0x18: {  	s0 =	sld [smem:$0x3F86];
	_ =	swait.ge [sflag:s4], $0x0  }
0x19: {  	s7 =	sld [smem:$0x3F87]  }
0x1a: {  	s8 =	sadd.s32 $0xFFFFE003, lr  }
0x1b: {  	s9 =	sadd.s32 $0xFFFFFEF7, lr;
	s5 =	simm.s32 $0xFFFFFFFF;
	p2 =	slt.u32 s8, $0xFFFFF086  }
0x1c: {  	p1 =	slt.u32 s9, $0xF7A;
	s5 =	simm.s32 @!p2 $0x0  }
0x1d: {  	s5 =	simm.s32 @p1 $0x1;
	p0 =	seq.s32 s7, s2  }
0x1e: {  	s7 =	smul.u32 @!p0 $0xF7A, s2;
	p2 =	seq.s32 @!p0 s5, $0x0  }
0x1f: {  	s9 =	smul.u32 $0xF7A, s1;
	s8 =	simm.s32 @!p0 $0x1BF5;
	p2 =	por !p2, p0  }
0x20: {  	[sflag:s8] =	ssyncset.s32 @!p0 $0xFFFFF086;
	s6 =	sadd.s32 @!p0 s3, s7;
	s7 =	simm.s32 @!p0 $0x108  }
0x21: {  	s3 =	sadd.s32 s3, s9;
	s6 =	sadd.s32 @!p0 $0x88, s6;
	s7 =	simm.s32 @p2 $0x1082  }
0x22: {  	[simem:s7], [sflag:s8] =	dma.local @!p0 [hbm:s6], $0xF7A  }
0x23: {  	s9 =	sor.u32 $0xD0000000, s2;
	s6 =	simm.s32 $0x108;
	_ =	swait.ge @!p0 [sflag:s8], $0x0  }
0x24: {  	s3 =	sadd.s32 $0x88, s3;
	s6 =	simm.s32 @!p1 $0x1082;
	[sflag:s4] =	ssyncset.s32 $0xFFFFF086  }
0x25: {  	[simem:s6], [sflag:s4] =	dma.local [hbm:s3], $0xF7A  }
0x26: {  	[smem:$0x3F87] =	sst s1;
	(tag) =	ssettag s2;
	_ =	strace s9  }
0x27: {  	s1 =	sld [smem:$0x3F97]  }
0x28: {  	s2 =	sld [smem:$0x3F98]  }
0x29: {  	s4 =	sld [smem:$0x3F9A]  }
0x2a: {  	p0 =	seq.s32 s5, $0x0;
	s5 =	sld [smem:$0x3F9B]  }
0x2b: {  	s6 =	sld [smem:$0x3F9C]  }
0x2c: {  	s7 =	sld [smem:$0x3F9D]  }
0x2d: {  	s3 =	simm.s32 $0x108;
	s8 =	sld [smem:$0x3F9E]  }
0x2e: {  	s3 =	simm.s32 @!p0 $0x1082;
	s9 =	sld [smem:$0x3F9F]  }
0x2f: {  	lr =	sadd.s32 s0, s3;
	s0 =	sld [smem:$0x3F96]  }
0x30: {  	s3 =	sld [smem:$0x3F99]  }
0x31: {  	[smem:$0x3FA2] =	sst s10  }
0x32: {  	s10 =	sld [smem:$0x3FA0];
	_ =	sdelay $0x3  }
0x33: {  	p0 =	seq.s32 s10, $0x1;
	s10 =	sld [smem:$0x3FA2];
	_ =	sdelay $0x3  }
0x34: {  	[smem:$0x3FA2] =	sst s10  }
0x35: {  	s10 =	sld [smem:$0x3FA1];
	_ =	sdelay $0x3  }
0x36: {  	p1 =	seq.s32 s10, $0x1;
	s10 =	sld [smem:$0x3FA2];
	_ =	sdelay $0x3  }
0x37: {  	[smem:$0x3FA2] =	sst s10  }
0x38: {  	s10 =	sld [smem:$0x3FA3]  }
0x39: {  	_ = 	snop;
	(pc) =	sbr.ind lr, $3  }
0x3a: {  	_ = 	snop  }
0x3b: {  	_ = 	snop  }
0x3c: {  	p2 =	seq.s32 s10, $0x1;
	s10 =	sld [smem:$0x3FA2]  }
0x3d: {  	_ =	shalt  }
0x3e: {  	_ =	shalt  }
0x3f: {  	_ =	shalt  }
0x40: {  	_ =	shalt  }
0x41: {  	_ =	shalt  }
0x42: {  	_ =	shalt  }
0x43: {  	_ =	shalt  }
0x44: {  	_ =	shalt  }
0x45: {  	_ =	shalt  }
0x46: {  	_ =	shalt  }
0x47: {  	_ =	shalt  }
0x48: {  	_ =	shalt  }
0x49: {  	_ =	shalt  }
0x4a: {  	_ =	shalt  }
0x4b: {  	_ =	shalt  }
0x4c: {  	_ =	shalt  }
0x4d: {  	_ =	shalt  }
0x4e: {  	_ =	shalt  }
0x4f: {  	_ =	shalt  }
0x50: {  	_ =	shalt  }
0x51: {  	_ =	shalt  }
0x52: {  	_ =	shalt  }
0x53: {  	_ =	shalt  }
0x54: {  	_ =	shalt  }
0x55: {  	_ =	shalt  }
0x56: {  	_ =	shalt  }
0x57: {  	_ =	shalt  }
0x58: {  	_ =	shalt  }
0x59: {  	_ =	shalt  }
0x5a: {  	_ =	shalt  }
0x5b: {  	_ =	shalt  }
0x5c: {  	_ =	shalt  }
0x5d: {  	_ =	shalt  }
0x5e: {  	_ =	shalt  }
0x5f: {  	_ =	shalt  }
0x60: {  	_ =	shalt  }
0x61: {  	_ =	shalt  }
0x62: {  	_ =	shalt  }
0x63: {  	_ =	shalt  }
0x64: {  	_ =	shalt  }
0x65: {  	_ =	shalt  }
0x66: {  	_ =	shalt  }
0x67: {  	_ =	shalt  }
0x68: {  	_ =	shalt  }
0x69: {  	_ =	shalt  }
0x6a: {  	_ =	shalt  }
0x6b: {  	_ =	shalt  }
0x6c: {  	_ =	shalt  }
0x6d: {  	_ =	shalt  }
0x6e: {  	_ =	shalt  }
0x6f: {  	_ =	shalt  }
0x70: {  	_ =	shalt  }
0x71: {  	_ =	shalt  }
0x72: {  	_ =	shalt  }
0x73: {  	_ =	shalt  }
0x74: {  	_ =	shalt  }
0x75: {  	_ =	shalt  }
0x76: {  	_ =	shalt  }
0x77: {  	_ =	shalt  }
0x78: {  	_ =	shalt  }
0x79: {  	_ =	shalt  }
0x7a: {  	_ =	shalt  }
0x7b: {  	_ =	shalt  }
0x7c: {  	_ =	shalt  }
0x7d: {  	_ =	shalt  }
0x7e: {  	_ =	shalt  }
0x7f: {  	_ =	shalt  }
0x80: {  	_ =	shalt  }
0x81: {  	_ =	shalt  }
0x82: {  	_ =	shalt  }
0x83: {  	_ =	shalt  }
0x84: {  	_ =	shalt  }
0x85: {  	_ =	shalt  }
0x86: {  	_ =	shalt  }
0x87: {  	_ =	shalt  }
.Lfunc_end0:
.L_simem_size_0:
called_computation.2_lowered:
.L_overlay_start_0:
0x88: {  	s2 =	sld [smem:$0x3FD9]  }
0x89: {  	s3 =	sld [smem:$0x3FFE];
	_ =	sdelay $0x1  }
0x8a: {  	s1 =	srdreg.scid  }
0x8b: {  	s0 =	sand.u32 $0x1, s1  }
0x8c: {  	s17 =	sshll.u32 s0, $0xA;
	s2 =	sadd.s32 s3, s2  }
0x8d: {  	s2 =	sadd.s32 s2, s17  }
0x8e: {  	[smem:$0x3FAE] =	sst s2  }
0x8f: {  	_ = 	snop  }
0x90: {  	(tm) =	ssettm $0x1  }
0x91: {  	s18 =	sld [smem:$0x3FFB];
	_ =	sdelay $0x3  }
0x92: {  	_ =	strace s18  }
0x93: {  	s2 =	sld [smem:$0x3FFC];
	_ =	sdelay $0x3  }
0x94: {  	_ =	strace s2  }
0x95: {  	s2 =	sld [smem:$0x3FFD];
	_ =	sdelay $0x3  }
0x96: {  	_ =	strace s2  }
0x97: {  	_ =	strace $0x8FFFFFFF  }
0x98: {  	s19 =	sld [smem:$0x3FDB];
	_ =	sdelay $0x1  }
0x99: {  	s20 =	simm.s32 $_scs_section_size  }
0x9a: {  	s4 =	simm.s32 $_size__tile_overlayer_lowered;
	s5 =	simm.s32 $_tile_overlayer_lowered  }
0x9b: {  	s6 =	simm.s32 $0x1BFF;
	s21 =	sshll.u32 s5, $0x1;
	s3 =	sadd.s32 s20, s19  }
0x9c: {  	s22 =	simm.s32 $0x0;
	s4 =	sshll.u32 s4, $0x1;
	s5 =	sadd.s32 s21, s3  }
0x9d: {  	[timem:s22], [sflag:s6] =	dma.local [hbm:s5], s4  }
0x9e: {  	_ =	swait.ge [sflag:s6], s4  }
0x9f: {  	s4 =	ssub.s32 $0x0, s4;
	[sflag:s6] =	ssyncset.done $0x0  }
0xa0: {  	[sflag:s6] =	ssyncadd.s32 s4;
	_ =	sdelay $0x1  }
0xa1: {  	s23 =	simm.s32 $0x1B8B  }
0xa2: {  	_ =	swait.ge [sflag:s23], $0x1  }
0xa3: {  	[sflag:s23] =	ssyncset.done $0x0  }
0xa4: {  	[sflag:s23] =	ssyncadd.s32 $0xFFFFFFFF  }
0xa5: {  	s4 =	sld [smem:$0x0]  }
0xa6: {  	s5 =	sand.u32 $0xFFFFFFFE, s1  }
0xa7: {  	p0 =	sne.s32 s1, s5  }
0xa8: {  	s5 =	sshll.u32 @p0 s5, $0xE  }
0xa9: {  	s5 =	sadd.s32 @p0 $0x11B8D, s5;
	s6 =	sshll.u32 @p0 s4, $0x11  }
0xaa: {  	s5 =	sor.u32 @p0 s6, s5  }
0xab: {  	[sflag:s5] =	ssyncadd.remote.s32 @p0 $0x1;
	_ =	sdelay $0x1  }
0xac: {  	s5 =	simm.s32 @p0 $0x1B8D  }
0xad: {  	_ =	swait.eq @p0 [sflag:s5], $0x1  }
0xae: {  	[sflag:s5] =	ssyncadd.s32 @p0 $0xFFFFFFFF  }
0xaf: {  	s6 =	sshll.u32 @!p0 s1, $0xE  }
0xb0: {  	s6 =	sor.u32 @!p0 $0x4000, s6;
	s5 =	simm.s32 @!p0 $0x1B8D  }
0xb1: {  	s4 =	sshll.u32 @!p0 s4, $0x11;
	s6 =	sadd.s32 @!p0 $0x11B8D, s6;
	_ =	swait.eq @!p0 [sflag:s5], $0x1  }
0xb2: {  	s4 =	sor.u32 @!p0 s4, s6;
	[sflag:s5] =	ssyncadd.s32 @!p0 $0xFFFFFFFF  }
0xb3: {  	s25 =	simm.s32 $0x1B8E;
	s24 =	sld [smem:$0x3FFE];
	[sflag:s4] =	ssyncadd.remote.s32 @!p0 $0x1  }
0xb4: {  	s26 =	simm.s32 $execute0_lowered;
	[smem:$0x3FD2] =	sst s25  }
0xb5: {  	s5 =	sshll.u32 s26, $0x1;
	_ =	strace $0x8000004C;
	[dreg:$0x1] =	wrdreg $0xFFFFFFFF  }
0xb6: {  	s28 =	simm.s32 $_size_execute0_lowered;
	s3 =	sadd.s32 s3, s5;
	[dreg:$0x0] =	wrdreg $0x0  }
0xb7: {  	s5 =	sshll.u32 s28, $0x1;
	[dreg:$0x2] =	wrdreg s3  }
0xb8: {  	[dreg:$0x3] =	wrdreg s5  }
0xb9: {  	[dreg:$0x4] =	wrdreg $0xC0  }
0xba: {  	_ =	task [dreg:s22], $0x5FFFF  }
0xbb: {  	[dreg:$0x1] =	wrdreg $0xFFFFFFFF  }
0xbc: {  	[dreg:$0x0] =	wrdreg $0x60  }
0xbd: {  	[dreg:$0x2] =	wrdreg s24  }
0xbe: {  	[dreg:$0x3] =	wrdreg $0x154000  }
0xbf: {  	[dreg:$0x4] =	wrdreg $0xA  }
0xc0: {  	_ =	task.clear_ibuf [dreg:s22], $0x5FFFF;
	_ =	strace $0x9000004C  }
0xc1: {  	s29 =	simm.s32 $0xA;
	_ =	strace $0x8000004E  }
0xc2: {  	_ =	swait.ge [sflag:s29], $0x1  }
0xc3: {  	[sflag:s29] =	ssyncadd.s32 $0xFFFFFFFF  }
0xc4: {  	_ =	strace $0x9000004E  }
0xc5: {  	_ =	sfence  }
0xc6: {  	s30 =	sld [smem:$0x0];
	_ =	sdelay $0x2  }
0xc7: {  	s31 =	sshll.u32 s1, $0xD;
	s1 =	sshrl.u32 s1, $0x2  }
0xc8: {  	s4 =	sand.u32 $0x4000, s31;
	s1 =	sadd.s32 s1, s30  }
0xc9: {  	s0 =	sor.u32 s4, s0;
	s1 =	sshll.u32 s1, $0x11  }
0xca: {  	s0 =	sor.u32 s1, s0  }
0xcb: {  	s0 =	sadd.s32 $0x8F2B, s0  }
0xcc: {  	[sflag:s0] =	ssyncadd.remote.s32 $0x1  }
0xcd: {  	_ =	sfence.sel $0xFFFF  }
0xce: {  	[dreg:$0x0] =	wrdreg $0xFFFFFFFF;
	(pc) =	sbr.abs _section_cstart, $3  }
0xcf: {  	[dreg:$0x1] =	wrdreg $0xFFFFFFFF  }
0xd0: {  	_ =	task.clear_ibuf [dreg:s22], $0x2FFFF;
	_ =	strace $0x9FFFFFFF  }
0xd1: {  	(tm) =	ssettm $0x7FFFFFFF  }
tec
execute0_lowered:
.L_overlay_start_1:
0x0: {  	(tag) =	ssettag $0x1  }
0x1: {  	s1 =	srdreg.scid;
	s5 =	rddreg [dreg:$0x0]  }
0x2: {  	s0 =	stileid.u32;
	s2 =	rddreg [dreg:$0x1];
	s3 =	simm.s32 $0x0  }
0x3: {  	s4 =	sand.u32 $0x1, s1;
	s28 =	sshll.u32 s0, $0x1;
	s8 =	smul.u32 $0x2800, s0  }
0x4: {  	s13 =	simm.s32 $0x1;
	s1 =	sor.u32 s4, s28;
	s9 =	smul.u32 $0x28000, s4  }
0x5: {  	s14 =	simm.s32 $0x0;
	[smem:$0x7FF] =	sst s3;
	s6 =	smul.u32 $0x2800, s1  }
0x6: {  	s31 =	sshll.u32 s0, $0x6;
	s4 =	ssub.s32 $0x2, s4;
	s7 =	smul.u32 $0x280, s1  }
0x7: {  	s1 =	rddreg [dreg:$0x2];
	_ =	strace $0x8000004D;
	s30 =	sshrl.u32 s8, $0x3  }
0x8: {  	s11 =	sshrl.u32 s4, $0x1;
	s12 =	sadd.s32 s8, s2;
	s9 =	sadd.s32 s8, s9  }
0x9: {  	s11 =	ssub.s32 s4, s11;
	s10 =	sadd.s32 s6, s5;
	s9 =	sshrl.u32 s9, $0x3  }
0xa: {  	s29 =	sadd.s32 s7, s5;
	s7 =	sadd.s32 s30, s5;
	s9 =	sadd.s32 s9, s5  }
0xb: {  	s4 =	sadd.s32 $0x64200, s7;
	s5 =	sor.u32 $0x1C02, s31;
	s6 =	sadd.s32 $0x5F200, s29  }
0xc: {  	s7 =	sadd.s32 $0xF000, s10;
	s10 =	sshrl.u32 s12, $0x3;
	s12 =	simm.s32 $0x80  }
0xd: {  	s8 =	sadd.s32 $0x93200, s9;
	s9 =	smax.u32 s11, $0x1;
	s11 =	simm.s32 $0x2  }
.LBB2_1:
0xe: {  	[spmem:s10], [sflag:s5] =	dma.local [hbm:s4], $0x500  }
0xf: {  	_ =	swait.ge [sflag:s11], $0x500  }
0x10: {  	[sflag:s11] =	ssyncset.done $0x0  }
0x11: {  	[sflag:s11] =	ssyncadd.s32 $0xFFFFFB00  }
0x12: {  	[tilespmem:s3], [sflag:$0x2] =	stream.linear.gather [hbm4b:s6+s3], $0x1400, $0x38;
	[tilespmem:$0x17C00] =	vst v63  }
0x13: {  	_ =	swait.ge [sflag:s11], $0x1400  }
0x14: {  	[sflag:s11] =	ssyncset.done $0x0  }
0x15: {  	s15 =	simm.s32 $0x1400;
	[sflag:s11] =	ssyncadd.s32 $0xFFFFEC00  }
0x16: {  	[tilespmem:s15], [sflag:$0x2] =	stream.linear.gather [hbm4b:s7+s3], $0x14000, $0x38;
	[tilespmem:$0x17C00] =	vst v63  }
0x17: {  	_ =	swait.ge [sflag:s11], $0x14000  }
0x18: {  	[sflag:s11] =	ssyncset.done $0x0  }
0x19: {  	s16 =	simm.s32 $0x200;
	[sflag:s11] =	ssyncadd.s32 $0xFFFEC000  }
0x1a: {  	s18 =	simm.s32 $0x0;
	s17 =	simm.s32 $0x1C00;
	[bflag:$0x0] =	sbarrier.arrive $0xFFFF  }
.LBB2_2:
0x1b: {  	[spmem:s2] =	stream.indirect.scatter.add.f32 [tilespmem:s15], [sflag:$0x1], $0x10, s18, s12, $0xb8;
	[tilespmem:$0x17C00] =	vst v63  }
0x1c: {  	s18 =	smov.u32 s16;
	s15 =	smov.u32 s17;
	p0 =	sne.s32 s16, $0x4E00  }
.Ltmp0:
0x1d: {  	s16 =	sadd.s32 $0x200, s16;
	(pc) =	sbr.rel @p0 .LBB2_2-.Ltmp0, $2  }
0x1e: {  	_ =	sdelay $0x2  }
0x1f: {  	s17 =	sadd.s32 $0x800, s17;
	s18 =	sshra.s32 s18, $0x2  }
0x20: {  	[spmem:s2] =	stream.indirect.scatter.add.f32 [tilespmem:s15], [sflag:$0x1], $0x10, s18, s12, $0xb8;
	[tilespmem:$0x17C00] =	vst v63  }
0x21: {  	_ =	swait.ge [sflag:s13], $0x14000  }
0x22: {  	s14 =	sadd.s32 $0x1, s14;
	[sflag:s13] =	ssyncset.done $0x0  }
0x23: {  	p0 =	sne.s32 s14, s9;
	[sflag:s13] =	ssyncadd.s32 $0xFFFEC000  }
.Ltmp1:
0x24: {  	[bflag:$0x0] =	sbarrier.arrive $0xFFFF;
	(pc) =	sbr.rel @p0 .LBB2_1-.Ltmp1, $4  }
0x25: {  	[hbm:s8], [sflag:s5] =	dma.local [spmem:s10], $0x500  }
0x26: {  	_ =	swait.ge [sflag:s11], $0x500  }
0x27: {  	[sflag:s11] =	ssyncset.done $0x0  }
0x28: {  	[sflag:s11] =	ssyncadd.s32 $0xFFFFFB00  }
0x29: {  	_ =	sfence.sel $0x180000  }
0x2a: {  	[bflag:$0x0] =	sbarrier.arrive $0xFFFF  }
0x2b: {  	p0 =	sne.s32 s0, $0x0;
	_ =	strace $0x9000004D  }
0x2c: {  	s0 =	sadd.s32 @!p0 $0x100000, s1;
	[bflag:$0x2] =	sbarrier.arrive $0xFFFF  }
0x2d: {  	[sflag:s0] =	ssyncadd.tile.s32 @!p0 $0x1;
	_ =	shalt  }
.Lfunc_end2:
_tile_overlayer_lowered:
.L_overlay_start_2:
0x2e: {  	(tag) =	ssettag $0x2  }
0x2f: {  	s0 =	rddreg [dreg:$0x0];
	s2 =	stileid.u32  }
0x30: {  	s1 =	rddreg [dreg:$0x1];
	p0 =	sne.s32 s2, $0x0  }
0x31: {  	s3 =	rddreg [dreg:$0x2];
	[bflag:$0x3] =	sbarrier.arrive $0xFFFF;
	s2 =	simm.s32 @!p0 $0x1C02  }
0x32: {  	[timem:s3], [sflag:s2] =	dma.local @!p0 [hbm:s0], s1  }
0x33: {  	s0 =	simm.s32 @!p0 $0x2  }
0x34: {  	_ =	swait.ge @!p0 [sflag:s0], s1  }
0x35: {  	s1 =	ssub.s32 @!p0 $0x0, s1;
	[sflag:s0] =	ssyncset.done @!p0 $0x0  }
0x36: {  	[sflag:s0] =	ssyncadd.s32 @!p0 s1  }
0x37: {  	[bflag:$0x3] =	sbarrier.arrive $0xFFFF  }
0x38: {  	_ =	shalt  }

// kernel: kernel.25.cloned.1.call-start
scs
__scs_entry_jumppad:
0x0: {  	(pc) =	sbr.rel $0x88, $3  }
0x1: {  	(tag) =	ssettag $0x0;
	lr =	simm.s32 $0x1  }
0x2: {  	[smem:$0x3F87] =	sst lr;
	_ =	strace $0xD0000000  }
0x3: {  	_ = 	snop  }
0x4: {  	_ = 	snop  }
0x5: {  	_ = 	snop  }
0x6: {  	_ = 	snop  }
0x7: {  	_ = 	snop  }
__scs_overlays_trampoline_lowered:
0x8: {  	[smem:$0x3F96] =	sst s0  }
0x9: {  	[smem:$0x3F97] =	sst s1  }
0xa: {  	[smem:$0x3F98] =	sst s2  }
0xb: {  	[smem:$0x3F99] =	sst s3  }
0xc: {  	[smem:$0x3F9A] =	sst s4  }
0xd: {  	[smem:$0x3F9B] =	sst s5  }
0xe: {  	[smem:$0x3F9C] =	sst s6  }
0xf: {  	[smem:$0x3F9D] =	sst s7  }
0x10: {  	[smem:$0x3F9E] =	sst s8  }
0x11: {  	[smem:$0x3F9F] =	sst s9;
	s0 =	simm.s32 @!p0 $0x0  }
0x12: {  	s1 =	sld [smem:$0x3F85];
	s0 =	simm.s32 @p0 $0x1  }
0x13: {  	[smem:$0x3FA0] =	sst s0;
	s0 =	simm.s32 @!p1 $0x0  }
0x14: {  	s2 =	sld [smem:$0x3F84];
	s0 =	simm.s32 @p1 $0x1  }
0x15: {  	[smem:$0x3FA1] =	sst s0;
	s0 =	simm.s32 @!p2 $0x0  }
0x16: {  	s3 =	sld [smem:$0x3FDB];
	s0 =	simm.s32 @p2 $0x1  }
0x17: {  	s4 =	simm.s32 $0x1BF5;
	[smem:$0x3FA3] =	sst s0  }
0x18: {  	s0 =	sld [smem:$0x3F86];
	_ =	swait.ge [sflag:s4], $0x0  }
0x19: {  	s7 =	sld [smem:$0x3F87]  }
0x1a: {  	s8 =	sadd.s32 $0xFFFFE003, lr  }
0x1b: {  	s9 =	sadd.s32 $0xFFFFFEF7, lr;
	s5 =	simm.s32 $0xFFFFFFFF;
	p2 =	slt.u32 s8, $0xFFFFF086  }
0x1c: {  	p1 =	slt.u32 s9, $0xF7A;
	s5 =	simm.s32 @!p2 $0x0  }
0x1d: {  	s5 =	simm.s32 @p1 $0x1;
	p0 =	seq.s32 s7, s2  }
0x1e: {  	s7 =	smul.u32 @!p0 $0xF7A, s2;
	p2 =	seq.s32 @!p0 s5, $0x0  }
0x1f: {  	s9 =	smul.u32 $0xF7A, s1;
	s8 =	simm.s32 @!p0 $0x1BF5;
	p2 =	por !p2, p0  }
0x20: {  	[sflag:s8] =	ssyncset.s32 @!p0 $0xFFFFF086;
	s6 =	sadd.s32 @!p0 s3, s7;
	s7 =	simm.s32 @!p0 $0x108  }
0x21: {  	s3 =	sadd.s32 s3, s9;
	s6 =	sadd.s32 @!p0 $0x88, s6;
	s7 =	simm.s32 @p2 $0x1082  }
0x22: {  	[simem:s7], [sflag:s8] =	dma.local @!p0 [hbm:s6], $0xF7A  }
0x23: {  	s9 =	sor.u32 $0xD0000000, s2;
	s6 =	simm.s32 $0x108;
	_ =	swait.ge @!p0 [sflag:s8], $0x0  }
0x24: {  	s3 =	sadd.s32 $0x88, s3;
	s6 =	simm.s32 @!p1 $0x1082;
	[sflag:s4] =	ssyncset.s32 $0xFFFFF086  }
0x25: {  	[simem:s6], [sflag:s4] =	dma.local [hbm:s3], $0xF7A  }
0x26: {  	[smem:$0x3F87] =	sst s1;
	(tag) =	ssettag s2;
	_ =	strace s9  }
0x27: {  	s1 =	sld [smem:$0x3F97]  }
0x28: {  	s2 =	sld [smem:$0x3F98]  }
0x29: {  	s4 =	sld [smem:$0x3F9A]  }
0x2a: {  	p0 =	seq.s32 s5, $0x0;
	s5 =	sld [smem:$0x3F9B]  }
0x2b: {  	s6 =	sld [smem:$0x3F9C]  }
0x2c: {  	s7 =	sld [smem:$0x3F9D]  }
0x2d: {  	s3 =	simm.s32 $0x108;
	s8 =	sld [smem:$0x3F9E]  }
0x2e: {  	s3 =	simm.s32 @!p0 $0x1082;
	s9 =	sld [smem:$0x3F9F]  }
0x2f: {  	lr =	sadd.s32 s0, s3;
	s0 =	sld [smem:$0x3F96]  }
0x30: {  	s3 =	sld [smem:$0x3F99]  }
0x31: {  	[smem:$0x3FA2] =	sst s10  }
0x32: {  	s10 =	sld [smem:$0x3FA0];
	_ =	sdelay $0x3  }
0x33: {  	p0 =	seq.s32 s10, $0x1;
	s10 =	sld [smem:$0x3FA2];
	_ =	sdelay $0x3  }
0x34: {  	[smem:$0x3FA2] =	sst s10  }
0x35: {  	s10 =	sld [smem:$0x3FA1];
	_ =	sdelay $0x3  }
0x36: {  	p1 =	seq.s32 s10, $0x1;
	s10 =	sld [smem:$0x3FA2];
	_ =	sdelay $0x3  }
0x37: {  	[smem:$0x3FA2] =	sst s10  }
0x38: {  	s10 =	sld [smem:$0x3FA3]  }
0x39: {  	_ = 	snop;
	(pc) =	sbr.ind lr, $3  }
0x3a: {  	_ = 	snop  }
0x3b: {  	_ = 	snop  }
0x3c: {  	p2 =	seq.s32 s10, $0x1;
	s10 =	sld [smem:$0x3FA2]  }
0x3d: {  	_ =	shalt  }
0x3e: {  	_ =	shalt  }
0x3f: {  	_ =	shalt  }
0x40: {  	_ =	shalt  }
0x41: {  	_ =	shalt  }
0x42: {  	_ =	shalt  }
0x43: {  	_ =	shalt  }
0x44: {  	_ =	shalt  }
0x45: {  	_ =	shalt  }
0x46: {  	_ =	shalt  }
0x47: {  	_ =	shalt  }
0x48: {  	_ =	shalt  }
0x49: {  	_ =	shalt  }
0x4a: {  	_ =	shalt  }
0x4b: {  	_ =	shalt  }
0x4c: {  	_ =	shalt  }
0x4d: {  	_ =	shalt  }
0x4e: {  	_ =	shalt  }
0x4f: {  	_ =	shalt  }
0x50: {  	_ =	shalt  }
0x51: {  	_ =	shalt  }
0x52: {  	_ =	shalt  }
0x53: {  	_ =	shalt  }
0x54: {  	_ =	shalt  }
0x55: {  	_ =	shalt  }
0x56: {  	_ =	shalt  }
0x57: {  	_ =	shalt  }
0x58: {  	_ =	shalt  }
0x59: {  	_ =	shalt  }
0x5a: {  	_ =	shalt  }
0x5b: {  	_ =	shalt  }
0x5c: {  	_ =	shalt  }
0x5d: {  	_ =	shalt  }
0x5e: {  	_ =	shalt  }
0x5f: {  	_ =	shalt  }
0x60: {  	_ =	shalt  }
0x61: {  	_ =	shalt  }
0x62: {  	_ =	shalt  }
0x63: {  	_ =	shalt  }
0x64: {  	_ =	shalt  }
0x65: {  	_ =	shalt  }
0x66: {  	_ =	shalt  }
0x67: {  	_ =	shalt  }
0x68: {  	_ =	shalt  }
0x69: {  	_ =	shalt  }
0x6a: {  	_ =	shalt  }
0x6b: {  	_ =	shalt  }
0x6c: {  	_ =	shalt  }
0x6d: {  	_ =	shalt  }
0x6e: {  	_ =	shalt  }
0x6f: {  	_ =	shalt  }
0x70: {  	_ =	shalt  }
0x71: {  	_ =	shalt  }
0x72: {  	_ =	shalt  }
0x73: {  	_ =	shalt  }
0x74: {  	_ =	shalt  }
0x75: {  	_ =	shalt  }
0x76: {  	_ =	shalt  }
0x77: {  	_ =	shalt  }
0x78: {  	_ =	shalt  }
0x79: {  	_ =	shalt  }
0x7a: {  	_ =	shalt  }
0x7b: {  	_ =	shalt  }
0x7c: {  	_ =	shalt  }
0x7d: {  	_ =	shalt  }
0x7e: {  	_ =	shalt  }
0x7f: {  	_ =	shalt  }
0x80: {  	_ =	shalt  }
0x81: {  	_ =	shalt  }
0x82: {  	_ =	shalt  }
0x83: {  	_ =	shalt  }
0x84: {  	_ =	shalt  }
0x85: {  	_ =	shalt  }
0x86: {  	_ =	shalt  }
0x87: {  	_ =	shalt  }
.Lfunc_end0:
.L_simem_size_0:
called_computation.3_lowered:
.L_overlay_start_0:
0x88: {  	s2 =	sld [smem:$0x3FD9]  }
0x89: {  	s3 =	sld [smem:$0x3FFE];
	_ =	sdelay $0x1  }
0x8a: {  	s1 =	srdreg.scid  }
0x8b: {  	s0 =	sand.u32 $0x1, s1  }
0x8c: {  	s16 =	sshll.u32 s0, $0xA;
	s2 =	sadd.s32 s3, s2  }
0x8d: {  	s2 =	sadd.s32 s2, s16  }
0x8e: {  	[smem:$0x3FAE] =	sst s2  }
0x8f: {  	_ = 	snop  }
0x90: {  	(tm) =	ssettm $0x1  }
0x91: {  	s17 =	sld [smem:$0x3FFB];
	_ =	sdelay $0x3  }
0x92: {  	_ =	strace s17  }
0x93: {  	s2 =	sld [smem:$0x3FFC];
	_ =	sdelay $0x3  }
0x94: {  	_ =	strace s2  }
0x95: {  	s2 =	sld [smem:$0x3FFD];
	_ =	sdelay $0x3  }
0x96: {  	_ =	strace s2  }
0x97: {  	_ =	strace $0x8FFFFFFF  }
0x98: {  	s18 =	sld [smem:$0x3FDB];
	_ =	sdelay $0x1  }
0x99: {  	s19 =	simm.s32 $_scs_section_size  }
0x9a: {  	s4 =	simm.s32 $_size__tile_overlayer_lowered;
	s5 =	simm.s32 $_tile_overlayer_lowered  }
0x9b: {  	s22 =	simm.s32 $0x1BFF;
	s21 =	sshll.u32 s5, $0x1;
	s2 =	sadd.s32 s19, s18  }
0x9c: {  	s6 =	simm.s32 $0x0;
	s20 =	sshll.u32 s4, $0x1;
	s4 =	sadd.s32 s21, s2  }
0x9d: {  	[timem:s6], [sflag:s22] =	dma.local [hbm:s4], s20  }
0x9e: {  	_ =	swait.ge [sflag:s22], s20  }
0x9f: {  	s3 =	ssub.s32 $0x0, s20;
	[sflag:s22] =	ssyncset.done $0x0  }
0xa0: {  	[sflag:s22] =	ssyncadd.s32 s3;
	_ =	sdelay $0x1  }
0xa1: {  	s23 =	simm.s32 $0x1B8B  }
0xa2: {  	_ =	swait.ge [sflag:s23], $0x1  }
0xa3: {  	[sflag:s23] =	ssyncset.done $0x0  }
0xa4: {  	s25 =	simm.s32 $0x1B8E;
	s24 =	sld [smem:$0x3FFE];
	[sflag:s23] =	ssyncadd.s32 $0xFFFFFFFF  }
0xa5: {  	s26 =	simm.s32 $execute0_lowered;
	[smem:$0x3FD2] =	sst s25  }
0xa6: {  	s4 =	sshll.u32 s26, $0x1;
	_ =	strace $0x8000004F;
	[dreg:$0x1] =	wrdreg $0xFFFFFFFF  }
0xa7: {  	s28 =	simm.s32 $_size_execute0_lowered;
	s2 =	sadd.s32 s2, s4;
	[dreg:$0x0] =	wrdreg $0x0  }
0xa8: {  	s4 =	sshll.u32 s28, $0x1;
	[dreg:$0x2] =	wrdreg s2  }
0xa9: {  	[dreg:$0x3] =	wrdreg s4  }
0xaa: {  	[dreg:$0x4] =	wrdreg $0xC0  }
0xab: {  	_ =	task [dreg:s6], $0x5FFFF  }
0xac: {  	[dreg:$0x1] =	wrdreg $0xFFFFFFFF  }
0xad: {  	[dreg:$0x0] =	wrdreg $0x60  }
0xae: {  	[dreg:$0x2] =	wrdreg s24  }
0xaf: {  	[dreg:$0x3] =	wrdreg $0x9  }
0xb0: {  	_ =	task.clear_ibuf [dreg:s6], $0x4FFFF;
	_ =	strace $0x9000004F  }
0xb1: {  	s29 =	simm.s32 $0x9;
	_ =	strace $0x80000051  }
0xb2: {  	_ =	swait.ge [sflag:s29], $0x1  }
0xb3: {  	[sflag:s29] =	ssyncadd.s32 $0xFFFFFFFF  }
0xb4: {  	_ =	strace $0x90000051  }
0xb5: {  	_ =	sfence  }
0xb6: {  	s30 =	sld [smem:$0x0];
	_ =	sdelay $0x2  }
0xb7: {  	s31 =	sshll.u32 s1, $0xD;
	s1 =	sshrl.u32 s1, $0x2  }
0xb8: {  	s3 =	sand.u32 $0x4000, s31;
	s1 =	sadd.s32 s1, s30  }
0xb9: {  	s0 =	sor.u32 s3, s0;
	s1 =	sshll.u32 s1, $0x11  }
0xba: {  	s0 =	sor.u32 s1, s0  }
0xbb: {  	s0 =	sadd.s32 $0x8F2B, s0  }
0xbc: {  	[sflag:s0] =	ssyncadd.remote.s32 $0x1  }
0xbd: {  	_ =	sfence.sel $0xFFFF  }
0xbe: {  	[dreg:$0x0] =	wrdreg $0xFFFFFFFF;
	(pc) =	sbr.abs _section_cstart, $3  }
0xbf: {  	[dreg:$0x1] =	wrdreg $0xFFFFFFFF  }
0xc0: {  	_ =	task.clear_ibuf [dreg:s6], $0x2FFFF;
	_ =	strace $0x9FFFFFFF  }
0xc1: {  	(tm) =	ssettm $0x7FFFFFFF  }
tec
execute0_lowered:
.L_overlay_start_1:
0x0: {  	(tag) =	ssettag $0x1  }
0x1: {  	s1 =	srdreg.scid;
	s0 =	stileid.u32  }
0x2: {  	s5 =	rddreg [dreg:$0x0];
	s2 =	simm.s32 $0x0;
	s8 =	simm.s32 $0x80  }
0x3: {  	s9 =	simm.s32 $0x1;
	s4 =	sand.u32 $0x1, s1;
	s30 =	sshll.u32 s0, $0x1  }
0x4: {  	s10 =	simm.s32 $0x1400;
	s1 =	rddreg [dreg:$0x1];
	s3 =	sor.u32 s4, s30  }
0x5: {  	s11 =	simm.s32 $0x0;
	[smem:$0x7FF] =	sst s2;
	s6 =	smul.u32 $0x280, s3  }
0x6: {  	_ =	strace $0x80000050;
	s4 =	ssub.s32 $0x2, s4;
	s7 =	smul.u32 $0x2800, s3  }
0x7: {  	s3 =	sadd.s32 $0x5000, s5;
	s31 =	sshrl.u32 s4, $0x1;
	s6 =	sadd.s32 s6, s5  }
0x8: {  	s5 =	sadd.s32 s7, s5;
	s7 =	ssub.s32 s4, s31;
	s4 =	sadd.s32 $0xA000, s6  }
0x9: {  	s5 =	sadd.s32 $0xF000, s5;
	s6 =	smax.u32 s7, $0x1;
	s7 =	simm.s32 $0x2  }
.LBB2_1:
0xa: {  	[tilespmem:s2], [sflag:$0x2] =	stream.linear.gather [hbm4b:s4+s2], $0x1400, $0x38;
	[tilespmem:$0x15400] =	vst v63  }
0xb: {  	_ =	swait.ge [sflag:s7], $0x1400  }
0xc: {  	s12 =	simm.s32 $0x200;
	s15 =	simm.s32 $0x0;
	[sflag:s7] =	ssyncset.done $0x0  }
0xd: {  	s13 =	simm.s32 $0x1C00;
	s14 =	simm.s32 $0x1400;
	[sflag:s7] =	ssyncadd.s32 $0xFFFFEC00  }
.LBB2_2:
0xe: {  	[tilespmem:s14], [sflag:$0x1] =	stream.indirect.gather [hbm4b:s3+s8], $0x10, s15, s8, $0xb8;
	[tilespmem:$0x15400] =	vst v63  }
0xf: {  	s15 =	smov.u32 s12;
	s14 =	smov.u32 s13;
	p0 =	sne.s32 s12, $0x4E00  }
.Ltmp0:
0x10: {  	s12 =	sadd.s32 $0x200, s12;
	(pc) =	sbr.rel @p0 .LBB2_2-.Ltmp0, $2  }
0x11: {  	_ =	sdelay $0x2  }
0x12: {  	s13 =	sadd.s32 $0x800, s13;
	s15 =	sshra.s32 s15, $0x2  }
0x13: {  	[tilespmem:s14], [sflag:$0x1] =	stream.indirect.gather [hbm4b:s3+s8], $0x10, s15, s8, $0xb8;
	[tilespmem:$0x15400] =	vst v63  }
0x14: {  	s11 =	sadd.s32 $0x1, s11;
	_ =	swait.ge [sflag:s9], $0x14000  }
0x15: {  	p0 =	sne.s32 s11, s6;
	[sflag:s9] =	ssyncset.done $0x0  }
.Ltmp1:
0x16: {  	[sflag:s9] =	ssyncadd.s32 $0xFFFEC000;
	(pc) =	sbr.rel @p0 .LBB2_1-.Ltmp1, $4  }
0x17: {  	[hbm4b:s5+s2] =	stream.linear.scatter [tilespmem:s10], [sflag:$0x2], $0x14000, $0x38;
	[tilespmem:$0x15400] =	vst v63  }
0x18: {  	_ =	swait.ge [sflag:s7], $0x14000  }
0x19: {  	[sflag:s7] =	ssyncset.done $0x0  }
0x1a: {  	[sflag:s7] =	ssyncadd.s32 $0xFFFEC000  }
0x1b: {  	_ =	sfence.sel $0x180000  }
0x1c: {  	[bflag:$0x0] =	sbarrier.arrive $0xFFFF  }
0x1d: {  	p0 =	sne.s32 s0, $0x0;
	_ =	strace $0x90000050  }
0x1e: {  	s0 =	sadd.s32 @!p0 $0x100000, s1;
	[bflag:$0x2] =	sbarrier.arrive $0xFFFF  }
0x1f: {  	[sflag:s0] =	ssyncadd.tile.s32 @!p0 $0x1;
	_ =	shalt  }
.Lfunc_end2:
_tile_overlayer_lowered:
.L_overlay_start_2:
0x20: {  	(tag) =	ssettag $0x2  }
0x21: {  	s0 =	rddreg [dreg:$0x0];
	s2 =	stileid.u32  }
0x22: {  	s1 =	rddreg [dreg:$0x1];
	p0 =	sne.s32 s2, $0x0  }
0x23: {  	s3 =	rddreg [dreg:$0x2];
	[bflag:$0x3] =	sbarrier.arrive $0xFFFF;
	s2 =	simm.s32 @!p0 $0x1C02  }
0x24: {  	[timem:s3], [sflag:s2] =	dma.local @!p0 [hbm:s0], s1  }
0x25: {  	s0 =	simm.s32 @!p0 $0x2  }
0x26: {  	_ =	swait.ge @!p0 [sflag:s0], s1  }
0x27: {  	s1 =	ssub.s32 @!p0 $0x0, s1;
	[sflag:s0] =	ssyncset.done @!p0 $0x0  }
0x28: {  	[sflag:s0] =	ssyncadd.s32 @!p0 s1  }
0x29: {  	[bflag:$0x3] =	sbarrier.arrive $0xFFFF  }
0x2a: {  	_ =	shalt  }

// kernel: kernel.28.cloned.1.call-start
scs
__scs_entry_jumppad:
0x0: {  	(pc) =	sbr.rel $0x88, $3  }
0x1: {  	(tag) =	ssettag $0x0;
	lr =	simm.s32 $0x1  }
0x2: {  	[smem:$0x3F87] =	sst lr;
	_ =	strace $0xD0000000  }
0x3: {  	_ = 	snop  }
0x4: {  	_ = 	snop  }
0x5: {  	_ = 	snop  }
0x6: {  	_ = 	snop  }
0x7: {  	_ = 	snop  }
__scs_overlays_trampoline_lowered:
0x8: {  	[smem:$0x3F96] =	sst s0  }
0x9: {  	[smem:$0x3F97] =	sst s1  }
0xa: {  	[smem:$0x3F98] =	sst s2  }
0xb: {  	[smem:$0x3F99] =	sst s3  }
0xc: {  	[smem:$0x3F9A] =	sst s4  }
0xd: {  	[smem:$0x3F9B] =	sst s5  }
0xe: {  	[smem:$0x3F9C] =	sst s6  }
0xf: {  	[smem:$0x3F9D] =	sst s7  }
0x10: {  	[smem:$0x3F9E] =	sst s8  }
0x11: {  	[smem:$0x3F9F] =	sst s9;
	s0 =	simm.s32 @!p0 $0x0  }
0x12: {  	s1 =	sld [smem:$0x3F85];
	s0 =	simm.s32 @p0 $0x1  }
0x13: {  	[smem:$0x3FA0] =	sst s0;
	s0 =	simm.s32 @!p1 $0x0  }
0x14: {  	s2 =	sld [smem:$0x3F84];
	s0 =	simm.s32 @p1 $0x1  }
0x15: {  	[smem:$0x3FA1] =	sst s0;
	s0 =	simm.s32 @!p2 $0x0  }
0x16: {  	s3 =	sld [smem:$0x3FDB];
	s0 =	simm.s32 @p2 $0x1  }
0x17: {  	s4 =	simm.s32 $0x1BF5;
	[smem:$0x3FA3] =	sst s0  }
0x18: {  	s0 =	sld [smem:$0x3F86];
	_ =	swait.ge [sflag:s4], $0x0  }
0x19: {  	s7 =	sld [smem:$0x3F87]  }
0x1a: {  	s8 =	sadd.s32 $0xFFFFE003, lr  }
0x1b: {  	s9 =	sadd.s32 $0xFFFFFEF7, lr;
	s5 =	simm.s32 $0xFFFFFFFF;
	p2 =	slt.u32 s8, $0xFFFFF086  }
0x1c: {  	p1 =	slt.u32 s9, $0xF7A;
	s5 =	simm.s32 @!p2 $0x0  }
0x1d: {  	s5 =	simm.s32 @p1 $0x1;
	p0 =	seq.s32 s7, s2  }
0x1e: {  	s7 =	smul.u32 @!p0 $0xF7A, s2;
	p2 =	seq.s32 @!p0 s5, $0x0  }
0x1f: {  	s9 =	smul.u32 $0xF7A, s1;
	s8 =	simm.s32 @!p0 $0x1BF5;
	p2 =	por !p2, p0  }
0x20: {  	[sflag:s8] =	ssyncset.s32 @!p0 $0xFFFFF086;
	s6 =	sadd.s32 @!p0 s3, s7;
	s7 =	simm.s32 @!p0 $0x108  }
0x21: {  	s3 =	sadd.s32 s3, s9;
	s6 =	sadd.s32 @!p0 $0x88, s6;
	s7 =	simm.s32 @p2 $0x1082  }
0x22: {  	[simem:s7], [sflag:s8] =	dma.local @!p0 [hbm:s6], $0xF7A  }
0x23: {  	s9 =	sor.u32 $0xD0000000, s2;
	s6 =	simm.s32 $0x108;
	_ =	swait.ge @!p0 [sflag:s8], $0x0  }
0x24: {  	s3 =	sadd.s32 $0x88, s3;
	s6 =	simm.s32 @!p1 $0x1082;
	[sflag:s4] =	ssyncset.s32 $0xFFFFF086  }
0x25: {  	[simem:s6], [sflag:s4] =	dma.local [hbm:s3], $0xF7A  }
0x26: {  	[smem:$0x3F87] =	sst s1;
	(tag) =	ssettag s2;
	_ =	strace s9  }
0x27: {  	s1 =	sld [smem:$0x3F97]  }
0x28: {  	s2 =	sld [smem:$0x3F98]  }
0x29: {  	s4 =	sld [smem:$0x3F9A]  }
0x2a: {  	p0 =	seq.s32 s5, $0x0;
	s5 =	sld [smem:$0x3F9B]  }
0x2b: {  	s6 =	sld [smem:$0x3F9C]  }
0x2c: {  	s7 =	sld [smem:$0x3F9D]  }
0x2d: {  	s3 =	simm.s32 $0x108;
	s8 =	sld [smem:$0x3F9E]  }
0x2e: {  	s3 =	simm.s32 @!p0 $0x1082;
	s9 =	sld [smem:$0x3F9F]  }
0x2f: {  	lr =	sadd.s32 s0, s3;
	s0 =	sld [smem:$0x3F96]  }
0x30: {  	s3 =	sld [smem:$0x3F99]  }
0x31: {  	[smem:$0x3FA2] =	sst s10  }
0x32: {  	s10 =	sld [smem:$0x3FA0];
	_ =	sdelay $0x3  }
0x33: {  	p0 =	seq.s32 s10, $0x1;
	s10 =	sld [smem:$0x3FA2];
	_ =	sdelay $0x3  }
0x34: {  	[smem:$0x3FA2] =	sst s10  }
0x35: {  	s10 =	sld [smem:$0x3FA1];
	_ =	sdelay $0x3  }
0x36: {  	p1 =	seq.s32 s10, $0x1;
	s10 =	sld [smem:$0x3FA2];
	_ =	sdelay $0x3  }
0x37: {  	[smem:$0x3FA2] =	sst s10  }
0x38: {  	s10 =	sld [smem:$0x3FA3]  }
0x39: {  	_ = 	snop;
	(pc) =	sbr.ind lr, $3  }
0x3a: {  	_ = 	snop  }
0x3b: {  	_ = 	snop  }
0x3c: {  	p2 =	seq.s32 s10, $0x1;
	s10 =	sld [smem:$0x3FA2]  }
0x3d: {  	_ =	shalt  }
0x3e: {  	_ =	shalt  }
0x3f: {  	_ =	shalt  }
0x40: {  	_ =	shalt  }
0x41: {  	_ =	shalt  }
0x42: {  	_ =	shalt  }
0x43: {  	_ =	shalt  }
0x44: {  	_ =	shalt  }
0x45: {  	_ =	shalt  }
0x46: {  	_ =	shalt  }
0x47: {  	_ =	shalt  }
0x48: {  	_ =	shalt  }
0x49: {  	_ =	shalt  }
0x4a: {  	_ =	shalt  }
0x4b: {  	_ =	shalt  }
0x4c: {  	_ =	shalt  }
0x4d: {  	_ =	shalt  }
0x4e: {  	_ =	shalt  }
0x4f: {  	_ =	shalt  }
0x50: {  	_ =	shalt  }
0x51: {  	_ =	shalt  }
0x52: {  	_ =	shalt  }
0x53: {  	_ =	shalt  }
0x54: {  	_ =	shalt  }
0x55: {  	_ =	shalt  }
0x56: {  	_ =	shalt  }
0x57: {  	_ =	shalt  }
0x58: {  	_ =	shalt  }
0x59: {  	_ =	shalt  }
0x5a: {  	_ =	shalt  }
0x5b: {  	_ =	shalt  }
0x5c: {  	_ =	shalt  }
0x5d: {  	_ =	shalt  }
0x5e: {  	_ =	shalt  }
0x5f: {  	_ =	shalt  }
0x60: {  	_ =	shalt  }
0x61: {  	_ =	shalt  }
0x62: {  	_ =	shalt  }
0x63: {  	_ =	shalt  }
0x64: {  	_ =	shalt  }
0x65: {  	_ =	shalt  }
0x66: {  	_ =	shalt  }
0x67: {  	_ =	shalt  }
0x68: {  	_ =	shalt  }
0x69: {  	_ =	shalt  }
0x6a: {  	_ =	shalt  }
0x6b: {  	_ =	shalt  }
0x6c: {  	_ =	shalt  }
0x6d: {  	_ =	shalt  }
0x6e: {  	_ =	shalt  }
0x6f: {  	_ =	shalt  }
0x70: {  	_ =	shalt  }
0x71: {  	_ =	shalt  }
0x72: {  	_ =	shalt  }
0x73: {  	_ =	shalt  }
0x74: {  	_ =	shalt  }
0x75: {  	_ =	shalt  }
0x76: {  	_ =	shalt  }
0x77: {  	_ =	shalt  }
0x78: {  	_ =	shalt  }
0x79: {  	_ =	shalt  }
0x7a: {  	_ =	shalt  }
0x7b: {  	_ =	shalt  }
0x7c: {  	_ =	shalt  }
0x7d: {  	_ =	shalt  }
0x7e: {  	_ =	shalt  }
0x7f: {  	_ =	shalt  }
0x80: {  	_ =	shalt  }
0x81: {  	_ =	shalt  }
0x82: {  	_ =	shalt  }
0x83: {  	_ =	shalt  }
0x84: {  	_ =	shalt  }
0x85: {  	_ =	shalt  }
0x86: {  	_ =	shalt  }
0x87: {  	_ =	shalt  }
.Lfunc_end0:
.L_simem_size_0:
called_computation.4_lowered:
.L_overlay_start_0:
0x88: {  	s2 =	sld [smem:$0x3FD9]  }
0x89: {  	s3 =	sld [smem:$0x3FFE];
	_ =	sdelay $0x1  }
0x8a: {  	s1 =	srdreg.scid  }
0x8b: {  	s0 =	sand.u32 $0x1, s1  }
0x8c: {  	s16 =	sshll.u32 s0, $0xA;
	s2 =	sadd.s32 s3, s2  }
0x8d: {  	s2 =	sadd.s32 s2, s16  }
0x8e: {  	[smem:$0x3FAE] =	sst s2  }
0x8f: {  	_ = 	snop  }
0x90: {  	(tm) =	ssettm $0x1  }
0x91: {  	s17 =	sld [smem:$0x3FFB];
	_ =	sdelay $0x3  }
0x92: {  	_ =	strace s17  }
0x93: {  	s2 =	sld [smem:$0x3FFC];
	_ =	sdelay $0x3  }
0x94: {  	_ =	strace s2  }
0x95: {  	s2 =	sld [smem:$0x3FFD];
	_ =	sdelay $0x3  }
0x96: {  	_ =	strace s2  }
0x97: {  	_ =	strace $0x8FFFFFFF  }
0x98: {  	s18 =	sld [smem:$0x3FDB];
	_ =	sdelay $0x1  }
0x99: {  	s19 =	simm.s32 $_scs_section_size  }
0x9a: {  	s4 =	simm.s32 $_size__tile_overlayer_lowered;
	s5 =	simm.s32 $_tile_overlayer_lowered  }
0x9b: {  	s22 =	simm.s32 $0x1BFF;
	s21 =	sshll.u32 s5, $0x1;
	s2 =	sadd.s32 s19, s18  }
0x9c: {  	s6 =	simm.s32 $0x0;
	s20 =	sshll.u32 s4, $0x1;
	s4 =	sadd.s32 s21, s2  }
0x9d: {  	[timem:s6], [sflag:s22] =	dma.local [hbm:s4], s20  }
0x9e: {  	_ =	swait.ge [sflag:s22], s20  }
0x9f: {  	s3 =	ssub.s32 $0x0, s20;
	[sflag:s22] =	ssyncset.done $0x0  }
0xa0: {  	[sflag:s22] =	ssyncadd.s32 s3;
	_ =	sdelay $0x1  }
0xa1: {  	s23 =	simm.s32 $0x1B8B  }
0xa2: {  	_ =	swait.ge [sflag:s23], $0x1  }
0xa3: {  	[sflag:s23] =	ssyncset.done $0x0  }
0xa4: {  	s25 =	simm.s32 $0x1B8E;
	s24 =	sld [smem:$0x3FFE];
	[sflag:s23] =	ssyncadd.s32 $0xFFFFFFFF  }
0xa5: {  	s26 =	simm.s32 $execute0_lowered;
	[smem:$0x3FD2] =	sst s25  }
0xa6: {  	s4 =	sshll.u32 s26, $0x1;
	_ =	strace $0x80000052;
	[dreg:$0x1] =	wrdreg $0xFFFFFFFF  }
0xa7: {  	s28 =	simm.s32 $_size_execute0_lowered;
	s2 =	sadd.s32 s2, s4;
	[dreg:$0x0] =	wrdreg $0x0  }
0xa8: {  	s4 =	sshll.u32 s28, $0x1;
	[dreg:$0x2] =	wrdreg s2  }
0xa9: {  	[dreg:$0x3] =	wrdreg s4  }
0xaa: {  	[dreg:$0x4] =	wrdreg $0xC0  }
0xab: {  	_ =	task [dreg:s6], $0x5FFFF  }
0xac: {  	[dreg:$0x1] =	wrdreg $0xFFFFFFFF  }
0xad: {  	[dreg:$0x0] =	wrdreg $0x60  }
0xae: {  	[dreg:$0x2] =	wrdreg s24  }
0xaf: {  	[dreg:$0x3] =	wrdreg $0x154000  }
0xb0: {  	[dreg:$0x4] =	wrdreg $0x9  }
0xb1: {  	_ =	task.clear_ibuf [dreg:s6], $0x5FFFF;
	_ =	strace $0x90000052  }
0xb2: {  	s29 =	simm.s32 $0x9;
	_ =	strace $0x80000054  }
0xb3: {  	_ =	swait.ge [sflag:s29], $0x1  }
0xb4: {  	[sflag:s29] =	ssyncadd.s32 $0xFFFFFFFF  }
0xb5: {  	_ =	strace $0x90000054  }
0xb6: {  	_ =	sfence  }
0xb7: {  	s30 =	sld [smem:$0x0];
	_ =	sdelay $0x2  }
0xb8: {  	s31 =	sshll.u32 s1, $0xD;
	s1 =	sshrl.u32 s1, $0x2  }
0xb9: {  	s3 =	sand.u32 $0x4000, s31;
	s1 =	sadd.s32 s1, s30  }
0xba: {  	s0 =	sor.u32 s3, s0;
	s1 =	sshll.u32 s1, $0x11  }
0xbb: {  	s0 =	sor.u32 s1, s0  }
0xbc: {  	s0 =	sadd.s32 $0x8F2B, s0  }
0xbd: {  	[sflag:s0] =	ssyncadd.remote.s32 $0x1  }
0xbe: {  	_ =	sfence.sel $0xFFFF  }
0xbf: {  	[dreg:$0x0] =	wrdreg $0xFFFFFFFF;
	(pc) =	sbr.abs _section_cstart, $3  }
0xc0: {  	[dreg:$0x1] =	wrdreg $0xFFFFFFFF  }
0xc1: {  	_ =	task.clear_ibuf [dreg:s6], $0x2FFFF;
	_ =	strace $0x9FFFFFFF  }
0xc2: {  	(tm) =	ssettm $0x7FFFFFFF  }
0xc3: {  	_ =	shalt  }
tec
execute0_lowered:
.L_overlay_start_1:
0x0: {  	(tag) =	ssettag $0x1  }
0x1: {  	s1 =	srdreg.scid;
	s5 =	rddreg [dreg:$0x0]  }
0x2: {  	s0 =	stileid.u32;
	s2 =	rddreg [dreg:$0x1];
	s3 =	simm.s32 $0x0  }
0x3: {  	s4 =	sand.u32 $0x1, s1;
	s28 =	sshll.u32 s0, $0x1;
	s8 =	smul.u32 $0x2800, s0  }
0x4: {  	s13 =	simm.s32 $0x1;
	s1 =	sor.u32 s4, s28;
	s9 =	smul.u32 $0x28000, s4  }
0x5: {  	s14 =	simm.s32 $0x0;
	[smem:$0x7FF] =	sst s3;
	s6 =	smul.u32 $0x2800, s1  }
0x6: {  	s31 =	sshll.u32 s0, $0x6;
	s4 =	ssub.s32 $0x2, s4;
	s7 =	smul.u32 $0x280, s1  }
0x7: {  	s1 =	rddreg [dreg:$0x2];
	_ =	strace $0x80000053;
	s30 =	sshrl.u32 s8, $0x3  }
0x8: {  	s11 =	sshrl.u32 s4, $0x1;
	s12 =	sadd.s32 s8, s2;
	s9 =	sadd.s32 s8, s9  }
0x9: {  	s11 =	ssub.s32 s4, s11;
	s10 =	sadd.s32 s6, s5;
	s9 =	sshrl.u32 s9, $0x3  }
0xa: {  	s29 =	sadd.s32 s7, s5;
	s7 =	sadd.s32 s30, s5;
	s9 =	sadd.s32 s9, s5  }
0xb: {  	s4 =	sadd.s32 $0x64200, s7;
	s5 =	sor.u32 $0x1C02, s31;
	s6 =	sadd.s32 $0x5F200, s29  }
0xc: {  	s7 =	sadd.s32 $0xF000, s10;
	s10 =	sshrl.u32 s12, $0x3;
	s12 =	simm.s32 $0x80  }
0xd: {  	s8 =	sadd.s32 $0x93200, s9;
	s9 =	smax.u32 s11, $0x1;
	s11 =	simm.s32 $0x2  }
.LBB2_1:
0xe: {  	[spmem:s10], [sflag:s5] =	dma.local [hbm:s4], $0x500  }
0xf: {  	_ =	swait.ge [sflag:s11], $0x500  }
0x10: {  	[sflag:s11] =	ssyncset.done $0x0  }
0x11: {  	[sflag:s11] =	ssyncadd.s32 $0xFFFFFB00  }
0x12: {  	[tilespmem:s3], [sflag:$0x2] =	stream.linear.gather [hbm4b:s6+s3], $0x1400, $0x38;
	[tilespmem:$0x17C00] =	vst v63  }
0x13: {  	_ =	swait.ge [sflag:s11], $0x1400  }
0x14: {  	[sflag:s11] =	ssyncset.done $0x0  }
0x15: {  	s15 =	simm.s32 $0x1400;
	[sflag:s11] =	ssyncadd.s32 $0xFFFFEC00  }
0x16: {  	[tilespmem:s15], [sflag:$0x2] =	stream.linear.gather [hbm4b:s7+s3], $0x14000, $0x38;
	[tilespmem:$0x17C00] =	vst v63  }
0x17: {  	_ =	swait.ge [sflag:s11], $0x14000  }
0x18: {  	[sflag:s11] =	ssyncset.done $0x0  }
0x19: {  	s16 =	simm.s32 $0x200;
	[sflag:s11] =	ssyncadd.s32 $0xFFFEC000  }
0x1a: {  	s18 =	simm.s32 $0x0;
	s17 =	simm.s32 $0x1C00;
	[bflag:$0x0] =	sbarrier.arrive $0xFFFF  }
.LBB2_2:
0x1b: {  	[spmem:s2] =	stream.indirect.scatter.add.f32 [tilespmem:s15], [sflag:$0x1], $0x10, s18, s12, $0xb8;
	[tilespmem:$0x17C00] =	vst v63  }
0x1c: {  	s18 =	smov.u32 s16;
	s15 =	smov.u32 s17;
	p0 =	sne.s32 s16, $0x4E00  }
.Ltmp0:
0x1d: {  	s16 =	sadd.s32 $0x200, s16;
	(pc) =	sbr.rel @p0 .LBB2_2-.Ltmp0, $2  }
0x1e: {  	_ =	sdelay $0x2  }
0x1f: {  	s17 =	sadd.s32 $0x800, s17;
	s18 =	sshra.s32 s18, $0x2  }
0x20: {  	[spmem:s2] =	stream.indirect.scatter.add.f32 [tilespmem:s15], [sflag:$0x1], $0x10, s18, s12, $0xb8;
	[tilespmem:$0x17C00] =	vst v63  }
0x21: {  	_ =	swait.ge [sflag:s13], $0x14000  }
0x22: {  	s14 =	sadd.s32 $0x1, s14;
	[sflag:s13] =	ssyncset.done $0x0  }
0x23: {  	p0 =	sne.s32 s14, s9;
	[sflag:s13] =	ssyncadd.s32 $0xFFFEC000  }
.Ltmp1:
0x24: {  	[bflag:$0x0] =	sbarrier.arrive $0xFFFF;
	(pc) =	sbr.rel @p0 .LBB2_1-.Ltmp1, $4  }
0x25: {  	[hbm:s8], [sflag:s5] =	dma.local [spmem:s10], $0x500  }
0x26: {  	_ =	swait.ge [sflag:s11], $0x500  }
0x27: {  	[sflag:s11] =	ssyncset.done $0x0  }
0x28: {  	[sflag:s11] =	ssyncadd.s32 $0xFFFFFB00  }
0x29: {  	_ =	sfence.sel $0x180000  }
0x2a: {  	[bflag:$0x0] =	sbarrier.arrive $0xFFFF  }
0x2b: {  	p0 =	sne.s32 s0, $0x0;
	_ =	strace $0x90000053  }
0x2c: {  	s0 =	sadd.s32 @!p0 $0x100000, s1;
	[bflag:$0x2] =	sbarrier.arrive $0xFFFF  }
0x2d: {  	[sflag:s0] =	ssyncadd.tile.s32 @!p0 $0x1;
	_ =	shalt  }
.Lfunc_end2:
_tile_overlayer_lowered:
.L_overlay_start_2:
0x2e: {  	(tag) =	ssettag $0x2  }
0x2f: {  	s0 =	rddreg [dreg:$0x0];
	s2 =	stileid.u32  }
0x30: {  	s1 =	rddreg [dreg:$0x1];
	p0 =	sne.s32 s2, $0x0  }
0x31: {  	s3 =	rddreg [dreg:$0x2];
	[bflag:$0x3] =	sbarrier.arrive $0xFFFF;
	s2 =	simm.s32 @!p0 $0x1C02  }
0x32: {  	[timem:s3], [sflag:s2] =	dma.local @!p0 [hbm:s0], s1  }
0x33: {  	s0 =	simm.s32 @!p0 $0x2  }
0x34: {  	_ =	swait.ge @!p0 [sflag:s0], s1  }
0x35: {  	s1 =	ssub.s32 @!p0 $0x0, s1;
	[sflag:s0] =	ssyncset.done @!p0 $0x0  }
0x36: {  	[sflag:s0] =	ssyncadd.s32 @!p0 s1  }
0x37: {  	[bflag:$0x3] =	sbarrier.arrive $0xFFFF  }
0x38: {  	_ =	shalt  }

// kernel: kernel.31.cloned.1.call-start
scs
__scs_entry_jumppad:
0x0: {  	(pc) =	sbr.rel $0x88, $3  }
0x1: {  	(tag) =	ssettag $0x0;
	lr =	simm.s32 $0x1  }
0x2: {  	[smem:$0x3F87] =	sst lr;
	_ =	strace $0xD0000000  }
0x3: {  	_ = 	snop  }
0x4: {  	_ = 	snop  }
0x5: {  	_ = 	snop  }
0x6: {  	_ = 	snop  }
0x7: {  	_ = 	snop  }
__scs_overlays_trampoline_lowered:
0x8: {  	[smem:$0x3F96] =	sst s0  }
0x9: {  	[smem:$0x3F97] =	sst s1  }
0xa: {  	[smem:$0x3F98] =	sst s2  }
0xb: {  	[smem:$0x3F99] =	sst s3  }
0xc: {  	[smem:$0x3F9A] =	sst s4  }
0xd: {  	[smem:$0x3F9B] =	sst s5  }
0xe: {  	[smem:$0x3F9C] =	sst s6  }
0xf: {  	[smem:$0x3F9D] =	sst s7  }
0x10: {  	[smem:$0x3F9E] =	sst s8  }
0x11: {  	[smem:$0x3F9F] =	sst s9;
	s0 =	simm.s32 @!p0 $0x0  }
0x12: {  	s1 =	sld [smem:$0x3F85];
	s0 =	simm.s32 @p0 $0x1  }
0x13: {  	[smem:$0x3FA0] =	sst s0;
	s0 =	simm.s32 @!p1 $0x0  }
0x14: {  	s2 =	sld [smem:$0x3F84];
	s0 =	simm.s32 @p1 $0x1  }
0x15: {  	[smem:$0x3FA1] =	sst s0;
	s0 =	simm.s32 @!p2 $0x0  }
0x16: {  	s3 =	sld [smem:$0x3FDB];
	s0 =	simm.s32 @p2 $0x1  }
0x17: {  	s4 =	simm.s32 $0x1BF5;
	[smem:$0x3FA3] =	sst s0  }
0x18: {  	s0 =	sld [smem:$0x3F86];
	_ =	swait.ge [sflag:s4], $0x0  }
0x19: {  	s7 =	sld [smem:$0x3F87]  }
0x1a: {  	s8 =	sadd.s32 $0xFFFFE003, lr  }
0x1b: {  	s9 =	sadd.s32 $0xFFFFFEF7, lr;
	s5 =	simm.s32 $0xFFFFFFFF;
	p2 =	slt.u32 s8, $0xFFFFF086  }
0x1c: {  	p1 =	slt.u32 s9, $0xF7A;
	s5 =	simm.s32 @!p2 $0x0  }
0x1d: {  	s5 =	simm.s32 @p1 $0x1;
	p0 =	seq.s32 s7, s2  }
0x1e: {  	s7 =	smul.u32 @!p0 $0xF7A, s2;
	p2 =	seq.s32 @!p0 s5, $0x0  }
0x1f: {  	s9 =	smul.u32 $0xF7A, s1;
	s8 =	simm.s32 @!p0 $0x1BF5;
	p2 =	por !p2, p0  }
0x20: {  	[sflag:s8] =	ssyncset.s32 @!p0 $0xFFFFF086;
	s6 =	sadd.s32 @!p0 s3, s7;
	s7 =	simm.s32 @!p0 $0x108  }
0x21: {  	s3 =	sadd.s32 s3, s9;
	s6 =	sadd.s32 @!p0 $0x88, s6;
	s7 =	simm.s32 @p2 $0x1082  }
0x22: {  	[simem:s7], [sflag:s8] =	dma.local @!p0 [hbm:s6], $0xF7A  }
0x23: {  	s9 =	sor.u32 $0xD0000000, s2;
	s6 =	simm.s32 $0x108;
	_ =	swait.ge @!p0 [sflag:s8], $0x0  }
0x24: {  	s3 =	sadd.s32 $0x88, s3;
	s6 =	simm.s32 @!p1 $0x1082;
	[sflag:s4] =	ssyncset.s32 $0xFFFFF086  }
0x25: {  	[simem:s6], [sflag:s4] =	dma.local [hbm:s3], $0xF7A  }
0x26: {  	[smem:$0x3F87] =	sst s1;
	(tag) =	ssettag s2;
	_ =	strace s9  }
0x27: {  	s1 =	sld [smem:$0x3F97]  }
0x28: {  	s2 =	sld [smem:$0x3F98]  }
0x29: {  	s4 =	sld [smem:$0x3F9A]  }
0x2a: {  	p0 =	seq.s32 s5, $0x0;
	s5 =	sld [smem:$0x3F9B]  }
0x2b: {  	s6 =	sld [smem:$0x3F9C]  }
0x2c: {  	s7 =	sld [smem:$0x3F9D]  }
0x2d: {  	s3 =	simm.s32 $0x108;
	s8 =	sld [smem:$0x3F9E]  }
0x2e: {  	s3 =	simm.s32 @!p0 $0x1082;
	s9 =	sld [smem:$0x3F9F]  }
0x2f: {  	lr =	sadd.s32 s0, s3;
	s0 =	sld [smem:$0x3F96]  }
0x30: {  	s3 =	sld [smem:$0x3F99]  }
0x31: {  	[smem:$0x3FA2] =	sst s10  }
0x32: {  	s10 =	sld [smem:$0x3FA0];
	_ =	sdelay $0x3  }
0x33: {  	p0 =	seq.s32 s10, $0x1;
	s10 =	sld [smem:$0x3FA2];
	_ =	sdelay $0x3  }
0x34: {  	[smem:$0x3FA2] =	sst s10  }
0x35: {  	s10 =	sld [smem:$0x3FA1];
	_ =	sdelay $0x3  }
0x36: {  	p1 =	seq.s32 s10, $0x1;
	s10 =	sld [smem:$0x3FA2];
	_ =	sdelay $0x3  }
0x37: {  	[smem:$0x3FA2] =	sst s10  }
0x38: {  	s10 =	sld [smem:$0x3FA3]  }
0x39: {  	_ = 	snop;
	(pc) =	sbr.ind lr, $3  }
0x3a: {  	_ = 	snop  }
0x3b: {  	_ = 	snop  }
0x3c: {  	p2 =	seq.s32 s10, $0x1;
	s10 =	sld [smem:$0x3FA2]  }
0x3d: {  	_ =	shalt  }
0x3e: {  	_ =	shalt  }
0x3f: {  	_ =	shalt  }
0x40: {  	_ =	shalt  }
0x41: {  	_ =	shalt  }
0x42: {  	_ =	shalt  }
0x43: {  	_ =	shalt  }
0x44: {  	_ =	shalt  }
0x45: {  	_ =	shalt  }
0x46: {  	_ =	shalt  }
0x47: {  	_ =	shalt  }
0x48: {  	_ =	shalt  }
0x49: {  	_ =	shalt  }
0x4a: {  	_ =	shalt  }
0x4b: {  	_ =	shalt  }
0x4c: {  	_ =	shalt  }
0x4d: {  	_ =	shalt  }
0x4e: {  	_ =	shalt  }
0x4f: {  	_ =	shalt  }
0x50: {  	_ =	shalt  }
0x51: {  	_ =	shalt  }
0x52: {  	_ =	shalt  }
0x53: {  	_ =	shalt  }
0x54: {  	_ =	shalt  }
0x55: {  	_ =	shalt  }
0x56: {  	_ =	shalt  }
0x57: {  	_ =	shalt  }
0x58: {  	_ =	shalt  }
0x59: {  	_ =	shalt  }
0x5a: {  	_ =	shalt  }
0x5b: {  	_ =	shalt  }
0x5c: {  	_ =	shalt  }
0x5d: {  	_ =	shalt  }
0x5e: {  	_ =	shalt  }
0x5f: {  	_ =	shalt  }
0x60: {  	_ =	shalt  }
0x61: {  	_ =	shalt  }
0x62: {  	_ =	shalt  }
0x63: {  	_ =	shalt  }
0x64: {  	_ =	shalt  }
0x65: {  	_ =	shalt  }
0x66: {  	_ =	shalt  }
0x67: {  	_ =	shalt  }
0x68: {  	_ =	shalt  }
0x69: {  	_ =	shalt  }
0x6a: {  	_ =	shalt  }
0x6b: {  	_ =	shalt  }
0x6c: {  	_ =	shalt  }
0x6d: {  	_ =	shalt  }
0x6e: {  	_ =	shalt  }
0x6f: {  	_ =	shalt  }
0x70: {  	_ =	shalt  }
0x71: {  	_ =	shalt  }
0x72: {  	_ =	shalt  }
0x73: {  	_ =	shalt  }
0x74: {  	_ =	shalt  }
0x75: {  	_ =	shalt  }
0x76: {  	_ =	shalt  }
0x77: {  	_ =	shalt  }
0x78: {  	_ =	shalt  }
0x79: {  	_ =	shalt  }
0x7a: {  	_ =	shalt  }
0x7b: {  	_ =	shalt  }
0x7c: {  	_ =	shalt  }
0x7d: {  	_ =	shalt  }
0x7e: {  	_ =	shalt  }
0x7f: {  	_ =	shalt  }
0x80: {  	_ =	shalt  }
0x81: {  	_ =	shalt  }
0x82: {  	_ =	shalt  }
0x83: {  	_ =	shalt  }
0x84: {  	_ =	shalt  }
0x85: {  	_ =	shalt  }
0x86: {  	_ =	shalt  }
0x87: {  	_ =	shalt  }
.Lfunc_end0:
.L_simem_size_0:
called_computation.5_lowered:
.L_overlay_start_0:
0x88: {  	s2 =	sld [smem:$0x3FD9]  }
0x89: {  	s3 =	sld [smem:$0x3FFE];
	_ =	sdelay $0x1  }
0x8a: {  	s1 =	srdreg.scid  }
0x8b: {  	s0 =	sand.u32 $0x1, s1  }
0x8c: {  	s16 =	sshll.u32 s0, $0xA;
	s2 =	sadd.s32 s3, s2  }
0x8d: {  	s2 =	sadd.s32 s2, s16  }
0x8e: {  	[smem:$0x3FAE] =	sst s2  }
0x8f: {  	_ = 	snop  }
0x90: {  	(tm) =	ssettm $0x1  }
0x91: {  	s17 =	sld [smem:$0x3FFB];
	_ =	sdelay $0x3  }
0x92: {  	_ =	strace s17  }
0x93: {  	s2 =	sld [smem:$0x3FFC];
	_ =	sdelay $0x3  }
0x94: {  	_ =	strace s2  }
0x95: {  	s2 =	sld [smem:$0x3FFD];
	_ =	sdelay $0x3  }
0x96: {  	_ =	strace s2  }
0x97: {  	_ =	strace $0x8FFFFFFF  }
0x98: {  	s18 =	sld [smem:$0x3FDB];
	_ =	sdelay $0x1  }
0x99: {  	s19 =	simm.s32 $_scs_section_size  }
0x9a: {  	s4 =	simm.s32 $_size__tile_overlayer_lowered;
	s5 =	simm.s32 $_tile_overlayer_lowered  }
0x9b: {  	s22 =	simm.s32 $0x1BFF;
	s21 =	sshll.u32 s5, $0x1;
	s2 =	sadd.s32 s19, s18  }
0x9c: {  	s6 =	simm.s32 $0x0;
	s20 =	sshll.u32 s4, $0x1;
	s4 =	sadd.s32 s21, s2  }
0x9d: {  	[timem:s6], [sflag:s22] =	dma.local [hbm:s4], s20  }
0x9e: {  	_ =	swait.ge [sflag:s22], s20  }
0x9f: {  	s3 =	ssub.s32 $0x0, s20;
	[sflag:s22] =	ssyncset.done $0x0  }
0xa0: {  	[sflag:s22] =	ssyncadd.s32 s3;
	_ =	sdelay $0x1  }
0xa1: {  	s23 =	simm.s32 $0x1B8B  }
0xa2: {  	_ =	swait.ge [sflag:s23], $0x1  }
0xa3: {  	[sflag:s23] =	ssyncset.done $0x0  }
0xa4: {  	s25 =	simm.s32 $0x1B8E;
	s24 =	sld [smem:$0x3FFE];
	[sflag:s23] =	ssyncadd.s32 $0xFFFFFFFF  }
0xa5: {  	s26 =	simm.s32 $execute0_lowered;
	[smem:$0x3FD2] =	sst s25  }
0xa6: {  	s4 =	sshll.u32 s26, $0x1;
	_ =	strace $0x80000055;
	[dreg:$0x1] =	wrdreg $0xFFFFFFFF  }
0xa7: {  	s28 =	simm.s32 $_size_execute0_lowered;
	s2 =	sadd.s32 s2, s4;
	[dreg:$0x0] =	wrdreg $0x0  }
0xa8: {  	s4 =	sshll.u32 s28, $0x1;
	[dreg:$0x2] =	wrdreg s2  }
0xa9: {  	[dreg:$0x3] =	wrdreg s4  }
0xaa: {  	[dreg:$0x4] =	wrdreg $0xC0  }
0xab: {  	_ =	task [dreg:s6], $0x5FFFF  }
0xac: {  	[dreg:$0x1] =	wrdreg $0xFFFFFFFF  }
0xad: {  	[dreg:$0x0] =	wrdreg $0x60  }
0xae: {  	[dreg:$0x2] =	wrdreg s24  }
0xaf: {  	[dreg:$0x3] =	wrdreg $0x9  }
0xb0: {  	_ =	task.clear_ibuf [dreg:s6], $0x4FFFF;
	_ =	strace $0x90000055  }
0xb1: {  	s29 =	simm.s32 $0x9;
	_ =	strace $0x80000057  }
0xb2: {  	_ =	swait.ge [sflag:s29], $0x1  }
0xb3: {  	[sflag:s29] =	ssyncadd.s32 $0xFFFFFFFF  }
0xb4: {  	_ =	strace $0x90000057  }
0xb5: {  	_ =	sfence  }
0xb6: {  	s30 =	sld [smem:$0x0];
	_ =	sdelay $0x2  }
0xb7: {  	s31 =	sshll.u32 s1, $0xD;
	s1 =	sshrl.u32 s1, $0x2  }
0xb8: {  	s3 =	sand.u32 $0x4000, s31;
	s1 =	sadd.s32 s1, s30  }
0xb9: {  	s0 =	sor.u32 s3, s0;
	s1 =	sshll.u32 s1, $0x11  }
0xba: {  	s0 =	sor.u32 s1, s0  }
0xbb: {  	s0 =	sadd.s32 $0x8F2B, s0  }
0xbc: {  	[sflag:s0] =	ssyncadd.remote.s32 $0x1  }
0xbd: {  	_ =	sfence.sel $0xFFFF  }
0xbe: {  	[dreg:$0x0] =	wrdreg $0xFFFFFFFF;
	(pc) =	sbr.abs _section_cstart, $3  }
0xbf: {  	[dreg:$0x1] =	wrdreg $0xFFFFFFFF  }
0xc0: {  	_ =	task.clear_ibuf [dreg:s6], $0x2FFFF;
	_ =	strace $0x9FFFFFFF  }
0xc1: {  	(tm) =	ssettm $0x7FFFFFFF  }
tec
execute0_lowered:
.L_overlay_start_1:
0x0: {  	(tag) =	ssettag $0x1  }
0x1: {  	s1 =	srdreg.scid;
	s0 =	stileid.u32  }
0x2: {  	s5 =	rddreg [dreg:$0x0];
	s2 =	simm.s32 $0x0;
	s8 =	simm.s32 $0x80  }
0x3: {  	s9 =	simm.s32 $0x1;
	s4 =	sand.u32 $0x1, s1;
	s30 =	sshll.u32 s0, $0x1  }
0x4: {  	s10 =	simm.s32 $0x1400;
	s1 =	rddreg [dreg:$0x1];
	s3 =	sor.u32 s4, s30  }
0x5: {  	s11 =	simm.s32 $0x0;
	[smem:$0x7FF] =	sst s2;
	s6 =	smul.u32 $0x280, s3  }
0x6: {  	_ =	strace $0x80000056;
	s4 =	ssub.s32 $0x2, s4;
	s7 =	smul.u32 $0x2800, s3  }
0x7: {  	s3 =	sadd.s32 $0x5000, s5;
	s31 =	sshrl.u32 s4, $0x1;
	s6 =	sadd.s32 s6, s5  }
0x8: {  	s5 =	sadd.s32 s7, s5;
	s7 =	ssub.s32 s4, s31;
	s4 =	sadd.s32 $0xA000, s6  }
0x9: {  	s5 =	sadd.s32 $0xF000, s5;
	s6 =	smax.u32 s7, $0x1;
	s7 =	simm.s32 $0x2  }
.LBB2_1:
0xa: {  	[tilespmem:s2], [sflag:$0x2] =	stream.linear.gather [hbm4b:s4+s2], $0x1400, $0x38;
	[tilespmem:$0x15400] =	vst v63  }
0xb: {  	_ =	swait.ge [sflag:s7], $0x1400  }
0xc: {  	s12 =	simm.s32 $0x200;
	s15 =	simm.s32 $0x0;
	[sflag:s7] =	ssyncset.done $0x0  }
0xd: {  	s13 =	simm.s32 $0x1C00;
	s14 =	simm.s32 $0x1400;
	[sflag:s7] =	ssyncadd.s32 $0xFFFFEC00  }
.LBB2_2:
0xe: {  	[tilespmem:s14], [sflag:$0x1] =	stream.indirect.gather [hbm4b:s3+s8], $0x10, s15, s8, $0xb8;
	[tilespmem:$0x15400] =	vst v63  }
0xf: {  	s15 =	smov.u32 s12;
	s14 =	smov.u32 s13;
	p0 =	sne.s32 s12, $0x4E00  }
.Ltmp0:
0x10: {  	s12 =	sadd.s32 $0x200, s12;
	(pc) =	sbr.rel @p0 .LBB2_2-.Ltmp0, $2  }
0x11: {  	_ =	sdelay $0x2  }
0x12: {  	s13 =	sadd.s32 $0x800, s13;
	s15 =	sshra.s32 s15, $0x2  }
0x13: {  	[tilespmem:s14], [sflag:$0x1] =	stream.indirect.gather [hbm4b:s3+s8], $0x10, s15, s8, $0xb8;
	[tilespmem:$0x15400] =	vst v63  }
0x14: {  	s11 =	sadd.s32 $0x1, s11;
	_ =	swait.ge [sflag:s9], $0x14000  }
0x15: {  	p0 =	sne.s32 s11, s6;
	[sflag:s9] =	ssyncset.done $0x0  }
.Ltmp1:
0x16: {  	[sflag:s9] =	ssyncadd.s32 $0xFFFEC000;
	(pc) =	sbr.rel @p0 .LBB2_1-.Ltmp1, $4  }
0x17: {  	[hbm4b:s5+s2] =	stream.linear.scatter [tilespmem:s10], [sflag:$0x2], $0x14000, $0x38;
	[tilespmem:$0x15400] =	vst v63  }
0x18: {  	_ =	swait.ge [sflag:s7], $0x14000  }
0x19: {  	[sflag:s7] =	ssyncset.done $0x0  }
0x1a: {  	[sflag:s7] =	ssyncadd.s32 $0xFFFEC000  }
0x1b: {  	_ =	sfence.sel $0x180000  }
0x1c: {  	[bflag:$0x0] =	sbarrier.arrive $0xFFFF  }
0x1d: {  	p0 =	sne.s32 s0, $0x0;
	_ =	strace $0x90000056  }
0x1e: {  	s0 =	sadd.s32 @!p0 $0x100000, s1;
	[bflag:$0x2] =	sbarrier.arrive $0xFFFF  }
0x1f: {  	[sflag:s0] =	ssyncadd.tile.s32 @!p0 $0x1;
	_ =	shalt  }
.Lfunc_end2:
_tile_overlayer_lowered:
.L_overlay_start_2:
0x20: {  	(tag) =	ssettag $0x2  }
0x21: {  	s0 =	rddreg [dreg:$0x0];
	s2 =	stileid.u32  }
0x22: {  	s1 =	rddreg [dreg:$0x1];
	p0 =	sne.s32 s2, $0x0  }
0x23: {  	s3 =	rddreg [dreg:$0x2];
	[bflag:$0x3] =	sbarrier.arrive $0xFFFF;
	s2 =	simm.s32 @!p0 $0x1C02  }
0x24: {  	[timem:s3], [sflag:s2] =	dma.local @!p0 [hbm:s0], s1  }
0x25: {  	s0 =	simm.s32 @!p0 $0x2  }
0x26: {  	_ =	swait.ge @!p0 [sflag:s0], s1  }
0x27: {  	s1 =	ssub.s32 @!p0 $0x0, s1;
	[sflag:s0] =	ssyncset.done @!p0 $0x0  }
0x28: {  	[sflag:s0] =	ssyncadd.s32 @!p0 s1  }
0x29: {  	[bflag:$0x3] =	sbarrier.arrive $0xFFFF  }
0x2a: {  	_ =	shalt  }

// kernel: kernel.34.cloned.1.call-start
scs
__scs_entry_jumppad:
0x0: {  	(pc) =	sbr.rel $0x88, $3  }
0x1: {  	(tag) =	ssettag $0x0;
	lr =	simm.s32 $0x1  }
0x2: {  	[smem:$0x3F87] =	sst lr;
	_ =	strace $0xD0000000  }
0x3: {  	_ = 	snop  }
0x4: {  	_ = 	snop  }
0x5: {  	_ = 	snop  }
0x6: {  	_ = 	snop  }
0x7: {  	_ = 	snop  }
__scs_overlays_trampoline_lowered:
0x8: {  	[smem:$0x3F96] =	sst s0  }
0x9: {  	[smem:$0x3F97] =	sst s1  }
0xa: {  	[smem:$0x3F98] =	sst s2  }
0xb: {  	[smem:$0x3F99] =	sst s3  }
0xc: {  	[smem:$0x3F9A] =	sst s4  }
0xd: {  	[smem:$0x3F9B] =	sst s5  }
0xe: {  	[smem:$0x3F9C] =	sst s6  }
0xf: {  	[smem:$0x3F9D] =	sst s7  }
0x10: {  	[smem:$0x3F9E] =	sst s8  }
0x11: {  	[smem:$0x3F9F] =	sst s9;
	s0 =	simm.s32 @!p0 $0x0  }
0x12: {  	s1 =	sld [smem:$0x3F85];
	s0 =	simm.s32 @p0 $0x1  }
0x13: {  	[smem:$0x3FA0] =	sst s0;
	s0 =	simm.s32 @!p1 $0x0  }
0x14: {  	s2 =	sld [smem:$0x3F84];
	s0 =	simm.s32 @p1 $0x1  }
0x15: {  	[smem:$0x3FA1] =	sst s0;
	s0 =	simm.s32 @!p2 $0x0  }
0x16: {  	s3 =	sld [smem:$0x3FDB];
	s0 =	simm.s32 @p2 $0x1  }
0x17: {  	s4 =	simm.s32 $0x1BF5;
	[smem:$0x3FA3] =	sst s0  }
0x18: {  	s0 =	sld [smem:$0x3F86];
	_ =	swait.ge [sflag:s4], $0x0  }
0x19: {  	s7 =	sld [smem:$0x3F87]  }
0x1a: {  	s8 =	sadd.s32 $0xFFFFE003, lr  }
0x1b: {  	s9 =	sadd.s32 $0xFFFFFEF7, lr;
	s5 =	simm.s32 $0xFFFFFFFF;
	p2 =	slt.u32 s8, $0xFFFFF086  }
0x1c: {  	p1 =	slt.u32 s9, $0xF7A;
	s5 =	simm.s32 @!p2 $0x0  }
0x1d: {  	s5 =	simm.s32 @p1 $0x1;
	p0 =	seq.s32 s7, s2  }
0x1e: {  	s7 =	smul.u32 @!p0 $0xF7A, s2;
	p2 =	seq.s32 @!p0 s5, $0x0  }
0x1f: {  	s9 =	smul.u32 $0xF7A, s1;
	s8 =	simm.s32 @!p0 $0x1BF5;
	p2 =	por !p2, p0  }
0x20: {  	[sflag:s8] =	ssyncset.s32 @!p0 $0xFFFFF086;
	s6 =	sadd.s32 @!p0 s3, s7;
	s7 =	simm.s32 @!p0 $0x108  }
0x21: {  	s3 =	sadd.s32 s3, s9;
	s6 =	sadd.s32 @!p0 $0x88, s6;
	s7 =	simm.s32 @p2 $0x1082  }
0x22: {  	[simem:s7], [sflag:s8] =	dma.local @!p0 [hbm:s6], $0xF7A  }
0x23: {  	s9 =	sor.u32 $0xD0000000, s2;
	s6 =	simm.s32 $0x108;
	_ =	swait.ge @!p0 [sflag:s8], $0x0  }
0x24: {  	s3 =	sadd.s32 $0x88, s3;
	s6 =	simm.s32 @!p1 $0x1082;
	[sflag:s4] =	ssyncset.s32 $0xFFFFF086  }
0x25: {  	[simem:s6], [sflag:s4] =	dma.local [hbm:s3], $0xF7A  }
0x26: {  	[smem:$0x3F87] =	sst s1;
	(tag) =	ssettag s2;
	_ =	strace s9  }
0x27: {  	s1 =	sld [smem:$0x3F97]  }
0x28: {  	s2 =	sld [smem:$0x3F98]  }
0x29: {  	s4 =	sld [smem:$0x3F9A]  }
0x2a: {  	p0 =	seq.s32 s5, $0x0;
	s5 =	sld [smem:$0x3F9B]  }
0x2b: {  	s6 =	sld [smem:$0x3F9C]  }
0x2c: {  	s7 =	sld [smem:$0x3F9D]  }
0x2d: {  	s3 =	simm.s32 $0x108;
	s8 =	sld [smem:$0x3F9E]  }
0x2e: {  	s3 =	simm.s32 @!p0 $0x1082;
	s9 =	sld [smem:$0x3F9F]  }
0x2f: {  	lr =	sadd.s32 s0, s3;
	s0 =	sld [smem:$0x3F96]  }
0x30: {  	s3 =	sld [smem:$0x3F99]  }
0x31: {  	[smem:$0x3FA2] =	sst s10  }
0x32: {  	s10 =	sld [smem:$0x3FA0];
	_ =	sdelay $0x3  }
0x33: {  	p0 =	seq.s32 s10, $0x1;
	s10 =	sld [smem:$0x3FA2];
	_ =	sdelay $0x3  }
0x34: {  	[smem:$0x3FA2] =	sst s10  }
0x35: {  	s10 =	sld [smem:$0x3FA1];
	_ =	sdelay $0x3  }
0x36: {  	p1 =	seq.s32 s10, $0x1;
	s10 =	sld [smem:$0x3FA2];
	_ =	sdelay $0x3  }
0x37: {  	[smem:$0x3FA2] =	sst s10  }
0x38: {  	s10 =	sld [smem:$0x3FA3]  }
0x39: {  	_ = 	snop;
	(pc) =	sbr.ind lr, $3  }
0x3a: {  	_ = 	snop  }
0x3b: {  	_ = 	snop  }
0x3c: {  	p2 =	seq.s32 s10, $0x1;
	s10 =	sld [smem:$0x3FA2]  }
0x3d: {  	_ =	shalt  }
0x3e: {  	_ =	shalt  }
0x3f: {  	_ =	shalt  }
0x40: {  	_ =	shalt  }
0x41: {  	_ =	shalt  }
0x42: {  	_ =	shalt  }
0x43: {  	_ =	shalt  }
0x44: {  	_ =	shalt  }
0x45: {  	_ =	shalt  }
0x46: {  	_ =	shalt  }
0x47: {  	_ =	shalt  }
0x48: {  	_ =	shalt  }
0x49: {  	_ =	shalt  }
0x4a: {  	_ =	shalt  }
0x4b: {  	_ =	shalt  }
0x4c: {  	_ =	shalt  }
0x4d: {  	_ =	shalt  }
0x4e: {  	_ =	shalt  }
0x4f: {  	_ =	shalt  }
0x50: {  	_ =	shalt  }
0x51: {  	_ =	shalt  }
0x52: {  	_ =	shalt  }
0x53: {  	_ =	shalt  }
0x54: {  	_ =	shalt  }
0x55: {  	_ =	shalt  }
0x56: {  	_ =	shalt  }
0x57: {  	_ =	shalt  }
0x58: {  	_ =	shalt  }
0x59: {  	_ =	shalt  }
0x5a: {  	_ =	shalt  }
0x5b: {  	_ =	shalt  }
0x5c: {  	_ =	shalt  }
0x5d: {  	_ =	shalt  }
0x5e: {  	_ =	shalt  }
0x5f: {  	_ =	shalt  }
0x60: {  	_ =	shalt  }
0x61: {  	_ =	shalt  }
0x62: {  	_ =	shalt  }
0x63: {  	_ =	shalt  }
0x64: {  	_ =	shalt  }
0x65: {  	_ =	shalt  }
0x66: {  	_ =	shalt  }
0x67: {  	_ =	shalt  }
0x68: {  	_ =	shalt  }
0x69: {  	_ =	shalt  }
0x6a: {  	_ =	shalt  }
0x6b: {  	_ =	shalt  }
0x6c: {  	_ =	shalt  }
0x6d: {  	_ =	shalt  }
0x6e: {  	_ =	shalt  }
0x6f: {  	_ =	shalt  }
0x70: {  	_ =	shalt  }
0x71: {  	_ =	shalt  }
0x72: {  	_ =	shalt  }
0x73: {  	_ =	shalt  }
0x74: {  	_ =	shalt  }
0x75: {  	_ =	shalt  }
0x76: {  	_ =	shalt  }
0x77: {  	_ =	shalt  }
0x78: {  	_ =	shalt  }
0x79: {  	_ =	shalt  }
0x7a: {  	_ =	shalt  }
0x7b: {  	_ =	shalt  }
0x7c: {  	_ =	shalt  }
0x7d: {  	_ =	shalt  }
0x7e: {  	_ =	shalt  }
0x7f: {  	_ =	shalt  }
0x80: {  	_ =	shalt  }
0x81: {  	_ =	shalt  }
0x82: {  	_ =	shalt  }
0x83: {  	_ =	shalt  }
0x84: {  	_ =	shalt  }
0x85: {  	_ =	shalt  }
0x86: {  	_ =	shalt  }
0x87: {  	_ =	shalt  }
.Lfunc_end0:
.L_simem_size_0:
called_computation.6_lowered:
.L_overlay_start_0:
0x88: {  	s2 =	sld [smem:$0x3FD9]  }
0x89: {  	s3 =	sld [smem:$0x3FFE];
	_ =	sdelay $0x1  }
0x8a: {  	s1 =	srdreg.scid  }
0x8b: {  	s0 =	sand.u32 $0x1, s1  }
0x8c: {  	s16 =	sshll.u32 s0, $0xA;
	s2 =	sadd.s32 s3, s2  }
0x8d: {  	s2 =	sadd.s32 s2, s16  }
0x8e: {  	[smem:$0x3FAE] =	sst s2  }
0x8f: {  	_ = 	snop  }
0x90: {  	(tm) =	ssettm $0x1  }
0x91: {  	s17 =	sld [smem:$0x3FFB];
	_ =	sdelay $0x3  }
0x92: {  	_ =	strace s17  }
0x93: {  	s2 =	sld [smem:$0x3FFC];
	_ =	sdelay $0x3  }
0x94: {  	_ =	strace s2  }
0x95: {  	s2 =	sld [smem:$0x3FFD];
	_ =	sdelay $0x3  }
0x96: {  	_ =	strace s2  }
0x97: {  	_ =	strace $0x8FFFFFFF  }
0x98: {  	s18 =	sld [smem:$0x3FDB];
	_ =	sdelay $0x1  }
0x99: {  	s19 =	simm.s32 $_scs_section_size  }
0x9a: {  	s4 =	simm.s32 $_size__tile_overlayer_lowered;
	s5 =	simm.s32 $_tile_overlayer_lowered  }
0x9b: {  	s22 =	simm.s32 $0x1BFF;
	s21 =	sshll.u32 s5, $0x1;
	s2 =	sadd.s32 s19, s18  }
0x9c: {  	s6 =	simm.s32 $0x0;
	s20 =	sshll.u32 s4, $0x1;
	s4 =	sadd.s32 s21, s2  }
0x9d: {  	[timem:s6], [sflag:s22] =	dma.local [hbm:s4], s20  }
0x9e: {  	_ =	swait.ge [sflag:s22], s20  }
0x9f: {  	s3 =	ssub.s32 $0x0, s20;
	[sflag:s22] =	ssyncset.done $0x0  }
0xa0: {  	[sflag:s22] =	ssyncadd.s32 s3;
	_ =	sdelay $0x1  }
0xa1: {  	s23 =	simm.s32 $0x1B8B  }
0xa2: {  	_ =	swait.ge [sflag:s23], $0x1  }
0xa3: {  	[sflag:s23] =	ssyncset.done $0x0  }
0xa4: {  	s25 =	simm.s32 $0x1B8E;
	s24 =	sld [smem:$0x3FFE];
	[sflag:s23] =	ssyncadd.s32 $0xFFFFFFFF  }
0xa5: {  	s26 =	simm.s32 $execute0_lowered;
	[smem:$0x3FD2] =	sst s25  }
0xa6: {  	s4 =	sshll.u32 s26, $0x1;
	_ =	strace $0x80000058;
	[dreg:$0x1] =	wrdreg $0xFFFFFFFF  }
0xa7: {  	s28 =	simm.s32 $_size_execute0_lowered;
	s2 =	sadd.s32 s2, s4;
	[dreg:$0x0] =	wrdreg $0x0  }
0xa8: {  	s4 =	sshll.u32 s28, $0x1;
	[dreg:$0x2] =	wrdreg s2  }
0xa9: {  	[dreg:$0x3] =	wrdreg s4  }
0xaa: {  	[dreg:$0x4] =	wrdreg $0xC0  }
0xab: {  	_ =	task [dreg:s6], $0x5FFFF  }
0xac: {  	[dreg:$0x1] =	wrdreg $0xFFFFFFFF  }
0xad: {  	[dreg:$0x0] =	wrdreg $0x60  }
0xae: {  	[dreg:$0x2] =	wrdreg s24  }
0xaf: {  	[dreg:$0x3] =	wrdreg $0x154000  }
0xb0: {  	[dreg:$0x4] =	wrdreg $0x9  }
0xb1: {  	_ =	task.clear_ibuf [dreg:s6], $0x5FFFF;
	_ =	strace $0x90000058  }
0xb2: {  	s29 =	simm.s32 $0x9;
	_ =	strace $0x8000005A  }
0xb3: {  	_ =	swait.ge [sflag:s29], $0x1  }
0xb4: {  	[sflag:s29] =	ssyncadd.s32 $0xFFFFFFFF  }
0xb5: {  	_ =	strace $0x9000005A  }
0xb6: {  	_ =	sfence  }
0xb7: {  	s30 =	sld [smem:$0x0];
	_ =	sdelay $0x2  }
0xb8: {  	s31 =	sshll.u32 s1, $0xD;
	s1 =	sshrl.u32 s1, $0x2  }
0xb9: {  	s3 =	sand.u32 $0x4000, s31;
	s1 =	sadd.s32 s1, s30  }
0xba: {  	s0 =	sor.u32 s3, s0;
	s1 =	sshll.u32 s1, $0x11  }
0xbb: {  	s0 =	sor.u32 s1, s0  }
0xbc: {  	s0 =	sadd.s32 $0x8F2B, s0  }
0xbd: {  	[sflag:s0] =	ssyncadd.remote.s32 $0x1  }
0xbe: {  	_ =	sfence.sel $0xFFFF  }
0xbf: {  	[dreg:$0x0] =	wrdreg $0xFFFFFFFF;
	(pc) =	sbr.abs _section_cstart, $3  }
0xc0: {  	[dreg:$0x1] =	wrdreg $0xFFFFFFFF  }
0xc1: {  	_ =	task.clear_ibuf [dreg:s6], $0x2FFFF;
	_ =	strace $0x9FFFFFFF  }
0xc2: {  	(tm) =	ssettm $0x7FFFFFFF  }
0xc3: {  	_ =	shalt  }
tec
execute0_lowered:
.L_overlay_start_1:
0x0: {  	(tag) =	ssettag $0x1  }
0x1: {  	s1 =	srdreg.scid;
	s5 =	rddreg [dreg:$0x0]  }
0x2: {  	s0 =	stileid.u32;
	s2 =	rddreg [dreg:$0x1];
	s3 =	simm.s32 $0x0  }
0x3: {  	s4 =	sand.u32 $0x1, s1;
	s28 =	sshll.u32 s0, $0x1;
	s8 =	smul.u32 $0x2800, s0  }
0x4: {  	s13 =	simm.s32 $0x1;
	s1 =	sor.u32 s4, s28;
	s9 =	smul.u32 $0x28000, s4  }
0x5: {  	s14 =	simm.s32 $0x0;
	[smem:$0x7FF] =	sst s3;
	s6 =	smul.u32 $0x2800, s1  }
0x6: {  	s31 =	sshll.u32 s0, $0x6;
	s4 =	ssub.s32 $0x2, s4;
	s7 =	smul.u32 $0x280, s1  }
0x7: {  	s1 =	rddreg [dreg:$0x2];
	_ =	strace $0x80000059;
	s30 =	sshrl.u32 s8, $0x3  }
0x8: {  	s11 =	sshrl.u32 s4, $0x1;
	s12 =	sadd.s32 s8, s2;
	s9 =	sadd.s32 s8, s9  }
0x9: {  	s11 =	ssub.s32 s4, s11;
	s10 =	sadd.s32 s6, s5;
	s9 =	sshrl.u32 s9, $0x3  }
0xa: {  	s29 =	sadd.s32 s7, s5;
	s7 =	sadd.s32 s30, s5;
	s9 =	sadd.s32 s9, s5  }
0xb: {  	s4 =	sadd.s32 $0x64200, s7;
	s5 =	sor.u32 $0x1C02, s31;
	s6 =	sadd.s32 $0x5F200, s29  }
0xc: {  	s7 =	sadd.s32 $0x5000, s10;
	s10 =	sshrl.u32 s12, $0x3;
	s12 =	simm.s32 $0x80  }
0xd: {  	s8 =	sadd.s32 $0x55000, s9;
	s9 =	smax.u32 s11, $0x1;
	s11 =	simm.s32 $0x2  }
.LBB2_1:
0xe: {  	[spmem:s10], [sflag:s5] =	dma.local [hbm:s4], $0x500  }
0xf: {  	_ =	swait.ge [sflag:s11], $0x500  }
0x10: {  	[sflag:s11] =	ssyncset.done $0x0  }
0x11: {  	[sflag:s11] =	ssyncadd.s32 $0xFFFFFB00  }
0x12: {  	[tilespmem:s3], [sflag:$0x2] =	stream.linear.gather [hbm4b:s6+s3], $0x1400, $0x38;
	[tilespmem:$0x17C00] =	vst v63  }
0x13: {  	_ =	swait.ge [sflag:s11], $0x1400  }
0x14: {  	[sflag:s11] =	ssyncset.done $0x0  }
0x15: {  	s15 =	simm.s32 $0x1400;
	[sflag:s11] =	ssyncadd.s32 $0xFFFFEC00  }
0x16: {  	[tilespmem:s15], [sflag:$0x2] =	stream.linear.gather [hbm4b:s7+s3], $0x14000, $0x38;
	[tilespmem:$0x17C00] =	vst v63  }
0x17: {  	_ =	swait.ge [sflag:s11], $0x14000  }
0x18: {  	[sflag:s11] =	ssyncset.done $0x0  }
0x19: {  	s16 =	simm.s32 $0x200;
	[sflag:s11] =	ssyncadd.s32 $0xFFFEC000  }
0x1a: {  	s18 =	simm.s32 $0x0;
	s17 =	simm.s32 $0x1C00;
	[bflag:$0x0] =	sbarrier.arrive $0xFFFF  }
.LBB2_2:
0x1b: {  	[spmem:s2] =	stream.indirect.scatter.add.f32 [tilespmem:s15], [sflag:$0x1], $0x10, s18, s12, $0xb8;
	[tilespmem:$0x17C00] =	vst v63  }
0x1c: {  	s18 =	smov.u32 s16;
	s15 =	smov.u32 s17;
	p0 =	sne.s32 s16, $0x4E00  }
.Ltmp0:
0x1d: {  	s16 =	sadd.s32 $0x200, s16;
	(pc) =	sbr.rel @p0 .LBB2_2-.Ltmp0, $2  }
0x1e: {  	_ =	sdelay $0x2  }
0x1f: {  	s17 =	sadd.s32 $0x800, s17;
	s18 =	sshra.s32 s18, $0x2  }
0x20: {  	[spmem:s2] =	stream.indirect.scatter.add.f32 [tilespmem:s15], [sflag:$0x1], $0x10, s18, s12, $0xb8;
	[tilespmem:$0x17C00] =	vst v63  }
0x21: {  	_ =	swait.ge [sflag:s13], $0x14000  }
0x22: {  	s14 =	sadd.s32 $0x1, s14;
	[sflag:s13] =	ssyncset.done $0x0  }
0x23: {  	p0 =	sne.s32 s14, s9;
	[sflag:s13] =	ssyncadd.s32 $0xFFFEC000  }
.Ltmp1:
0x24: {  	[bflag:$0x0] =	sbarrier.arrive $0xFFFF;
	(pc) =	sbr.rel @p0 .LBB2_1-.Ltmp1, $4  }
0x25: {  	[hbm:s8], [sflag:s5] =	dma.local [spmem:s10], $0x500  }
0x26: {  	_ =	swait.ge [sflag:s11], $0x500  }
0x27: {  	[sflag:s11] =	ssyncset.done $0x0  }
0x28: {  	[sflag:s11] =	ssyncadd.s32 $0xFFFFFB00  }
0x29: {  	_ =	sfence.sel $0x180000  }
0x2a: {  	[bflag:$0x0] =	sbarrier.arrive $0xFFFF  }
0x2b: {  	p0 =	sne.s32 s0, $0x0;
	_ =	strace $0x90000059  }
0x2c: {  	s0 =	sadd.s32 @!p0 $0x100000, s1;
	[bflag:$0x2] =	sbarrier.arrive $0xFFFF  }
0x2d: {  	[sflag:s0] =	ssyncadd.tile.s32 @!p0 $0x1;
	_ =	shalt  }
.Lfunc_end2:
_tile_overlayer_lowered:
.L_overlay_start_2:
0x2e: {  	(tag) =	ssettag $0x2  }
0x2f: {  	s0 =	rddreg [dreg:$0x0];
	s2 =	stileid.u32  }
0x30: {  	s1 =	rddreg [dreg:$0x1];
	p0 =	sne.s32 s2, $0x0  }
0x31: {  	s3 =	rddreg [dreg:$0x2];
	[bflag:$0x3] =	sbarrier.arrive $0xFFFF;
	s2 =	simm.s32 @!p0 $0x1C02  }
0x32: {  	[timem:s3], [sflag:s2] =	dma.local @!p0 [hbm:s0], s1  }
0x33: {  	s0 =	simm.s32 @!p0 $0x2  }
0x34: {  	_ =	swait.ge @!p0 [sflag:s0], s1  }
0x35: {  	s1 =	ssub.s32 @!p0 $0x0, s1;
	[sflag:s0] =	ssyncset.done @!p0 $0x0  }
0x36: {  	[sflag:s0] =	ssyncadd.s32 @!p0 s1  }
0x37: {  	[bflag:$0x3] =	sbarrier.arrive $0xFFFF  }
0x38: {  	_ =	shalt  }

</sc_bundles>
